<compile_context>
chip_gen: v7x
topology: tpu7x:2x2x1
jax: 0.10.2.dev20260603
libtpu: 0.0.44.dev20260713+nightly
codegen_flags: <defaults>
</compile_context>

<pallas_src>
import functools

import jax
import jax.numpy as jnp
from jax import lax
from jax.experimental import pallas as pl
from jax.experimental.pallas import tpu as pltpu
from jax.experimental.pallas import tpu_sc as plsc

D = 64
IDX_W = 128
CH = 256
GRP = 1024


def _tc_transform(table_t, w):
    v = table_t.shape[1]
    bn = 16384

    def mm(t_ref, we_ref, wo_ref, o_ref):
        def half(w_ref):
            res = lax.dot_general(
                t_ref[...], w_ref[...],
                (((0,), (0,)), ((), ())),
                preferred_element_type=jnp.float32,
            ).astype(jnp.bfloat16)
            return lax.bitcast_convert_type(res, jnp.uint16).astype(
                jnp.uint32)
        packed = half(we_ref) | (half(wo_ref) << 16)
        o_ref[...] = lax.bitcast_convert_type(packed, jnp.int32)

    return pl.pallas_call(
        mm,
        grid=(pl.cdiv(v, bn),),
        in_specs=[
            pl.BlockSpec((D, bn), lambda i: (0, i)),
            pl.BlockSpec((D, D // 2), lambda i: (0, 0)),
            pl.BlockSpec((D, D // 2), lambda i: (0, 0)),
        ],
        out_specs=pl.BlockSpec((bn, D // 2), lambda i: (i, 0)),
        out_shape=jax.ShapeDtypeStruct((v, D // 2), jnp.int32),
    )(table_t, jnp.swapaxes(w, 0, 1)[:, 0::2], jnp.swapaxes(w, 0, 1)[:, 1::2])


def _sc_gather_t(g_table, idx2d, hist, batch):
    n_total = idx2d.shape[0] * IDX_W
    info = plsc.get_sparse_core_info()
    nw = info.num_cores * info.num_subcores
    per_w = n_total // nw
    n_chunks = per_w // CH
    k_streams = CH // IDX_W
    grp_rows = GRP // IDX_W
    chunks_per_grp = GRP // CH
    chunks_per_l = batch // CH
    mesh = plsc.VectorSubcoreMesh(core_axis_name="c", subcore_axis_name="s")

    @functools.partial(
        pl.kernel,
        mesh=mesh,
        out_type=jax.ShapeDtypeStruct((hist, D, batch), jnp.float32),
        compiler_params=pltpu.CompilerParams(
            use_tc_tiling_on_sc=False, needs_layout_passes=False),
        scratch_types=[
            pltpu.VMEM((2, grp_rows, IDX_W), jnp.int32),
            pltpu.VMEM((2, CH, D // 2), jnp.int32),
            pltpu.VMEM((2, D, CH + 1), jnp.float32),
            pltpu.SemaphoreType.DMA,
            pltpu.SemaphoreType.DMA,
            pltpu.SemaphoreType.DMA,
            pltpu.SemaphoreType.DMA,
        ],
    )
    def gather_kernel(g_hbm, idx_hbm, out_hbm, idx_v, rows_v, cols_v,
                      gsa, gsb, wsa, wsb):
        wid = lax.axis_index("s") * info.num_cores + lax.axis_index("c")
        base_c = wid * n_chunks
        lanes = jnp.arange(16, dtype=jnp.int32)

        def stage_idx(j):
            @pl.when(j % chunks_per_grp == 0)
            def _():
                g = (base_c + j) // chunks_per_grp
                row0 = pl.multiple_of(g * grp_rows, grp_rows)
                pltpu.sync_copy(idx_hbm.at[pl.ds(row0, grp_rows)],
                                idx_v.at[g % 2])
            g = (base_c + j) // chunks_per_grp
            return g % 2

        def gather_copies(j, sem):
            slot = ((base_c + j) // chunks_per_grp) % 2
            q = (j % chunks_per_grp) * k_streams
            return [
                pltpu.make_async_copy(
                    g_hbm.at[idx_v.at[slot, q + s]],
                    rows_v.at[j % 2].at[pl.ds(s * IDX_W, IDX_W)],
                    sem,
                )
                for s in range(k_streams)
            ]

        def wb_copy(j, sem):
            c = base_c + j
            l = c // chunks_per_l
            b0 = pl.multiple_of((c % chunks_per_l) * CH, CH)
            return pltpu.make_async_copy(
                cols_v.at[j % 2, :, pl.ds(0, CH)],
                out_hbm.at[l, :, pl.ds(b0, CH)], sem)

        def transpose(j):
            p = j % 2
            pv = jnp.full((16,), p, dtype=jnp.int32)
            lanes2 = lanes * 2

            def trans_b(b8, carry2):
                for bu in range(8):
                    b = b8 * 8 + bu
                    bv = jnp.full((16,), b, dtype=jnp.int32)
                    for k in range(D // 32):
                        vec = plsc.bitcast(
                            rows_v[p, b, pl.ds(k * 16, 16)], jnp.bfloat16)
                        ev, od = plsc.unpack(
                            vec, format=plsc.PackFormat.INTERLEAVED)
                        plsc.store_scatter(
                            cols_v, [pv, lanes2 + (k * 32), bv], ev)
                        plsc.store_scatter(
                            cols_v, [pv, lanes2 + (k * 32 + 1), bv], od)
                return carry2

            lax.fori_loop(0, CH // 8, trans_b, 0)

        stage_idx(0)
        for c_ in gather_copies(0, gsa):
            c_.start()

        def body(jj, carry):
            for par, gsem_n, gsem_p, wsem in (
                    (0, gsb, gsa, wsa), (1, gsa, gsb, wsb)):
                j = jj * 2 + par
                jn = j + 1
                @pl.when(jn < n_chunks)
                def _():
                    stage_idx(jn)
                    for c_ in gather_copies(jn, gsem_n):
                        c_.start()
                for c_ in gather_copies(j, gsem_p):
                    c_.wait()
                @pl.when(j >= 2)
                def _():
                    wb_copy(j - 2, wsem).wait()
                transpose(j)
                wb_copy(j, wsem).start()
            return carry

        lax.fori_loop(0, n_chunks // 2, body, 0)
        wb_copy(n_chunks - 2, wsa).wait()
        wb_copy(n_chunks - 1, wsb).wait()

    return gather_kernel(g_table, idx2d)


def kernel(x, emb_table, fc_w):
    batch, hist = x.shape
    g_table = _tc_transform(jnp.swapaxes(emb_table, 0, 1), fc_w)
    idx2d = jnp.swapaxes(x, 0, 1).reshape(-1, IDX_W).astype(jnp.int32)
    out3 = _sc_gather_t(g_table, idx2d, hist, batch)
    return jnp.transpose(out3, (2, 0, 1))

# --- scband reference (transcript-rebuilt; emitter-appended) ---
"""Pipeline reference for scband-model-31044023615902 (READ-ONLY COPY).

The authoritative reference and input builder live on the scoring server;
editing this copy changes nothing except your own understanding.
"""

import jax, jax.numpy as jnp
import numpy as np

VOCAB = 1000000
EMBED_DIM = 64
OUT_DIM = 64
BATCH = 16384
HIST = 50

def setup_inputs(seed: int = 0) -> dict:
    key = jax.random.key(seed)
    k1, k2, k3 = jax.random.split(key, 3)
    x = jax.random.randint(k1, (BATCH, HIST), 0, VOCAB, dtype=jnp.int64 if jax.config.read('jax_enable_x64') else jnp.int32)
    emb_table = jax.random.normal(k2, (VOCAB, EMBED_DIM), dtype=jnp.float32)
    fc_w = jax.random.normal(k3, (OUT_DIM, EMBED_DIM), dtype=jnp.float32) * (1.0 / np.sqrt(EMBED_DIM))
    return {"x": x, "emb_table": emb_table, "fc_w": fc_w}

def reference(x, emb_table, fc_w):
    # embedding lookup: gather rows from the table
    e = jnp.take(emb_table, x, axis=0)          # [B, L, EMBED_DIM]
    # linear (no bias): y = e @ W^T  (torch Linear weight is [out, in])
    out = e @ fc_w.T                             # [B, L, OUT_DIM]
    return out

if __name__ == "__main__":
    import jax
    _d = setup_inputs()
    print(jax.jit(kernel)(*tuple(_d.values())))

</pallas_src>

<mosaic_0001>
#map = affine_map<(d0, d1) -> (0, 0)>
#map1 = affine_map<(d0, d1) -> (0, 0, 0)>
module attributes {stable_mosaic.version = 14 : i64} {
  func.func @gather_kernel(%arg0: i32, %arg1: i32, %arg2: memref<1000000x32xi32, #tpu.memory_space<hbm>>, %arg3: memref<6400x128xi32, #tpu.memory_space<hbm>>, %arg4: memref<50x64x16384xf32, #tpu.memory_space<hbm>>, %arg5: memref<2x8x128xi32, #tpu.memory_space<vmem>>, %arg6: memref<2x256x32xi32, #tpu.memory_space<vmem>>, %arg7: memref<2x64x257xf32, #tpu.memory_space<vmem>>, %arg8: memref<!tpu.dma_semaphore, #tpu.memory_space<semaphore_mem>>, %arg9: memref<!tpu.dma_semaphore, #tpu.memory_space<semaphore_mem>>, %arg10: memref<!tpu.dma_semaphore, #tpu.memory_space<semaphore_mem>>, %arg11: memref<!tpu.dma_semaphore, #tpu.memory_space<semaphore_mem>>) attributes {dimension_semantics = [#tpu.dimension_semantics<core_parallel>, #tpu.dimension_semantics<subcore_parallel>], iteration_bounds = array<i64: 2, 16>, scalar_prefetch = 0 : i64, scratch_operands = 7 : i64, tpu.core_type = #tpu.core_type<sc_vector_subcore>, window_params = [{transform_indices = #map}, {transform_indices = #map}, {transform_indices = #map1}]} {
    %mul3A = arith.constant 2 : i32
    %mul3A_0 = arith.muli %arg1, %mul3A : i32
    %add3A = arith.addi %mul3A_0, %arg0 : i32
    %mul3A_1 = arith.constant 100 : i32
    %mul3A_2 = arith.muli %add3A, %mul3A_1 : i32
    %iota3A = tpu.iota {dimensions = array<i32: 0>} : vector<16xi32>
    %add3A_3 = arith.constant 0 : i32
    %add3A_4 = arith.addi %mul3A_2, %add3A_3 : i32
    %jit3A = arith.constant 4 : i32
    %div3A = arith.divsi %add3A_4, %jit3A : i32
    %sign3A = arith.constant 0 : i32
    %sign3A_5 = arith.cmpi sgt, %add3A_4, %sign3A : i32
    %sign3A_6 = arith.extui %sign3A_5 : i1 to i32
    %sign3A_7 = arith.constant 0 : i32
    %sign3A_8 = arith.cmpi slt, %add3A_4, %sign3A_7 : i32
    %sign3A_9 = arith.extui %sign3A_8 : i1 to i32
    %sign3A_10 = arith.subi %sign3A_6, %sign3A_9 : i32
    %sign3A_11 = arith.constant 0 : i32
    %sign3A_12 = arith.cmpi sgt, %jit3A, %sign3A_11 : i32
    %sign3A_13 = arith.extui %sign3A_12 : i1 to i32
    %sign3A_14 = arith.constant 0 : i32
    %sign3A_15 = arith.cmpi slt, %jit3A, %sign3A_14 : i32
    %sign3A_16 = arith.extui %sign3A_15 : i1 to i32
    %sign3A_17 = arith.subi %sign3A_13, %sign3A_16 : i32
    %ne3A = arith.cmpi ne, %sign3A_10, %sign3A_17 : i32
    %rem3A = arith.remsi %add3A_4, %jit3A : i32
    %ne3A_18 = arith.constant 0 : i32
    %ne3A_19 = arith.cmpi ne, %rem3A, %ne3A_18 : i32
    %and3A = arith.andi %ne3A, %ne3A_19 : i1
    %sub3A = arith.constant 1 : i32
    %sub3A_20 = arith.subi %div3A, %sub3A : i32
    %select_n3A = arith.select %and3A, %sub3A_20, %div3A : i32
    %mul3A_21 = arith.constant 8 : i32
    %mul3A_22 = arith.muli %select_n3A, %mul3A_21 : i32
    %multiple_of3A = tpu.assume_multiple %mul3A_22, 8 : i32
    %jit3A_23 = arith.constant 2 : i32
    %eq3A = arith.constant 0 : i32
    %eq3A_24 = arith.cmpi eq, %jit3A_23, %eq3A : i32
    %jit3A_25 = arith.constant 1 : i32
    %select_n3A_26 = arith.select %eq3A_24, %jit3A_25, %jit3A_23 : i32
    %rem3A_27 = arith.remsi %select_n3A, %select_n3A_26 : i32
    %ne3A_28 = arith.constant 0 : i32
    %ne3A_29 = arith.cmpi ne, %rem3A_27, %ne3A_28 : i32
    %lt3A = arith.constant 0 : i32
    %lt3A_30 = arith.cmpi slt, %rem3A_27, %lt3A : i32
    %lt3A_31 = arith.constant 0 : i32
    %lt3A_32 = arith.cmpi slt, %select_n3A_26, %lt3A_31 : i32
    %ne3A_33 = arith.xori %lt3A_30, %lt3A_32 : i1
    %and3A_34 = arith.andi %ne3A_33, %ne3A_29 : i1
    %add3A_35 = arith.addi %rem3A_27, %select_n3A_26 : i32
    %select_n3A_36 = arith.select %and3A_34, %add3A_35, %rem3A_27 : i32
    "tpu.region"() ({
      %run_scoped3A = tpu.sem_alloc : memref<!tpu.dma_semaphore, #tpu.memory_space<semaphore_mem>>
      %dma_start3A_274 = arith.constant 0 : i32
      %dma_start3A_275 = arith.constant 0 : i32
      %dma_start3A_276 = tpu.memref_slice %arg5[%select_n3A_36, %dma_start3A_274, %dma_start3A_275] : memref<2x8x128xi32, #tpu.memory_space<vmem>> -> memref<1x8x128xi32, #tpu.memory_space<vmem>>
      %dma_start3A_277 = tpu.memref_squeeze %dma_start3A_276 : memref<1x8x128xi32, #tpu.memory_space<vmem>> -> memref<8x128xi32, #tpu.memory_space<vmem>>
      %dma_start3A_278 = arith.constant 0 : i32
      %dma_start3A_279 = tpu.memref_slice %arg3[%multiple_of3A, %dma_start3A_278] : memref<6400x128xi32, #tpu.memory_space<hbm>> -> memref<8x128xi32, #tpu.memory_space<hbm>>
      %dma_start3A_280 = arith.constant 0 : i32
      %dma_start3A_281 = arith.constant 0 : i32
      %dma_start3A_282 = tpu.memref_slice %arg5[%select_n3A_36, %dma_start3A_280, %dma_start3A_281] : memref<2x8x128xi32, #tpu.memory_space<vmem>> -> memref<1x8x128xi32, #tpu.memory_space<vmem>>
      %dma_start3A_283 = tpu.memref_squeeze %dma_start3A_282 : memref<1x8x128xi32, #tpu.memory_space<vmem>> -> memref<8x128xi32, #tpu.memory_space<vmem>>
      %dma_start3A_284 = arith.constant 0 : i32
      %dma_start3A_285 = tpu.memref_slice %arg3[%multiple_of3A, %dma_start3A_284] : memref<6400x128xi32, #tpu.memory_space<hbm>> -> memref<8x128xi32, #tpu.memory_space<hbm>>
      tpu.enqueue_dma source(%dma_start3A_285 : memref<8x128xi32, #tpu.memory_space<hbm>>) target(%dma_start3A_283 : memref<8x128xi32, #tpu.memory_space<vmem>>) target_semaphore(%run_scoped3A : memref<!tpu.dma_semaphore, #tpu.memory_space<semaphore_mem>>)
      %dma_wait3A_286 = arith.constant 0 : i32
      %dma_wait3A_287 = arith.constant 0 : i32
      %dma_wait3A_288 = tpu.memref_slice %arg5[%select_n3A_36, %dma_wait3A_286, %dma_wait3A_287] : memref<2x8x128xi32, #tpu.memory_space<vmem>> -> memref<1x8x128xi32, #tpu.memory_space<vmem>>
      %dma_wait3A_289 = tpu.memref_squeeze %dma_wait3A_288 : memref<1x8x128xi32, #tpu.memory_space<vmem>> -> memref<8x128xi32, #tpu.memory_space<vmem>>
      %dma_wait3A_290 = arith.constant 0 : i32
      %dma_wait3A_291 = tpu.memref_slice %arg3[%multiple_of3A, %dma_wait3A_290] : memref<6400x128xi32, #tpu.memory_space<hbm>> -> memref<8x128xi32, #tpu.memory_space<hbm>>
      %dma_wait3A_292 = arith.constant 0 : i32
      %dma_wait3A_293 = arith.constant 0 : i32
      %dma_wait3A_294 = tpu.memref_slice %arg5[%select_n3A_36, %dma_wait3A_292, %dma_wait3A_293] : memref<2x8x128xi32, #tpu.memory_space<vmem>> -> memref<1x8x128xi32, #tpu.memory_space<vmem>>
      %dma_wait3A_295 = tpu.memref_squeeze %dma_wait3A_294 : memref<1x8x128xi32, #tpu.memory_space<vmem>> -> memref<8x128xi32, #tpu.memory_space<vmem>>
      %dma_wait3A_296 = arith.constant 0 : i32
      %dma_wait3A_297 = tpu.memref_slice %arg3[%multiple_of3A, %dma_wait3A_296] : memref<6400x128xi32, #tpu.memory_space<hbm>> -> memref<8x128xi32, #tpu.memory_space<hbm>>
      tpu.wait_dma2 semaphore(%run_scoped3A : memref<!tpu.dma_semaphore, #tpu.memory_space<semaphore_mem>>) src(%dma_wait3A_297 : memref<8x128xi32, #tpu.memory_space<hbm>>) dst(%dma_wait3A_295 : memref<8x128xi32, #tpu.memory_space<vmem>>)
      tpu.yield
    }) : () -> ()
    %add3A_37 = arith.constant 0 : i32
    %add3A_38 = arith.addi %mul3A_2, %add3A_37 : i32
    %jit3A_39 = arith.constant 4 : i32
    %div3A_40 = arith.divsi %add3A_38, %jit3A_39 : i32
    %sign3A_41 = arith.constant 0 : i32
    %sign3A_42 = arith.cmpi sgt, %add3A_38, %sign3A_41 : i32
    %sign3A_43 = arith.extui %sign3A_42 : i1 to i32
    %sign3A_44 = arith.constant 0 : i32
    %sign3A_45 = arith.cmpi slt, %add3A_38, %sign3A_44 : i32
    %sign3A_46 = arith.extui %sign3A_45 : i1 to i32
    %sign3A_47 = arith.subi %sign3A_43, %sign3A_46 : i32
    %sign3A_48 = arith.constant 0 : i32
    %sign3A_49 = arith.cmpi sgt, %jit3A_39, %sign3A_48 : i32
    %sign3A_50 = arith.extui %sign3A_49 : i1 to i32
    %sign3A_51 = arith.constant 0 : i32
    %sign3A_52 = arith.cmpi slt, %jit3A_39, %sign3A_51 : i32
    %sign3A_53 = arith.extui %sign3A_52 : i1 to i32
    %sign3A_54 = arith.subi %sign3A_50, %sign3A_53 : i32
    %ne3A_55 = arith.cmpi ne, %sign3A_47, %sign3A_54 : i32
    %rem3A_56 = arith.remsi %add3A_38, %jit3A_39 : i32
    %ne3A_57 = arith.constant 0 : i32
    %ne3A_58 = arith.cmpi ne, %rem3A_56, %ne3A_57 : i32
    %and3A_59 = arith.andi %ne3A_55, %ne3A_58 : i1
    %sub3A_60 = arith.constant 1 : i32
    %sub3A_61 = arith.subi %div3A_40, %sub3A_60 : i32
    %select_n3A_62 = arith.select %and3A_59, %sub3A_61, %div3A_40 : i32
    %jit3A_63 = arith.constant 2 : i32
    %eq3A_64 = arith.constant 0 : i32
    %eq3A_65 = arith.cmpi eq, %jit3A_63, %eq3A_64 : i32
    %jit3A_66 = arith.constant 1 : i32
    %select_n3A_67 = arith.select %eq3A_65, %jit3A_66, %jit3A_63 : i32
    %rem3A_68 = arith.remsi %select_n3A_62, %select_n3A_67 : i32
    %ne3A_69 = arith.constant 0 : i32
    %ne3A_70 = arith.cmpi ne, %rem3A_68, %ne3A_69 : i32
    %lt3A_71 = arith.constant 0 : i32
    %lt3A_72 = arith.cmpi slt, %rem3A_68, %lt3A_71 : i32
    %lt3A_73 = arith.constant 0 : i32
    %lt3A_74 = arith.cmpi slt, %select_n3A_67, %lt3A_73 : i32
    %ne3A_75 = arith.xori %lt3A_72, %lt3A_74 : i1
    %and3A_76 = arith.andi %ne3A_75, %ne3A_70 : i1
    %add3A_77 = arith.addi %rem3A_68, %select_n3A_67 : i32
    %select_n3A_78 = arith.select %and3A_76, %add3A_77, %rem3A_68 : i32
    %add3A_79 = arith.constant 0 : i32
    %add3A_80 = arith.addi %mul3A_2, %add3A_79 : i32
    %jit3A_81 = arith.constant 4 : i32
    %div3A_82 = arith.divsi %add3A_80, %jit3A_81 : i32
    %sign3A_83 = arith.constant 0 : i32
    %sign3A_84 = arith.cmpi sgt, %add3A_80, %sign3A_83 : i32
    %sign3A_85 = arith.extui %sign3A_84 : i1 to i32
    %sign3A_86 = arith.constant 0 : i32
    %sign3A_87 = arith.cmpi slt, %add3A_80, %sign3A_86 : i32
    %sign3A_88 = arith.extui %sign3A_87 : i1 to i32
    %sign3A_89 = arith.subi %sign3A_85, %sign3A_88 : i32
    %sign3A_90 = arith.constant 0 : i32
    %sign3A_91 = arith.cmpi sgt, %jit3A_81, %sign3A_90 : i32
    %sign3A_92 = arith.extui %sign3A_91 : i1 to i32
    %sign3A_93 = arith.constant 0 : i32
    %sign3A_94 = arith.cmpi slt, %jit3A_81, %sign3A_93 : i32
    %sign3A_95 = arith.extui %sign3A_94 : i1 to i32
    %sign3A_96 = arith.subi %sign3A_92, %sign3A_95 : i32
    %ne3A_97 = arith.cmpi ne, %sign3A_89, %sign3A_96 : i32
    %rem3A_98 = arith.remsi %add3A_80, %jit3A_81 : i32
    %ne3A_99 = arith.constant 0 : i32
    %ne3A_100 = arith.cmpi ne, %rem3A_98, %ne3A_99 : i32
    %and3A_101 = arith.andi %ne3A_97, %ne3A_100 : i1
    %sub3A_102 = arith.constant 1 : i32
    %sub3A_103 = arith.subi %div3A_82, %sub3A_102 : i32
    %select_n3A_104 = arith.select %and3A_101, %sub3A_103, %div3A_82 : i32
    %jit3A_105 = arith.constant 2 : i32
    %eq3A_106 = arith.constant 0 : i32
    %eq3A_107 = arith.cmpi eq, %jit3A_105, %eq3A_106 : i32
    %jit3A_108 = arith.constant 1 : i32
    %select_n3A_109 = arith.select %eq3A_107, %jit3A_108, %jit3A_105 : i32
    %rem3A_110 = arith.remsi %select_n3A_104, %select_n3A_109 : i32
    %ne3A_111 = arith.constant 0 : i32
    %ne3A_112 = arith.cmpi ne, %rem3A_110, %ne3A_111 : i32
    %lt3A_113 = arith.constant 0 : i32
    %lt3A_114 = arith.cmpi slt, %rem3A_110, %lt3A_113 : i32
    %lt3A_115 = arith.constant 0 : i32
    %lt3A_116 = arith.cmpi slt, %select_n3A_109, %lt3A_115 : i32
    %ne3A_117 = arith.xori %lt3A_114, %lt3A_116 : i1
    %and3A_118 = arith.andi %ne3A_117, %ne3A_112 : i1
    %add3A_119 = arith.addi %rem3A_110, %select_n3A_109 : i32
    %select_n3A_120 = arith.select %and3A_118, %add3A_119, %rem3A_110 : i32
    %dma_start3A = arith.constant 0 : i32
    %dma_start3A_121 = arith.constant 0 : i32
    %dma_start3A_122 = arith.constant 0 : i32
    %dma_start3A_123 = arith.constant 0 : i32
    %dma_start3A_124 = tpu.memref_slice %arg6[%dma_start3A_121, %dma_start3A_122, %dma_start3A_123] : memref<2x256x32xi32, #tpu.memory_space<vmem>> -> memref<1x256x32xi32, #tpu.memory_space<vmem>>
    %dma_start3A_125 = tpu.memref_squeeze %dma_start3A_124 : memref<1x256x32xi32, #tpu.memory_space<vmem>> -> memref<256x32xi32, #tpu.memory_space<vmem>>
    %dma_start3A_126 = arith.constant 0 : i32
    %dma_start3A_127 = arith.constant 0 : i32
    %dma_start3A_128 = tpu.memref_slice %dma_start3A_125[%dma_start3A_126, %dma_start3A_127] : memref<256x32xi32, #tpu.memory_space<vmem>> -> memref<128x32xi32, #tpu.memory_space<vmem>>
    %dma_start3A_129 = arith.constant 0 : i32
    %dma_start3A_130 = tpu.memref_slice %arg5[%select_n3A_120, %dma_start3A, %dma_start3A_129] : memref<2x8x128xi32, #tpu.memory_space<vmem>> -> memref<1x1x128xi32, #tpu.memory_space<vmem>>
    %dma_start3A_131 = tpu.memref_squeeze %dma_start3A_130 : memref<1x1x128xi32, #tpu.memory_space<vmem>> -> memref<128xi32, #tpu.memory_space<vmem>>
    %dma_start3A_132 = arith.constant 0 : i32
    %dma_start3A_133 = arith.constant 0 : i32
    %dma_start3A_134 = tpu.memref_slice %arg2[%dma_start3A_132, %dma_start3A_133] : memref<1000000x32xi32, #tpu.memory_space<hbm>> -> memref<1000000x32xi32, #tpu.memory_space<hbm>>
    tpu.enqueue_indirect_dma source(%dma_start3A_134 : memref<1000000x32xi32, #tpu.memory_space<hbm>>) target(%dma_start3A_128 : memref<128x32xi32, #tpu.memory_space<vmem>>) offsets(%dma_start3A_131 : memref<128xi32, #tpu.memory_space<vmem>>) semaphore(%arg8 : memref<!tpu.dma_semaphore, #tpu.memory_space<semaphore_mem>>)
    %dma_start3A_135 = arith.constant 1 : i32
    %dma_start3A_136 = arith.constant 0 : i32
    %dma_start3A_137 = arith.constant 0 : i32
    %dma_start3A_138 = arith.constant 0 : i32
    %dma_start3A_139 = tpu.memref_slice %arg6[%dma_start3A_136, %dma_start3A_137, %dma_start3A_138] : memref<2x256x32xi32, #tpu.memory_space<vmem>> -> memref<1x256x32xi32, #tpu.memory_space<vmem>>
    %dma_start3A_140 = tpu.memref_squeeze %dma_start3A_139 : memref<1x256x32xi32, #tpu.memory_space<vmem>> -> memref<256x32xi32, #tpu.memory_space<vmem>>
    %dma_start3A_141 = arith.constant 128 : i32
    %dma_start3A_142 = arith.constant 0 : i32
    %dma_start3A_143 = tpu.memref_slice %dma_start3A_140[%dma_start3A_141, %dma_start3A_142] : memref<256x32xi32, #tpu.memory_space<vmem>> -> memref<128x32xi32, #tpu.memory_space<vmem>>
    %dma_start3A_144 = arith.constant 0 : i32
    %dma_start3A_145 = tpu.memref_slice %arg5[%select_n3A_120, %dma_start3A_135, %dma_start3A_144] : memref<2x8x128xi32, #tpu.memory_space<vmem>> -> memref<1x1x128xi32, #tpu.memory_space<vmem>>
    %dma_start3A_146 = tpu.memref_squeeze %dma_start3A_145 : memref<1x1x128xi32, #tpu.memory_space<vmem>> -> memref<128xi32, #tpu.memory_space<vmem>>
    %dma_start3A_147 = arith.constant 0 : i32
    %dma_start3A_148 = arith.constant 0 : i32
    %dma_start3A_149 = tpu.memref_slice %arg2[%dma_start3A_147, %dma_start3A_148] : memref<1000000x32xi32, #tpu.memory_space<hbm>> -> memref<1000000x32xi32, #tpu.memory_space<hbm>>
    tpu.enqueue_indirect_dma source(%dma_start3A_149 : memref<1000000x32xi32, #tpu.memory_space<hbm>>) target(%dma_start3A_143 : memref<128x32xi32, #tpu.memory_space<vmem>>) offsets(%dma_start3A_146 : memref<128xi32, #tpu.memory_space<vmem>>) semaphore(%arg8 : memref<!tpu.dma_semaphore, #tpu.memory_space<semaphore_mem>>)
    %scan3A = arith.constant 0 : i32
    %scan3A_150 = arith.constant 0 : i32
    %scan3A_151 = arith.constant 50 : i32
    %scan3A_152 = arith.addi %scan3A_150, %scan3A_151 : i32
    %scan3A_153 = arith.constant 1 : i32
    scf.for %scan3A_274 = %scan3A_150 to %scan3A_152 step %scan3A_153  : i32 {
      %mul3A_275 = arith.constant 2 : i32
      %mul3A_276 = arith.muli %scan3A_274, %mul3A_275 : i32
      %add3A_277 = arith.constant 0 : i32
      %add3A_278 = arith.addi %mul3A_276, %add3A_277 : i32
      %add3A_279 = arith.constant 1 : i32
      %add3A_280 = arith.addi %add3A_278, %add3A_279 : i32
      %lt3A_281 = arith.constant 100 : i32
      %lt3A_282 = arith.cmpi slt, %add3A_280, %lt3A_281 : i32
      %convert_element_type3A = arith.extui %lt3A_282 : i1 to i32
      %cond3A = arith.constant 0 : i32
      %cond3A_283 = arith.cmpi ne, %convert_element_type3A, %cond3A : i32
      scf.if %cond3A_283 {
        %jit3A_745 = arith.constant 4 : i32
        %eq3A_746 = arith.constant 0 : i32
        %eq3A_747 = arith.cmpi eq, %jit3A_745, %eq3A_746 : i32
        %jit3A_748 = arith.constant 1 : i32
        %select_n3A_749 = arith.select %eq3A_747, %jit3A_748, %jit3A_745 : i32
        %rem3A_750 = arith.remsi %add3A_280, %select_n3A_749 : i32
        %ne3A_751 = arith.constant 0 : i32
        %ne3A_752 = arith.cmpi ne, %rem3A_750, %ne3A_751 : i32
        %lt3A_753 = arith.constant 0 : i32
        %lt3A_754 = arith.cmpi slt, %rem3A_750, %lt3A_753 : i32
        %lt3A_755 = arith.constant 0 : i32
        %lt3A_756 = arith.cmpi slt, %select_n3A_749, %lt3A_755 : i32
        %ne3A_757 = arith.xori %lt3A_754, %lt3A_756 : i1
        %and3A_758 = arith.andi %ne3A_757, %ne3A_752 : i1
        %add3A_759 = arith.addi %rem3A_750, %select_n3A_749 : i32
        %select_n3A_760 = arith.select %and3A_758, %add3A_759, %rem3A_750 : i32
        %eq3A_761 = arith.constant 0 : i32
        %eq3A_762 = arith.cmpi eq, %select_n3A_760, %eq3A_761 : i32
        %convert_element_type3A_763 = arith.extui %eq3A_762 : i1 to i32
        %cond3A_764 = arith.constant 0 : i32
        %cond3A_765 = arith.cmpi ne, %convert_element_type3A_763, %cond3A_764 : i32
        scf.if %cond3A_765 {
          %add3A_928 = arith.addi %mul3A_2, %add3A_280 : i32
          %jit3A_929 = arith.constant 4 : i32
          %div3A_930 = arith.divsi %add3A_928, %jit3A_929 : i32
          %sign3A_931 = arith.constant 0 : i32
          %sign3A_932 = arith.cmpi sgt, %add3A_928, %sign3A_931 : i32
          %sign3A_933 = arith.extui %sign3A_932 : i1 to i32
          %sign3A_934 = arith.constant 0 : i32
          %sign3A_935 = arith.cmpi slt, %add3A_928, %sign3A_934 : i32
          %sign3A_936 = arith.extui %sign3A_935 : i1 to i32
          %sign3A_937 = arith.subi %sign3A_933, %sign3A_936 : i32
          %sign3A_938 = arith.constant 0 : i32
          %sign3A_939 = arith.cmpi sgt, %jit3A_929, %sign3A_938 : i32
          %sign3A_940 = arith.extui %sign3A_939 : i1 to i32
          %sign3A_941 = arith.constant 0 : i32
          %sign3A_942 = arith.cmpi slt, %jit3A_929, %sign3A_941 : i32
          %sign3A_943 = arith.extui %sign3A_942 : i1 to i32
          %sign3A_944 = arith.subi %sign3A_940, %sign3A_943 : i32
          %ne3A_945 = arith.cmpi ne, %sign3A_937, %sign3A_944 : i32
          %rem3A_946 = arith.remsi %add3A_928, %jit3A_929 : i32
          %ne3A_947 = arith.constant 0 : i32
          %ne3A_948 = arith.cmpi ne, %rem3A_946, %ne3A_947 : i32
          %and3A_949 = arith.andi %ne3A_945, %ne3A_948 : i1
          %sub3A_950 = arith.constant 1 : i32
          %sub3A_951 = arith.subi %div3A_930, %sub3A_950 : i32
          %select_n3A_952 = arith.select %and3A_949, %sub3A_951, %div3A_930 : i32
          %mul3A_953 = arith.constant 8 : i32
          %mul3A_954 = arith.muli %select_n3A_952, %mul3A_953 : i32
          %multiple_of3A_955 = tpu.assume_multiple %mul3A_954, 8 : i32
          %jit3A_956 = arith.constant 2 : i32
          %eq3A_957 = arith.constant 0 : i32
          %eq3A_958 = arith.cmpi eq, %jit3A_956, %eq3A_957 : i32
          %jit3A_959 = arith.constant 1 : i32
          %select_n3A_960 = arith.select %eq3A_958, %jit3A_959, %jit3A_956 : i32
          %rem3A_961 = arith.remsi %select_n3A_952, %select_n3A_960 : i32
          %ne3A_962 = arith.constant 0 : i32
          %ne3A_963 = arith.cmpi ne, %rem3A_961, %ne3A_962 : i32
          %lt3A_964 = arith.constant 0 : i32
          %lt3A_965 = arith.cmpi slt, %rem3A_961, %lt3A_964 : i32
          %lt3A_966 = arith.constant 0 : i32
          %lt3A_967 = arith.cmpi slt, %select_n3A_960, %lt3A_966 : i32
          %ne3A_968 = arith.xori %lt3A_965, %lt3A_967 : i1
          %and3A_969 = arith.andi %ne3A_968, %ne3A_963 : i1
          %add3A_970 = arith.addi %rem3A_961, %select_n3A_960 : i32
          %select_n3A_971 = arith.select %and3A_969, %add3A_970, %rem3A_961 : i32
          "tpu.region"() ({
            %run_scoped3A = tpu.sem_alloc : memref<!tpu.dma_semaphore, #tpu.memory_space<semaphore_mem>>
            %dma_start3A_972 = arith.constant 0 : i32
            %dma_start3A_973 = arith.constant 0 : i32
            %dma_start3A_974 = tpu.memref_slice %arg5[%select_n3A_971, %dma_start3A_972, %dma_start3A_973] : memref<2x8x128xi32, #tpu.memory_space<vmem>> -> memref<1x8x128xi32, #tpu.memory_space<vmem>>
            %dma_start3A_975 = tpu.memref_squeeze %dma_start3A_974 : memref<1x8x128xi32, #tpu.memory_space<vmem>> -> memref<8x128xi32, #tpu.memory_space<vmem>>
            %dma_start3A_976 = arith.constant 0 : i32
            %dma_start3A_977 = tpu.memref_slice %arg3[%multiple_of3A_955, %dma_start3A_976] : memref<6400x128xi32, #tpu.memory_space<hbm>> -> memref<8x128xi32, #tpu.memory_space<hbm>>
            %dma_start3A_978 = arith.constant 0 : i32
            %dma_start3A_979 = arith.constant 0 : i32
            %dma_start3A_980 = tpu.memref_slice %arg5[%select_n3A_971, %dma_start3A_978, %dma_start3A_979] : memref<2x8x128xi32, #tpu.memory_space<vmem>> -> memref<1x8x128xi32, #tpu.memory_space<vmem>>
            %dma_start3A_981 = tpu.memref_squeeze %dma_start3A_980 : memref<1x8x128xi32, #tpu.memory_space<vmem>> -> memref<8x128xi32, #tpu.memory_space<vmem>>
            %dma_start3A_982 = arith.constant 0 : i32
            %dma_start3A_983 = tpu.memref_slice %arg3[%multiple_of3A_955, %dma_start3A_982] : memref<6400x128xi32, #tpu.memory_space<hbm>> -> memref<8x128xi32, #tpu.memory_space<hbm>>
            tpu.enqueue_dma source(%dma_start3A_983 : memref<8x128xi32, #tpu.memory_space<hbm>>) target(%dma_start3A_981 : memref<8x128xi32, #tpu.memory_space<vmem>>) target_semaphore(%run_scoped3A : memref<!tpu.dma_semaphore, #tpu.memory_space<semaphore_mem>>)
            %dma_wait3A_984 = arith.constant 0 : i32
            %dma_wait3A_985 = arith.constant 0 : i32
            %dma_wait3A_986 = tpu.memref_slice %arg5[%select_n3A_971, %dma_wait3A_984, %dma_wait3A_985] : memref<2x8x128xi32, #tpu.memory_space<vmem>> -> memref<1x8x128xi32, #tpu.memory_space<vmem>>
            %dma_wait3A_987 = tpu.memref_squeeze %dma_wait3A_986 : memref<1x8x128xi32, #tpu.memory_space<vmem>> -> memref<8x128xi32, #tpu.memory_space<vmem>>
            %dma_wait3A_988 = arith.constant 0 : i32
            %dma_wait3A_989 = tpu.memref_slice %arg3[%multiple_of3A_955, %dma_wait3A_988] : memref<6400x128xi32, #tpu.memory_space<hbm>> -> memref<8x128xi32, #tpu.memory_space<hbm>>
            %dma_wait3A_990 = arith.constant 0 : i32
            %dma_wait3A_991 = arith.constant 0 : i32
            %dma_wait3A_992 = tpu.memref_slice %arg5[%select_n3A_971, %dma_wait3A_990, %dma_wait3A_991] : memref<2x8x128xi32, #tpu.memory_space<vmem>> -> memref<1x8x128xi32, #tpu.memory_space<vmem>>
            %dma_wait3A_993 = tpu.memref_squeeze %dma_wait3A_992 : memref<1x8x128xi32, #tpu.memory_space<vmem>> -> memref<8x128xi32, #tpu.memory_space<vmem>>
            %dma_wait3A_994 = arith.constant 0 : i32
            %dma_wait3A_995 = tpu.memref_slice %arg3[%multiple_of3A_955, %dma_wait3A_994] : memref<6400x128xi32, #tpu.memory_space<hbm>> -> memref<8x128xi32, #tpu.memory_space<hbm>>
            tpu.wait_dma2 semaphore(%run_scoped3A : memref<!tpu.dma_semaphore, #tpu.memory_space<semaphore_mem>>) src(%dma_wait3A_995 : memref<8x128xi32, #tpu.memory_space<hbm>>) dst(%dma_wait3A_993 : memref<8x128xi32, #tpu.memory_space<vmem>>)
            tpu.yield
          }) : () -> ()
        } else {
        }
        %add3A_766 = arith.addi %mul3A_2, %add3A_280 : i32
        %jit3A_767 = arith.constant 4 : i32
        %div3A_768 = arith.divsi %add3A_766, %jit3A_767 : i32
        %sign3A_769 = arith.constant 0 : i32
        %sign3A_770 = arith.cmpi sgt, %add3A_766, %sign3A_769 : i32
        %sign3A_771 = arith.extui %sign3A_770 : i1 to i32
        %sign3A_772 = arith.constant 0 : i32
        %sign3A_773 = arith.cmpi slt, %add3A_766, %sign3A_772 : i32
        %sign3A_774 = arith.extui %sign3A_773 : i1 to i32
        %sign3A_775 = arith.subi %sign3A_771, %sign3A_774 : i32
        %sign3A_776 = arith.constant 0 : i32
        %sign3A_777 = arith.cmpi sgt, %jit3A_767, %sign3A_776 : i32
        %sign3A_778 = arith.extui %sign3A_777 : i1 to i32
        %sign3A_779 = arith.constant 0 : i32
        %sign3A_780 = arith.cmpi slt, %jit3A_767, %sign3A_779 : i32
        %sign3A_781 = arith.extui %sign3A_780 : i1 to i32
        %sign3A_782 = arith.subi %sign3A_778, %sign3A_781 : i32
        %ne3A_783 = arith.cmpi ne, %sign3A_775, %sign3A_782 : i32
        %rem3A_784 = arith.remsi %add3A_766, %jit3A_767 : i32
        %ne3A_785 = arith.constant 0 : i32
        %ne3A_786 = arith.cmpi ne, %rem3A_784, %ne3A_785 : i32
        %and3A_787 = arith.andi %ne3A_783, %ne3A_786 : i1
        %sub3A_788 = arith.constant 1 : i32
        %sub3A_789 = arith.subi %div3A_768, %sub3A_788 : i32
        %select_n3A_790 = arith.select %and3A_787, %sub3A_789, %div3A_768 : i32
        %jit3A_791 = arith.constant 2 : i32
        %eq3A_792 = arith.constant 0 : i32
        %eq3A_793 = arith.cmpi eq, %jit3A_791, %eq3A_792 : i32
        %jit3A_794 = arith.constant 1 : i32
        %select_n3A_795 = arith.select %eq3A_793, %jit3A_794, %jit3A_791 : i32
        %rem3A_796 = arith.remsi %select_n3A_790, %select_n3A_795 : i32
        %ne3A_797 = arith.constant 0 : i32
        %ne3A_798 = arith.cmpi ne, %rem3A_796, %ne3A_797 : i32
        %lt3A_799 = arith.constant 0 : i32
        %lt3A_800 = arith.cmpi slt, %rem3A_796, %lt3A_799 : i32
        %lt3A_801 = arith.constant 0 : i32
        %lt3A_802 = arith.cmpi slt, %select_n3A_795, %lt3A_801 : i32
        %ne3A_803 = arith.xori %lt3A_800, %lt3A_802 : i1
        %and3A_804 = arith.andi %ne3A_803, %ne3A_798 : i1
        %add3A_805 = arith.addi %rem3A_796, %select_n3A_795 : i32
        %select_n3A_806 = arith.select %and3A_804, %add3A_805, %rem3A_796 : i32
        %add3A_807 = arith.addi %mul3A_2, %add3A_280 : i32
        %jit3A_808 = arith.constant 4 : i32
        %div3A_809 = arith.divsi %add3A_807, %jit3A_808 : i32
        %sign3A_810 = arith.constant 0 : i32
        %sign3A_811 = arith.cmpi sgt, %add3A_807, %sign3A_810 : i32
        %sign3A_812 = arith.extui %sign3A_811 : i1 to i32
        %sign3A_813 = arith.constant 0 : i32
        %sign3A_814 = arith.cmpi slt, %add3A_807, %sign3A_813 : i32
        %sign3A_815 = arith.extui %sign3A_814 : i1 to i32
        %sign3A_816 = arith.subi %sign3A_812, %sign3A_815 : i32
        %sign3A_817 = arith.constant 0 : i32
        %sign3A_818 = arith.cmpi sgt, %jit3A_808, %sign3A_817 : i32
        %sign3A_819 = arith.extui %sign3A_818 : i1 to i32
        %sign3A_820 = arith.constant 0 : i32
        %sign3A_821 = arith.cmpi slt, %jit3A_808, %sign3A_820 : i32
        %sign3A_822 = arith.extui %sign3A_821 : i1 to i32
        %sign3A_823 = arith.subi %sign3A_819, %sign3A_822 : i32
        %ne3A_824 = arith.cmpi ne, %sign3A_816, %sign3A_823 : i32
        %rem3A_825 = arith.remsi %add3A_807, %jit3A_808 : i32
        %ne3A_826 = arith.constant 0 : i32
        %ne3A_827 = arith.cmpi ne, %rem3A_825, %ne3A_826 : i32
        %and3A_828 = arith.andi %ne3A_824, %ne3A_827 : i1
        %sub3A_829 = arith.constant 1 : i32
        %sub3A_830 = arith.subi %div3A_809, %sub3A_829 : i32
        %select_n3A_831 = arith.select %and3A_828, %sub3A_830, %div3A_809 : i32
        %jit3A_832 = arith.constant 2 : i32
        %eq3A_833 = arith.constant 0 : i32
        %eq3A_834 = arith.cmpi eq, %jit3A_832, %eq3A_833 : i32
        %jit3A_835 = arith.constant 1 : i32
        %select_n3A_836 = arith.select %eq3A_834, %jit3A_835, %jit3A_832 : i32
        %rem3A_837 = arith.remsi %select_n3A_831, %select_n3A_836 : i32
        %ne3A_838 = arith.constant 0 : i32
        %ne3A_839 = arith.cmpi ne, %rem3A_837, %ne3A_838 : i32
        %lt3A_840 = arith.constant 0 : i32
        %lt3A_841 = arith.cmpi slt, %rem3A_837, %lt3A_840 : i32
        %lt3A_842 = arith.constant 0 : i32
        %lt3A_843 = arith.cmpi slt, %select_n3A_836, %lt3A_842 : i32
        %ne3A_844 = arith.xori %lt3A_841, %lt3A_843 : i1
        %and3A_845 = arith.andi %ne3A_844, %ne3A_839 : i1
        %add3A_846 = arith.addi %rem3A_837, %select_n3A_836 : i32
        %select_n3A_847 = arith.select %and3A_845, %add3A_846, %rem3A_837 : i32
        %jit3A_848 = arith.constant 4 : i32
        %eq3A_849 = arith.constant 0 : i32
        %eq3A_850 = arith.cmpi eq, %jit3A_848, %eq3A_849 : i32
        %jit3A_851 = arith.constant 1 : i32
        %select_n3A_852 = arith.select %eq3A_850, %jit3A_851, %jit3A_848 : i32
        %rem3A_853 = arith.remsi %add3A_280, %select_n3A_852 : i32
        %ne3A_854 = arith.constant 0 : i32
        %ne3A_855 = arith.cmpi ne, %rem3A_853, %ne3A_854 : i32
        %lt3A_856 = arith.constant 0 : i32
        %lt3A_857 = arith.cmpi slt, %rem3A_853, %lt3A_856 : i32
        %lt3A_858 = arith.constant 0 : i32
        %lt3A_859 = arith.cmpi slt, %select_n3A_852, %lt3A_858 : i32
        %ne3A_860 = arith.xori %lt3A_857, %lt3A_859 : i1
        %and3A_861 = arith.andi %ne3A_860, %ne3A_855 : i1
        %add3A_862 = arith.addi %rem3A_853, %select_n3A_852 : i32
        %select_n3A_863 = arith.select %and3A_861, %add3A_862, %rem3A_853 : i32
        %mul3A_864 = arith.constant 2 : i32
        %mul3A_865 = arith.muli %select_n3A_863, %mul3A_864 : i32
        %add3A_866 = arith.constant 0 : i32
        %add3A_867 = arith.addi %mul3A_865, %add3A_866 : i32
        %jit3A_868 = arith.constant 2 : i32
        %eq3A_869 = arith.constant 0 : i32
        %eq3A_870 = arith.cmpi eq, %jit3A_868, %eq3A_869 : i32
        %jit3A_871 = arith.constant 1 : i32
        %select_n3A_872 = arith.select %eq3A_870, %jit3A_871, %jit3A_868 : i32
        %rem3A_873 = arith.remsi %add3A_280, %select_n3A_872 : i32
        %ne3A_874 = arith.constant 0 : i32
        %ne3A_875 = arith.cmpi ne, %rem3A_873, %ne3A_874 : i32
        %lt3A_876 = arith.constant 0 : i32
        %lt3A_877 = arith.cmpi slt, %rem3A_873, %lt3A_876 : i32
        %lt3A_878 = arith.constant 0 : i32
        %lt3A_879 = arith.cmpi slt, %select_n3A_872, %lt3A_878 : i32
        %ne3A_880 = arith.xori %lt3A_877, %lt3A_879 : i1
        %and3A_881 = arith.andi %ne3A_880, %ne3A_875 : i1
        %add3A_882 = arith.addi %rem3A_873, %select_n3A_872 : i32
        %select_n3A_883 = arith.select %and3A_881, %add3A_882, %rem3A_873 : i32
        %add3A_884 = arith.constant 1 : i32
        %add3A_885 = arith.addi %mul3A_865, %add3A_884 : i32
        %jit3A_886 = arith.constant 2 : i32
        %eq3A_887 = arith.constant 0 : i32
        %eq3A_888 = arith.cmpi eq, %jit3A_886, %eq3A_887 : i32
        %jit3A_889 = arith.constant 1 : i32
        %select_n3A_890 = arith.select %eq3A_888, %jit3A_889, %jit3A_886 : i32
        %rem3A_891 = arith.remsi %add3A_280, %select_n3A_890 : i32
        %ne3A_892 = arith.constant 0 : i32
        %ne3A_893 = arith.cmpi ne, %rem3A_891, %ne3A_892 : i32
        %lt3A_894 = arith.constant 0 : i32
        %lt3A_895 = arith.cmpi slt, %rem3A_891, %lt3A_894 : i32
        %lt3A_896 = arith.constant 0 : i32
        %lt3A_897 = arith.cmpi slt, %select_n3A_890, %lt3A_896 : i32
        %ne3A_898 = arith.xori %lt3A_895, %lt3A_897 : i1
        %and3A_899 = arith.andi %ne3A_898, %ne3A_893 : i1
        %add3A_900 = arith.addi %rem3A_891, %select_n3A_890 : i32
        %select_n3A_901 = arith.select %and3A_899, %add3A_900, %rem3A_891 : i32
        %dma_start3A_902 = arith.constant 0 : i32
        %dma_start3A_903 = arith.constant 0 : i32
        %dma_start3A_904 = tpu.memref_slice %arg6[%select_n3A_883, %dma_start3A_902, %dma_start3A_903] : memref<2x256x32xi32, #tpu.memory_space<vmem>> -> memref<1x256x32xi32, #tpu.memory_space<vmem>>
        %dma_start3A_905 = tpu.memref_squeeze %dma_start3A_904 : memref<1x256x32xi32, #tpu.memory_space<vmem>> -> memref<256x32xi32, #tpu.memory_space<vmem>>
        %dma_start3A_906 = arith.constant 0 : i32
        %dma_start3A_907 = arith.constant 0 : i32
        %dma_start3A_908 = tpu.memref_slice %dma_start3A_905[%dma_start3A_906, %dma_start3A_907] : memref<256x32xi32, #tpu.memory_space<vmem>> -> memref<128x32xi32, #tpu.memory_space<vmem>>
        %dma_start3A_909 = arith.constant 0 : i32
        %dma_start3A_910 = tpu.memref_slice %arg5[%select_n3A_847, %add3A_867, %dma_start3A_909] : memref<2x8x128xi32, #tpu.memory_space<vmem>> -> memref<1x1x128xi32, #tpu.memory_space<vmem>>
        %dma_start3A_911 = tpu.memref_squeeze %dma_start3A_910 : memref<1x1x128xi32, #tpu.memory_space<vmem>> -> memref<128xi32, #tpu.memory_space<vmem>>
        %dma_start3A_912 = arith.constant 0 : i32
        %dma_start3A_913 = arith.constant 0 : i32
        %dma_start3A_914 = tpu.memref_slice %arg2[%dma_start3A_912, %dma_start3A_913] : memref<1000000x32xi32, #tpu.memory_space<hbm>> -> memref<1000000x32xi32, #tpu.memory_space<hbm>>
        tpu.enqueue_indirect_dma source(%dma_start3A_914 : memref<1000000x32xi32, #tpu.memory_space<hbm>>) target(%dma_start3A_908 : memref<128x32xi32, #tpu.memory_space<vmem>>) offsets(%dma_start3A_911 : memref<128xi32, #tpu.memory_space<vmem>>) semaphore(%arg9 : memref<!tpu.dma_semaphore, #tpu.memory_space<semaphore_mem>>)
        %dma_start3A_915 = arith.constant 0 : i32
        %dma_start3A_916 = arith.constant 0 : i32
        %dma_start3A_917 = tpu.memref_slice %arg6[%select_n3A_901, %dma_start3A_915, %dma_start3A_916] : memref<2x256x32xi32, #tpu.memory_space<vmem>> -> memref<1x256x32xi32, #tpu.memory_space<vmem>>
        %dma_start3A_918 = tpu.memref_squeeze %dma_start3A_917 : memref<1x256x32xi32, #tpu.memory_space<vmem>> -> memref<256x32xi32, #tpu.memory_space<vmem>>
        %dma_start3A_919 = arith.constant 128 : i32
        %dma_start3A_920 = arith.constant 0 : i32
        %dma_start3A_921 = tpu.memref_slice %dma_start3A_918[%dma_start3A_919, %dma_start3A_920] : memref<256x32xi32, #tpu.memory_space<vmem>> -> memref<128x32xi32, #tpu.memory_space<vmem>>
        %dma_start3A_922 = arith.constant 0 : i32
        %dma_start3A_923 = tpu.memref_slice %arg5[%select_n3A_847, %add3A_885, %dma_start3A_922] : memref<2x8x128xi32, #tpu.memory_space<vmem>> -> memref<1x1x128xi32, #tpu.memory_space<vmem>>
        %dma_start3A_924 = tpu.memref_squeeze %dma_start3A_923 : memref<1x1x128xi32, #tpu.memory_space<vmem>> -> memref<128xi32, #tpu.memory_space<vmem>>
        %dma_start3A_925 = arith.constant 0 : i32
        %dma_start3A_926 = arith.constant 0 : i32
        %dma_start3A_927 = tpu.memref_slice %arg2[%dma_start3A_925, %dma_start3A_926] : memref<1000000x32xi32, #tpu.memory_space<hbm>> -> memref<1000000x32xi32, #tpu.memory_space<hbm>>
        tpu.enqueue_indirect_dma source(%dma_start3A_927 : memref<1000000x32xi32, #tpu.memory_space<hbm>>) target(%dma_start3A_921 : memref<128x32xi32, #tpu.memory_space<vmem>>) offsets(%dma_start3A_924 : memref<128xi32, #tpu.memory_space<vmem>>) semaphore(%arg9 : memref<!tpu.dma_semaphore, #tpu.memory_space<semaphore_mem>>)
      } else {
      }
      %add3A_284 = arith.addi %mul3A_2, %add3A_278 : i32
      %jit3A_285 = arith.constant 4 : i32
      %div3A_286 = arith.divsi %add3A_284, %jit3A_285 : i32
      %sign3A_287 = arith.constant 0 : i32
      %sign3A_288 = arith.cmpi sgt, %add3A_284, %sign3A_287 : i32
      %sign3A_289 = arith.extui %sign3A_288 : i1 to i32
      %sign3A_290 = arith.constant 0 : i32
      %sign3A_291 = arith.cmpi slt, %add3A_284, %sign3A_290 : i32
      %sign3A_292 = arith.extui %sign3A_291 : i1 to i32
      %sign3A_293 = arith.subi %sign3A_289, %sign3A_292 : i32
      %sign3A_294 = arith.constant 0 : i32
      %sign3A_295 = arith.cmpi sgt, %jit3A_285, %sign3A_294 : i32
      %sign3A_296 = arith.extui %sign3A_295 : i1 to i32
      %sign3A_297 = arith.constant 0 : i32
      %sign3A_298 = arith.cmpi slt, %jit3A_285, %sign3A_297 : i32
      %sign3A_299 = arith.extui %sign3A_298 : i1 to i32
      %sign3A_300 = arith.subi %sign3A_296, %sign3A_299 : i32
      %ne3A_301 = arith.cmpi ne, %sign3A_293, %sign3A_300 : i32
      %rem3A_302 = arith.remsi %add3A_284, %jit3A_285 : i32
      %ne3A_303 = arith.constant 0 : i32
      %ne3A_304 = arith.cmpi ne, %rem3A_302, %ne3A_303 : i32
      %and3A_305 = arith.andi %ne3A_301, %ne3A_304 : i1
      %sub3A_306 = arith.constant 1 : i32
      %sub3A_307 = arith.subi %div3A_286, %sub3A_306 : i32
      %select_n3A_308 = arith.select %and3A_305, %sub3A_307, %div3A_286 : i32
      %jit3A_309 = arith.constant 2 : i32
      %eq3A_310 = arith.constant 0 : i32
      %eq3A_311 = arith.cmpi eq, %jit3A_309, %eq3A_310 : i32
      %jit3A_312 = arith.constant 1 : i32
      %select_n3A_313 = arith.select %eq3A_311, %jit3A_312, %jit3A_309 : i32
      %rem3A_314 = arith.remsi %select_n3A_308, %select_n3A_313 : i32
      %ne3A_315 = arith.constant 0 : i32
      %ne3A_316 = arith.cmpi ne, %rem3A_314, %ne3A_315 : i32
      %lt3A_317 = arith.constant 0 : i32
      %lt3A_318 = arith.cmpi slt, %rem3A_314, %lt3A_317 : i32
      %lt3A_319 = arith.constant 0 : i32
      %lt3A_320 = arith.cmpi slt, %select_n3A_313, %lt3A_319 : i32
      %ne3A_321 = arith.xori %lt3A_318, %lt3A_320 : i1
      %and3A_322 = arith.andi %ne3A_321, %ne3A_316 : i1
      %add3A_323 = arith.addi %rem3A_314, %select_n3A_313 : i32
      %select_n3A_324 = arith.select %and3A_322, %add3A_323, %rem3A_314 : i32
      %jit3A_325 = arith.constant 4 : i32
      %eq3A_326 = arith.constant 0 : i32
      %eq3A_327 = arith.cmpi eq, %jit3A_325, %eq3A_326 : i32
      %jit3A_328 = arith.constant 1 : i32
      %select_n3A_329 = arith.select %eq3A_327, %jit3A_328, %jit3A_325 : i32
      %rem3A_330 = arith.remsi %add3A_278, %select_n3A_329 : i32
      %ne3A_331 = arith.constant 0 : i32
      %ne3A_332 = arith.cmpi ne, %rem3A_330, %ne3A_331 : i32
      %lt3A_333 = arith.constant 0 : i32
      %lt3A_334 = arith.cmpi slt, %rem3A_330, %lt3A_333 : i32
      %lt3A_335 = arith.constant 0 : i32
      %lt3A_336 = arith.cmpi slt, %select_n3A_329, %lt3A_335 : i32
      %ne3A_337 = arith.xori %lt3A_334, %lt3A_336 : i1
      %and3A_338 = arith.andi %ne3A_337, %ne3A_332 : i1
      %add3A_339 = arith.addi %rem3A_330, %select_n3A_329 : i32
      %select_n3A_340 = arith.select %and3A_338, %add3A_339, %rem3A_330 : i32
      %mul3A_341 = arith.constant 2 : i32
      %mul3A_342 = arith.muli %select_n3A_340, %mul3A_341 : i32
      %add3A_343 = arith.constant 0 : i32
      %add3A_344 = arith.addi %mul3A_342, %add3A_343 : i32
      %jit3A_345 = arith.constant 2 : i32
      %eq3A_346 = arith.constant 0 : i32
      %eq3A_347 = arith.cmpi eq, %jit3A_345, %eq3A_346 : i32
      %jit3A_348 = arith.constant 1 : i32
      %select_n3A_349 = arith.select %eq3A_347, %jit3A_348, %jit3A_345 : i32
      %rem3A_350 = arith.remsi %add3A_278, %select_n3A_349 : i32
      %ne3A_351 = arith.constant 0 : i32
      %ne3A_352 = arith.cmpi ne, %rem3A_350, %ne3A_351 : i32
      %lt3A_353 = arith.constant 0 : i32
      %lt3A_354 = arith.cmpi slt, %rem3A_350, %lt3A_353 : i32
      %lt3A_355 = arith.constant 0 : i32
      %lt3A_356 = arith.cmpi slt, %select_n3A_349, %lt3A_355 : i32
      %ne3A_357 = arith.xori %lt3A_354, %lt3A_356 : i1
      %and3A_358 = arith.andi %ne3A_357, %ne3A_352 : i1
      %add3A_359 = arith.addi %rem3A_350, %select_n3A_349 : i32
      %select_n3A_360 = arith.select %and3A_358, %add3A_359, %rem3A_350 : i32
      %add3A_361 = arith.constant 1 : i32
      %add3A_362 = arith.addi %mul3A_342, %add3A_361 : i32
      %jit3A_363 = arith.constant 2 : i32
      %eq3A_364 = arith.constant 0 : i32
      %eq3A_365 = arith.cmpi eq, %jit3A_363, %eq3A_364 : i32
      %jit3A_366 = arith.constant 1 : i32
      %select_n3A_367 = arith.select %eq3A_365, %jit3A_366, %jit3A_363 : i32
      %rem3A_368 = arith.remsi %add3A_278, %select_n3A_367 : i32
      %ne3A_369 = arith.constant 0 : i32
      %ne3A_370 = arith.cmpi ne, %rem3A_368, %ne3A_369 : i32
      %lt3A_371 = arith.constant 0 : i32
      %lt3A_372 = arith.cmpi slt, %rem3A_368, %lt3A_371 : i32
      %lt3A_373 = arith.constant 0 : i32
      %lt3A_374 = arith.cmpi slt, %select_n3A_367, %lt3A_373 : i32
      %ne3A_375 = arith.xori %lt3A_372, %lt3A_374 : i1
      %and3A_376 = arith.andi %ne3A_375, %ne3A_370 : i1
      %add3A_377 = arith.addi %rem3A_368, %select_n3A_367 : i32
      %select_n3A_378 = arith.select %and3A_376, %add3A_377, %rem3A_368 : i32
      %dma_wait3A_379 = arith.constant 0 : i32
      %dma_wait3A_380 = arith.constant 0 : i32
      %dma_wait3A_381 = tpu.memref_slice %arg6[%select_n3A_360, %dma_wait3A_379, %dma_wait3A_380] : memref<2x256x32xi32, #tpu.memory_space<vmem>> -> memref<1x256x32xi32, #tpu.memory_space<vmem>>
      %dma_wait3A_382 = tpu.memref_squeeze %dma_wait3A_381 : memref<1x256x32xi32, #tpu.memory_space<vmem>> -> memref<256x32xi32, #tpu.memory_space<vmem>>
      %dma_wait3A_383 = arith.constant 0 : i32
      %dma_wait3A_384 = arith.constant 0 : i32
      %dma_wait3A_385 = tpu.memref_slice %dma_wait3A_382[%dma_wait3A_383, %dma_wait3A_384] : memref<256x32xi32, #tpu.memory_space<vmem>> -> memref<128x32xi32, #tpu.memory_space<vmem>>
      %dma_wait3A_386 = arith.constant 0 : i32
      %dma_wait3A_387 = tpu.memref_slice %arg5[%select_n3A_324, %add3A_344, %dma_wait3A_386] : memref<2x8x128xi32, #tpu.memory_space<vmem>> -> memref<1x1x128xi32, #tpu.memory_space<vmem>>
      %dma_wait3A_388 = tpu.memref_squeeze %dma_wait3A_387 : memref<1x1x128xi32, #tpu.memory_space<vmem>> -> memref<128xi32, #tpu.memory_space<vmem>>
      %dma_wait3A_389 = arith.constant 0 : i32
      %dma_wait3A_390 = arith.constant 0 : i32
      %dma_wait3A_391 = tpu.memref_slice %arg2[%dma_wait3A_389, %dma_wait3A_390] : memref<1000000x32xi32, #tpu.memory_space<hbm>> -> memref<1000000x32xi32, #tpu.memory_space<hbm>>
      tpu.wait_indirect_dma semaphore(%arg8 : memref<!tpu.dma_semaphore, #tpu.memory_space<semaphore_mem>>) src(%dma_wait3A_391 : memref<1000000x32xi32, #tpu.memory_space<hbm>>) dst(%dma_wait3A_385 : memref<128x32xi32, #tpu.memory_space<vmem>>)
      %dma_wait3A_392 = arith.constant 0 : i32
      %dma_wait3A_393 = arith.constant 0 : i32
      %dma_wait3A_394 = tpu.memref_slice %arg6[%select_n3A_378, %dma_wait3A_392, %dma_wait3A_393] : memref<2x256x32xi32, #tpu.memory_space<vmem>> -> memref<1x256x32xi32, #tpu.memory_space<vmem>>
      %dma_wait3A_395 = tpu.memref_squeeze %dma_wait3A_394 : memref<1x256x32xi32, #tpu.memory_space<vmem>> -> memref<256x32xi32, #tpu.memory_space<vmem>>
      %dma_wait3A_396 = arith.constant 128 : i32
      %dma_wait3A_397 = arith.constant 0 : i32
      %dma_wait3A_398 = tpu.memref_slice %dma_wait3A_395[%dma_wait3A_396, %dma_wait3A_397] : memref<256x32xi32, #tpu.memory_space<vmem>> -> memref<128x32xi32, #tpu.memory_space<vmem>>
      %dma_wait3A_399 = arith.constant 0 : i32
      %dma_wait3A_400 = tpu.memref_slice %arg5[%select_n3A_324, %add3A_362, %dma_wait3A_399] : memref<2x8x128xi32, #tpu.memory_space<vmem>> -> memref<1x1x128xi32, #tpu.memory_space<vmem>>
      %dma_wait3A_401 = tpu.memref_squeeze %dma_wait3A_400 : memref<1x1x128xi32, #tpu.memory_space<vmem>> -> memref<128xi32, #tpu.memory_space<vmem>>
      %dma_wait3A_402 = arith.constant 0 : i32
      %dma_wait3A_403 = arith.constant 0 : i32
      %dma_wait3A_404 = tpu.memref_slice %arg2[%dma_wait3A_402, %dma_wait3A_403] : memref<1000000x32xi32, #tpu.memory_space<hbm>> -> memref<1000000x32xi32, #tpu.memory_space<hbm>>
      tpu.wait_indirect_dma semaphore(%arg8 : memref<!tpu.dma_semaphore, #tpu.memory_space<semaphore_mem>>) src(%dma_wait3A_404 : memref<1000000x32xi32, #tpu.memory_space<hbm>>) dst(%dma_wait3A_398 : memref<128x32xi32, #tpu.memory_space<vmem>>)
      %ge3A = arith.constant 2 : i32
      %ge3A_405 = arith.cmpi sge, %add3A_278, %ge3A : i32
      %convert_element_type3A_406 = arith.extui %ge3A_405 : i1 to i32
      %cond3A_407 = arith.constant 0 : i32
      %cond3A_408 = arith.cmpi ne, %convert_element_type3A_406, %cond3A_407 : i32
      scf.if %cond3A_408 {
        %sub3A_745 = arith.constant 2 : i32
        %sub3A_746 = arith.subi %add3A_278, %sub3A_745 : i32
        %add3A_747 = arith.addi %mul3A_2, %sub3A_746 : i32
        %jit3A_748 = arith.constant 64 : i32
        %div3A_749 = arith.divsi %add3A_747, %jit3A_748 : i32
        %sign3A_750 = arith.constant 0 : i32
        %sign3A_751 = arith.cmpi sgt, %add3A_747, %sign3A_750 : i32
        %sign3A_752 = arith.extui %sign3A_751 : i1 to i32
        %sign3A_753 = arith.constant 0 : i32
        %sign3A_754 = arith.cmpi slt, %add3A_747, %sign3A_753 : i32
        %sign3A_755 = arith.extui %sign3A_754 : i1 to i32
        %sign3A_756 = arith.subi %sign3A_752, %sign3A_755 : i32
        %sign3A_757 = arith.constant 0 : i32
        %sign3A_758 = arith.cmpi sgt, %jit3A_748, %sign3A_757 : i32
        %sign3A_759 = arith.extui %sign3A_758 : i1 to i32
        %sign3A_760 = arith.constant 0 : i32
        %sign3A_761 = arith.cmpi slt, %jit3A_748, %sign3A_760 : i32
        %sign3A_762 = arith.extui %sign3A_761 : i1 to i32
        %sign3A_763 = arith.subi %sign3A_759, %sign3A_762 : i32
        %ne3A_764 = arith.cmpi ne, %sign3A_756, %sign3A_763 : i32
        %rem3A_765 = arith.remsi %add3A_747, %jit3A_748 : i32
        %ne3A_766 = arith.constant 0 : i32
        %ne3A_767 = arith.cmpi ne, %rem3A_765, %ne3A_766 : i32
        %and3A_768 = arith.andi %ne3A_764, %ne3A_767 : i1
        %sub3A_769 = arith.constant 1 : i32
        %sub3A_770 = arith.subi %div3A_749, %sub3A_769 : i32
        %select_n3A_771 = arith.select %and3A_768, %sub3A_770, %div3A_749 : i32
        %jit3A_772 = arith.constant 64 : i32
        %eq3A_773 = arith.constant 0 : i32
        %eq3A_774 = arith.cmpi eq, %jit3A_772, %eq3A_773 : i32
        %jit3A_775 = arith.constant 1 : i32
        %select_n3A_776 = arith.select %eq3A_774, %jit3A_775, %jit3A_772 : i32
        %rem3A_777 = arith.remsi %add3A_747, %select_n3A_776 : i32
        %ne3A_778 = arith.constant 0 : i32
        %ne3A_779 = arith.cmpi ne, %rem3A_777, %ne3A_778 : i32
        %lt3A_780 = arith.constant 0 : i32
        %lt3A_781 = arith.cmpi slt, %rem3A_777, %lt3A_780 : i32
        %lt3A_782 = arith.constant 0 : i32
        %lt3A_783 = arith.cmpi slt, %select_n3A_776, %lt3A_782 : i32
        %ne3A_784 = arith.xori %lt3A_781, %lt3A_783 : i1
        %and3A_785 = arith.andi %ne3A_784, %ne3A_779 : i1
        %add3A_786 = arith.addi %rem3A_777, %select_n3A_776 : i32
        %select_n3A_787 = arith.select %and3A_785, %add3A_786, %rem3A_777 : i32
        %mul3A_788 = arith.constant 256 : i32
        %mul3A_789 = arith.muli %select_n3A_787, %mul3A_788 : i32
        %multiple_of3A_790 = tpu.assume_multiple %mul3A_789, 256 : i32
        %jit3A_791 = arith.constant 2 : i32
        %eq3A_792 = arith.constant 0 : i32
        %eq3A_793 = arith.cmpi eq, %jit3A_791, %eq3A_792 : i32
        %jit3A_794 = arith.constant 1 : i32
        %select_n3A_795 = arith.select %eq3A_793, %jit3A_794, %jit3A_791 : i32
        %rem3A_796 = arith.remsi %sub3A_746, %select_n3A_795 : i32
        %ne3A_797 = arith.constant 0 : i32
        %ne3A_798 = arith.cmpi ne, %rem3A_796, %ne3A_797 : i32
        %lt3A_799 = arith.constant 0 : i32
        %lt3A_800 = arith.cmpi slt, %rem3A_796, %lt3A_799 : i32
        %lt3A_801 = arith.constant 0 : i32
        %lt3A_802 = arith.cmpi slt, %select_n3A_795, %lt3A_801 : i32
        %ne3A_803 = arith.xori %lt3A_800, %lt3A_802 : i1
        %and3A_804 = arith.andi %ne3A_803, %ne3A_798 : i1
        %add3A_805 = arith.addi %rem3A_796, %select_n3A_795 : i32
        %select_n3A_806 = arith.select %and3A_804, %add3A_805, %rem3A_796 : i32
        %dma_wait3A_807 = arith.constant 0 : i32
        %dma_wait3A_808 = arith.constant 0 : i32
        %dma_wait3A_809 = tpu.memref_slice %arg7[%select_n3A_806, %dma_wait3A_807, %dma_wait3A_808] : memref<2x64x257xf32, #tpu.memory_space<vmem>> -> memref<1x64x256xf32, #tpu.memory_space<vmem>>
        %dma_wait3A_810 = tpu.memref_squeeze %dma_wait3A_809 : memref<1x64x256xf32, #tpu.memory_space<vmem>> -> memref<64x256xf32, #tpu.memory_space<vmem>>
        %dma_wait3A_811 = arith.constant 0 : i32
        %dma_wait3A_812 = tpu.memref_slice %arg4[%select_n3A_771, %dma_wait3A_811, %multiple_of3A_790] : memref<50x64x16384xf32, #tpu.memory_space<hbm>> -> memref<1x64x256xf32, #tpu.memory_space<hbm>>
        %dma_wait3A_813 = tpu.memref_squeeze %dma_wait3A_812 : memref<1x64x256xf32, #tpu.memory_space<hbm>> -> memref<64x256xf32, #tpu.memory_space<hbm>>
        %dma_wait3A_814 = arith.constant 0 : i32
        %dma_wait3A_815 = tpu.memref_slice %arg4[%select_n3A_771, %dma_wait3A_814, %multiple_of3A_790] : memref<50x64x16384xf32, #tpu.memory_space<hbm>> -> memref<1x64x256xf32, #tpu.memory_space<hbm>>
        %dma_wait3A_816 = tpu.memref_squeeze %dma_wait3A_815 : memref<1x64x256xf32, #tpu.memory_space<hbm>> -> memref<64x256xf32, #tpu.memory_space<hbm>>
        %dma_wait3A_817 = arith.constant 0 : i32
        %dma_wait3A_818 = arith.constant 0 : i32
        %dma_wait3A_819 = tpu.memref_slice %arg7[%select_n3A_806, %dma_wait3A_817, %dma_wait3A_818] : memref<2x64x257xf32, #tpu.memory_space<vmem>> -> memref<1x64x256xf32, #tpu.memory_space<vmem>>
        %dma_wait3A_820 = tpu.memref_squeeze %dma_wait3A_819 : memref<1x64x256xf32, #tpu.memory_space<vmem>> -> memref<64x256xf32, #tpu.memory_space<vmem>>
        tpu.wait_dma2 semaphore(%arg10 : memref<!tpu.dma_semaphore, #tpu.memory_space<semaphore_mem>>) src(%dma_wait3A_820 : memref<64x256xf32, #tpu.memory_space<vmem>>) dst(%dma_wait3A_816 : memref<64x256xf32, #tpu.memory_space<hbm>>)
      } else {
      }
      %jit3A_409 = arith.constant 2 : i32
      %eq3A_410 = arith.constant 0 : i32
      %eq3A_411 = arith.cmpi eq, %jit3A_409, %eq3A_410 : i32
      %jit3A_412 = arith.constant 1 : i32
      %select_n3A_413 = arith.select %eq3A_411, %jit3A_412, %jit3A_409 : i32
      %rem3A_414 = arith.remsi %add3A_278, %select_n3A_413 : i32
      %ne3A_415 = arith.constant 0 : i32
      %ne3A_416 = arith.cmpi ne, %rem3A_414, %ne3A_415 : i32
      %lt3A_417 = arith.constant 0 : i32
      %lt3A_418 = arith.cmpi slt, %rem3A_414, %lt3A_417 : i32
      %lt3A_419 = arith.constant 0 : i32
      %lt3A_420 = arith.cmpi slt, %select_n3A_413, %lt3A_419 : i32
      %ne3A_421 = arith.xori %lt3A_418, %lt3A_420 : i1
      %and3A_422 = arith.andi %ne3A_421, %ne3A_416 : i1
      %add3A_423 = arith.addi %rem3A_414, %select_n3A_413 : i32
      %select_n3A_424 = arith.select %and3A_422, %add3A_423, %rem3A_414 : i32
      %broadcast_in_dim3A = vector.broadcast %select_n3A_424 : i32 to vector<16xi32>
      %mul3A_425 = arith.constant 2 : i32
      %mul3A_426 = vector.broadcast %mul3A_425 : i32 to vector<16xi32>
      %mul3A_427 = arith.muli %iota3A, %mul3A_426 : vector<16xi32>
      %scan3A_428 = arith.constant 0 : i32
      %scan3A_429 = arith.constant 0 : i32
      %scan3A_430 = arith.constant 32 : i32
      %scan3A_431 = arith.addi %scan3A_429, %scan3A_430 : i32
      %scan3A_432 = arith.constant 1 : i32
      scf.for %scan3A_745 = %scan3A_429 to %scan3A_431 step %scan3A_432  : i32 {
        %mul3A_746 = arith.constant 8 : i32
        %mul3A_747 = arith.muli %scan3A_745, %mul3A_746 : i32
        %add3A_748 = arith.constant 0 : i32
        %add3A_749 = arith.addi %mul3A_747, %add3A_748 : i32
        %broadcast_in_dim3A_750 = vector.broadcast %add3A_749 : i32 to vector<16xi32>
        %get3A = arith.index_cast %select_n3A_424 : i32 to index
        %get3A_751 = arith.index_cast %add3A_749 : i32 to index
        %get3A_752 = arith.constant 0 : index
        %get3A_753 = tpu.vector_load %arg6[%get3A, %get3A_751, %get3A_752] {strides = array<i32>} : memref<2x256x32xi32, #tpu.memory_space<vmem>>, vector<16xi32>,
        %bitcast3A = vector.bitcast %get3A_753 : vector<16xi32> to vector<32xbf16>
        %unpack3A = tpu.unpack_subelements %bitcast3A, 0 {pack_format = #tpu.pack_format<interleaved>} : vector<32xbf16> -> vector<16xf32>
        %unpack3A_754 = tpu.unpack_subelements %bitcast3A, 1 {pack_format = #tpu.pack_format<interleaved>} : vector<32xbf16> -> vector<16xf32>
        %add3A_755 = arith.constant 0 : i32
        %add3A_756 = vector.broadcast %add3A_755 : i32 to vector<16xi32>
        %add3A_757 = arith.addi %mul3A_427, %add3A_756 : vector<16xi32>
        tpu.vector_store_idx %arg7[%broadcast_in_dim3A, %add3A_757, %broadcast_in_dim3A_750], %unpack3A : memref<2x64x257xf32, #tpu.memory_space<vmem>>[vector<16xi32>, vector<16xi32>, vector<16xi32>], vector<16xf32>,
        %add3A_758 = arith.constant 1 : i32
        %add3A_759 = vector.broadcast %add3A_758 : i32 to vector<16xi32>
        %add3A_760 = arith.addi %mul3A_427, %add3A_759 : vector<16xi32>
        tpu.vector_store_idx %arg7[%broadcast_in_dim3A, %add3A_760, %broadcast_in_dim3A_750], %unpack3A_754 : memref<2x64x257xf32, #tpu.memory_space<vmem>>[vector<16xi32>, vector<16xi32>, vector<16xi32>], vector<16xf32>,
        %get3A_761 = arith.index_cast %select_n3A_424 : i32 to index
        %get3A_762 = arith.index_cast %add3A_749 : i32 to index
        %get3A_763 = arith.constant 16 : index
        %get3A_764 = tpu.vector_load %arg6[%get3A_761, %get3A_762, %get3A_763] {strides = array<i32>} : memref<2x256x32xi32, #tpu.memory_space<vmem>>, vector<16xi32>,
        %bitcast3A_765 = vector.bitcast %get3A_764 : vector<16xi32> to vector<32xbf16>
        %unpack3A_766 = tpu.unpack_subelements %bitcast3A_765, 0 {pack_format = #tpu.pack_format<interleaved>} : vector<32xbf16> -> vector<16xf32>
        %unpack3A_767 = tpu.unpack_subelements %bitcast3A_765, 1 {pack_format = #tpu.pack_format<interleaved>} : vector<32xbf16> -> vector<16xf32>
        %add3A_768 = arith.constant 32 : i32
        %add3A_769 = vector.broadcast %add3A_768 : i32 to vector<16xi32>
        %add3A_770 = arith.addi %mul3A_427, %add3A_769 : vector<16xi32>
        tpu.vector_store_idx %arg7[%broadcast_in_dim3A, %add3A_770, %broadcast_in_dim3A_750], %unpack3A_766 : memref<2x64x257xf32, #tpu.memory_space<vmem>>[vector<16xi32>, vector<16xi32>, vector<16xi32>], vector<16xf32>,
        %add3A_771 = arith.constant 33 : i32
        %add3A_772 = vector.broadcast %add3A_771 : i32 to vector<16xi32>
        %add3A_773 = arith.addi %mul3A_427, %add3A_772 : vector<16xi32>
        tpu.vector_store_idx %arg7[%broadcast_in_dim3A, %add3A_773, %broadcast_in_dim3A_750], %unpack3A_767 : memref<2x64x257xf32, #tpu.memory_space<vmem>>[vector<16xi32>, vector<16xi32>, vector<16xi32>], vector<16xf32>,
        %mul3A_774 = arith.constant 8 : i32
        %mul3A_775 = arith.muli %scan3A_745, %mul3A_774 : i32
        %add3A_776 = arith.constant 1 : i32
        %add3A_777 = arith.addi %mul3A_775, %add3A_776 : i32
        %broadcast_in_dim3A_778 = vector.broadcast %add3A_777 : i32 to vector<16xi32>
        %get3A_779 = arith.index_cast %select_n3A_424 : i32 to index
        %get3A_780 = arith.index_cast %add3A_777 : i32 to index
        %get3A_781 = arith.constant 0 : index
        %get3A_782 = tpu.vector_load %arg6[%get3A_779, %get3A_780, %get3A_781] {strides = array<i32>} : memref<2x256x32xi32, #tpu.memory_space<vmem>>, vector<16xi32>,
        %bitcast3A_783 = vector.bitcast %get3A_782 : vector<16xi32> to vector<32xbf16>
        %unpack3A_784 = tpu.unpack_subelements %bitcast3A_783, 0 {pack_format = #tpu.pack_format<interleaved>} : vector<32xbf16> -> vector<16xf32>
        %unpack3A_785 = tpu.unpack_subelements %bitcast3A_783, 1 {pack_format = #tpu.pack_format<interleaved>} : vector<32xbf16> -> vector<16xf32>
        %add3A_786 = arith.constant 0 : i32
        %add3A_787 = vector.broadcast %add3A_786 : i32 to vector<16xi32>
        %add3A_788 = arith.addi %mul3A_427, %add3A_787 : vector<16xi32>
        tpu.vector_store_idx %arg7[%broadcast_in_dim3A, %add3A_788, %broadcast_in_dim3A_778], %unpack3A_784 : memref<2x64x257xf32, #tpu.memory_space<vmem>>[vector<16xi32>, vector<16xi32>, vector<16xi32>], vector<16xf32>,
        %add3A_789 = arith.constant 1 : i32
        %add3A_790 = vector.broadcast %add3A_789 : i32 to vector<16xi32>
        %add3A_791 = arith.addi %mul3A_427, %add3A_790 : vector<16xi32>
        tpu.vector_store_idx %arg7[%broadcast_in_dim3A, %add3A_791, %broadcast_in_dim3A_778], %unpack3A_785 : memref<2x64x257xf32, #tpu.memory_space<vmem>>[vector<16xi32>, vector<16xi32>, vector<16xi32>], vector<16xf32>,
        %get3A_792 = arith.index_cast %select_n3A_424 : i32 to index
        %get3A_793 = arith.index_cast %add3A_777 : i32 to index
        %get3A_794 = arith.constant 16 : index
        %get3A_795 = tpu.vector_load %arg6[%get3A_792, %get3A_793, %get3A_794] {strides = array<i32>} : memref<2x256x32xi32, #tpu.memory_space<vmem>>, vector<16xi32>,
        %bitcast3A_796 = vector.bitcast %get3A_795 : vector<16xi32> to vector<32xbf16>
        %unpack3A_797 = tpu.unpack_subelements %bitcast3A_796, 0 {pack_format = #tpu.pack_format<interleaved>} : vector<32xbf16> -> vector<16xf32>
        %unpack3A_798 = tpu.unpack_subelements %bitcast3A_796, 1 {pack_format = #tpu.pack_format<interleaved>} : vector<32xbf16> -> vector<16xf32>
        %add3A_799 = arith.constant 32 : i32
        %add3A_800 = vector.broadcast %add3A_799 : i32 to vector<16xi32>
        %add3A_801 = arith.addi %mul3A_427, %add3A_800 : vector<16xi32>
        tpu.vector_store_idx %arg7[%broadcast_in_dim3A, %add3A_801, %broadcast_in_dim3A_778], %unpack3A_797 : memref<2x64x257xf32, #tpu.memory_space<vmem>>[vector<16xi32>, vector<16xi32>, vector<16xi32>], vector<16xf32>,
        %add3A_802 = arith.constant 33 : i32
        %add3A_803 = vector.broadcast %add3A_802 : i32 to vector<16xi32>
        %add3A_804 = arith.addi %mul3A_427, %add3A_803 : vector<16xi32>
        tpu.vector_store_idx %arg7[%broadcast_in_dim3A, %add3A_804, %broadcast_in_dim3A_778], %unpack3A_798 : memref<2x64x257xf32, #tpu.memory_space<vmem>>[vector<16xi32>, vector<16xi32>, vector<16xi32>], vector<16xf32>,
        %mul3A_805 = arith.constant 8 : i32
        %mul3A_806 = arith.muli %scan3A_745, %mul3A_805 : i32
        %add3A_807 = arith.constant 2 : i32
        %add3A_808 = arith.addi %mul3A_806, %add3A_807 : i32
        %broadcast_in_dim3A_809 = vector.broadcast %add3A_808 : i32 to vector<16xi32>
        %get3A_810 = arith.index_cast %select_n3A_424 : i32 to index
        %get3A_811 = arith.index_cast %add3A_808 : i32 to index
        %get3A_812 = arith.constant 0 : index
        %get3A_813 = tpu.vector_load %arg6[%get3A_810, %get3A_811, %get3A_812] {strides = array<i32>} : memref<2x256x32xi32, #tpu.memory_space<vmem>>, vector<16xi32>,
        %bitcast3A_814 = vector.bitcast %get3A_813 : vector<16xi32> to vector<32xbf16>
        %unpack3A_815 = tpu.unpack_subelements %bitcast3A_814, 0 {pack_format = #tpu.pack_format<interleaved>} : vector<32xbf16> -> vector<16xf32>
        %unpack3A_816 = tpu.unpack_subelements %bitcast3A_814, 1 {pack_format = #tpu.pack_format<interleaved>} : vector<32xbf16> -> vector<16xf32>
        %add3A_817 = arith.constant 0 : i32
        %add3A_818 = vector.broadcast %add3A_817 : i32 to vector<16xi32>
        %add3A_819 = arith.addi %mul3A_427, %add3A_818 : vector<16xi32>
        tpu.vector_store_idx %arg7[%broadcast_in_dim3A, %add3A_819, %broadcast_in_dim3A_809], %unpack3A_815 : memref<2x64x257xf32, #tpu.memory_space<vmem>>[vector<16xi32>, vector<16xi32>, vector<16xi32>], vector<16xf32>,
        %add3A_820 = arith.constant 1 : i32
        %add3A_821 = vector.broadcast %add3A_820 : i32 to vector<16xi32>
        %add3A_822 = arith.addi %mul3A_427, %add3A_821 : vector<16xi32>
        tpu.vector_store_idx %arg7[%broadcast_in_dim3A, %add3A_822, %broadcast_in_dim3A_809], %unpack3A_816 : memref<2x64x257xf32, #tpu.memory_space<vmem>>[vector<16xi32>, vector<16xi32>, vector<16xi32>], vector<16xf32>,
        %get3A_823 = arith.index_cast %select_n3A_424 : i32 to index
        %get3A_824 = arith.index_cast %add3A_808 : i32 to index
        %get3A_825 = arith.constant 16 : index
        %get3A_826 = tpu.vector_load %arg6[%get3A_823, %get3A_824, %get3A_825] {strides = array<i32>} : memref<2x256x32xi32, #tpu.memory_space<vmem>>, vector<16xi32>,
        %bitcast3A_827 = vector.bitcast %get3A_826 : vector<16xi32> to vector<32xbf16>
        %unpack3A_828 = tpu.unpack_subelements %bitcast3A_827, 0 {pack_format = #tpu.pack_format<interleaved>} : vector<32xbf16> -> vector<16xf32>
        %unpack3A_829 = tpu.unpack_subelements %bitcast3A_827, 1 {pack_format = #tpu.pack_format<interleaved>} : vector<32xbf16> -> vector<16xf32>
        %add3A_830 = arith.constant 32 : i32
        %add3A_831 = vector.broadcast %add3A_830 : i32 to vector<16xi32>
        %add3A_832 = arith.addi %mul3A_427, %add3A_831 : vector<16xi32>
        tpu.vector_store_idx %arg7[%broadcast_in_dim3A, %add3A_832, %broadcast_in_dim3A_809], %unpack3A_828 : memref<2x64x257xf32, #tpu.memory_space<vmem>>[vector<16xi32>, vector<16xi32>, vector<16xi32>], vector<16xf32>,
        %add3A_833 = arith.constant 33 : i32
        %add3A_834 = vector.broadcast %add3A_833 : i32 to vector<16xi32>
        %add3A_835 = arith.addi %mul3A_427, %add3A_834 : vector<16xi32>
        tpu.vector_store_idx %arg7[%broadcast_in_dim3A, %add3A_835, %broadcast_in_dim3A_809], %unpack3A_829 : memref<2x64x257xf32, #tpu.memory_space<vmem>>[vector<16xi32>, vector<16xi32>, vector<16xi32>], vector<16xf32>,
        %mul3A_836 = arith.constant 8 : i32
        %mul3A_837 = arith.muli %scan3A_745, %mul3A_836 : i32
        %add3A_838 = arith.constant 3 : i32
        %add3A_839 = arith.addi %mul3A_837, %add3A_838 : i32
        %broadcast_in_dim3A_840 = vector.broadcast %add3A_839 : i32 to vector<16xi32>
        %get3A_841 = arith.index_cast %select_n3A_424 : i32 to index
        %get3A_842 = arith.index_cast %add3A_839 : i32 to index
        %get3A_843 = arith.constant 0 : index
        %get3A_844 = tpu.vector_load %arg6[%get3A_841, %get3A_842, %get3A_843] {strides = array<i32>} : memref<2x256x32xi32, #tpu.memory_space<vmem>>, vector<16xi32>,
        %bitcast3A_845 = vector.bitcast %get3A_844 : vector<16xi32> to vector<32xbf16>
        %unpack3A_846 = tpu.unpack_subelements %bitcast3A_845, 0 {pack_format = #tpu.pack_format<interleaved>} : vector<32xbf16> -> vector<16xf32>
        %unpack3A_847 = tpu.unpack_subelements %bitcast3A_845, 1 {pack_format = #tpu.pack_format<interleaved>} : vector<32xbf16> -> vector<16xf32>
        %add3A_848 = arith.constant 0 : i32
        %add3A_849 = vector.broadcast %add3A_848 : i32 to vector<16xi32>
        %add3A_850 = arith.addi %mul3A_427, %add3A_849 : vector<16xi32>
        tpu.vector_store_idx %arg7[%broadcast_in_dim3A, %add3A_850, %broadcast_in_dim3A_840], %unpack3A_846 : memref<2x64x257xf32, #tpu.memory_space<vmem>>[vector<16xi32>, vector<16xi32>, vector<16xi32>], vector<16xf32>,
        %add3A_851 = arith.constant 1 : i32
        %add3A_852 = vector.broadcast %add3A_851 : i32 to vector<16xi32>
        %add3A_853 = arith.addi %mul3A_427, %add3A_852 : vector<16xi32>
        tpu.vector_store_idx %arg7[%broadcast_in_dim3A, %add3A_853, %broadcast_in_dim3A_840], %unpack3A_847 : memref<2x64x257xf32, #tpu.memory_space<vmem>>[vector<16xi32>, vector<16xi32>, vector<16xi32>], vector<16xf32>,
        %get3A_854 = arith.index_cast %select_n3A_424 : i32 to index
        %get3A_855 = arith.index_cast %add3A_839 : i32 to index
        %get3A_856 = arith.constant 16 : index
        %get3A_857 = tpu.vector_load %arg6[%get3A_854, %get3A_855, %get3A_856] {strides = array<i32>} : memref<2x256x32xi32, #tpu.memory_space<vmem>>, vector<16xi32>,
        %bitcast3A_858 = vector.bitcast %get3A_857 : vector<16xi32> to vector<32xbf16>
        %unpack3A_859 = tpu.unpack_subelements %bitcast3A_858, 0 {pack_format = #tpu.pack_format<interleaved>} : vector<32xbf16> -> vector<16xf32>
        %unpack3A_860 = tpu.unpack_subelements %bitcast3A_858, 1 {pack_format = #tpu.pack_format<interleaved>} : vector<32xbf16> -> vector<16xf32>
        %add3A_861 = arith.constant 32 : i32
        %add3A_862 = vector.broadcast %add3A_861 : i32 to vector<16xi32>
        %add3A_863 = arith.addi %mul3A_427, %add3A_862 : vector<16xi32>
        tpu.vector_store_idx %arg7[%broadcast_in_dim3A, %add3A_863, %broadcast_in_dim3A_840], %unpack3A_859 : memref<2x64x257xf32, #tpu.memory_space<vmem>>[vector<16xi32>, vector<16xi32>, vector<16xi32>], vector<16xf32>,
        %add3A_864 = arith.constant 33 : i32
        %add3A_865 = vector.broadcast %add3A_864 : i32 to vector<16xi32>
        %add3A_866 = arith.addi %mul3A_427, %add3A_865 : vector<16xi32>
        tpu.vector_store_idx %arg7[%broadcast_in_dim3A, %add3A_866, %broadcast_in_dim3A_840], %unpack3A_860 : memref<2x64x257xf32, #tpu.memory_space<vmem>>[vector<16xi32>, vector<16xi32>, vector<16xi32>], vector<16xf32>,
        %mul3A_867 = arith.constant 8 : i32
        %mul3A_868 = arith.muli %scan3A_745, %mul3A_867 : i32
        %add3A_869 = arith.constant 4 : i32
        %add3A_870 = arith.addi %mul3A_868, %add3A_869 : i32
        %broadcast_in_dim3A_871 = vector.broadcast %add3A_870 : i32 to vector<16xi32>
        %get3A_872 = arith.index_cast %select_n3A_424 : i32 to index
        %get3A_873 = arith.index_cast %add3A_870 : i32 to index
        %get3A_874 = arith.constant 0 : index
        %get3A_875 = tpu.vector_load %arg6[%get3A_872, %get3A_873, %get3A_874] {strides = array<i32>} : memref<2x256x32xi32, #tpu.memory_space<vmem>>, vector<16xi32>,
        %bitcast3A_876 = vector.bitcast %get3A_875 : vector<16xi32> to vector<32xbf16>
        %unpack3A_877 = tpu.unpack_subelements %bitcast3A_876, 0 {pack_format = #tpu.pack_format<interleaved>} : vector<32xbf16> -> vector<16xf32>
        %unpack3A_878 = tpu.unpack_subelements %bitcast3A_876, 1 {pack_format = #tpu.pack_format<interleaved>} : vector<32xbf16> -> vector<16xf32>
        %add3A_879 = arith.constant 0 : i32
        %add3A_880 = vector.broadcast %add3A_879 : i32 to vector<16xi32>
        %add3A_881 = arith.addi %mul3A_427, %add3A_880 : vector<16xi32>
        tpu.vector_store_idx %arg7[%broadcast_in_dim3A, %add3A_881, %broadcast_in_dim3A_871], %unpack3A_877 : memref<2x64x257xf32, #tpu.memory_space<vmem>>[vector<16xi32>, vector<16xi32>, vector<16xi32>], vector<16xf32>,
        %add3A_882 = arith.constant 1 : i32
        %add3A_883 = vector.broadcast %add3A_882 : i32 to vector<16xi32>
        %add3A_884 = arith.addi %mul3A_427, %add3A_883 : vector<16xi32>
        tpu.vector_store_idx %arg7[%broadcast_in_dim3A, %add3A_884, %broadcast_in_dim3A_871], %unpack3A_878 : memref<2x64x257xf32, #tpu.memory_space<vmem>>[vector<16xi32>, vector<16xi32>, vector<16xi32>], vector<16xf32>,
        %get3A_885 = arith.index_cast %select_n3A_424 : i32 to index
        %get3A_886 = arith.index_cast %add3A_870 : i32 to index
        %get3A_887 = arith.constant 16 : index
        %get3A_888 = tpu.vector_load %arg6[%get3A_885, %get3A_886, %get3A_887] {strides = array<i32>} : memref<2x256x32xi32, #tpu.memory_space<vmem>>, vector<16xi32>,
        %bitcast3A_889 = vector.bitcast %get3A_888 : vector<16xi32> to vector<32xbf16>
        %unpack3A_890 = tpu.unpack_subelements %bitcast3A_889, 0 {pack_format = #tpu.pack_format<interleaved>} : vector<32xbf16> -> vector<16xf32>
        %unpack3A_891 = tpu.unpack_subelements %bitcast3A_889, 1 {pack_format = #tpu.pack_format<interleaved>} : vector<32xbf16> -> vector<16xf32>
        %add3A_892 = arith.constant 32 : i32
        %add3A_893 = vector.broadcast %add3A_892 : i32 to vector<16xi32>
        %add3A_894 = arith.addi %mul3A_427, %add3A_893 : vector<16xi32>
        tpu.vector_store_idx %arg7[%broadcast_in_dim3A, %add3A_894, %broadcast_in_dim3A_871], %unpack3A_890 : memref<2x64x257xf32, #tpu.memory_space<vmem>>[vector<16xi32>, vector<16xi32>, vector<16xi32>], vector<16xf32>,
        %add3A_895 = arith.constant 33 : i32
        %add3A_896 = vector.broadcast %add3A_895 : i32 to vector<16xi32>
        %add3A_897 = arith.addi %mul3A_427, %add3A_896 : vector<16xi32>
        tpu.vector_store_idx %arg7[%broadcast_in_dim3A, %add3A_897, %broadcast_in_dim3A_871], %unpack3A_891 : memref<2x64x257xf32, #tpu.memory_space<vmem>>[vector<16xi32>, vector<16xi32>, vector<16xi32>], vector<16xf32>,
        %mul3A_898 = arith.constant 8 : i32
        %mul3A_899 = arith.muli %scan3A_745, %mul3A_898 : i32
        %add3A_900 = arith.constant 5 : i32
        %add3A_901 = arith.addi %mul3A_899, %add3A_900 : i32
        %broadcast_in_dim3A_902 = vector.broadcast %add3A_901 : i32 to vector<16xi32>
        %get3A_903 = arith.index_cast %select_n3A_424 : i32 to index
        %get3A_904 = arith.index_cast %add3A_901 : i32 to index
        %get3A_905 = arith.constant 0 : index
        %get3A_906 = tpu.vector_load %arg6[%get3A_903, %get3A_904, %get3A_905] {strides = array<i32>} : memref<2x256x32xi32, #tpu.memory_space<vmem>>, vector<16xi32>,
        %bitcast3A_907 = vector.bitcast %get3A_906 : vector<16xi32> to vector<32xbf16>
        %unpack3A_908 = tpu.unpack_subelements %bitcast3A_907, 0 {pack_format = #tpu.pack_format<interleaved>} : vector<32xbf16> -> vector<16xf32>
        %unpack3A_909 = tpu.unpack_subelements %bitcast3A_907, 1 {pack_format = #tpu.pack_format<interleaved>} : vector<32xbf16> -> vector<16xf32>
        %add3A_910 = arith.constant 0 : i32
        %add3A_911 = vector.broadcast %add3A_910 : i32 to vector<16xi32>
        %add3A_912 = arith.addi %mul3A_427, %add3A_911 : vector<16xi32>
        tpu.vector_store_idx %arg7[%broadcast_in_dim3A, %add3A_912, %broadcast_in_dim3A_902], %unpack3A_908 : memref<2x64x257xf32, #tpu.memory_space<vmem>>[vector<16xi32>, vector<16xi32>, vector<16xi32>], vector<16xf32>,
        %add3A_913 = arith.constant 1 : i32
        %add3A_914 = vector.broadcast %add3A_913 : i32 to vector<16xi32>
        %add3A_915 = arith.addi %mul3A_427, %add3A_914 : vector<16xi32>
        tpu.vector_store_idx %arg7[%broadcast_in_dim3A, %add3A_915, %broadcast_in_dim3A_902], %unpack3A_909 : memref<2x64x257xf32, #tpu.memory_space<vmem>>[vector<16xi32>, vector<16xi32>, vector<16xi32>], vector<16xf32>,
        %get3A_916 = arith.index_cast %select_n3A_424 : i32 to index
        %get3A_917 = arith.index_cast %add3A_901 : i32 to index
        %get3A_918 = arith.constant 16 : index
        %get3A_919 = tpu.vector_load %arg6[%get3A_916, %get3A_917, %get3A_918] {strides = array<i32>} : memref<2x256x32xi32, #tpu.memory_space<vmem>>, vector<16xi32>,
        %bitcast3A_920 = vector.bitcast %get3A_919 : vector<16xi32> to vector<32xbf16>
        %unpack3A_921 = tpu.unpack_subelements %bitcast3A_920, 0 {pack_format = #tpu.pack_format<interleaved>} : vector<32xbf16> -> vector<16xf32>
        %unpack3A_922 = tpu.unpack_subelements %bitcast3A_920, 1 {pack_format = #tpu.pack_format<interleaved>} : vector<32xbf16> -> vector<16xf32>
        %add3A_923 = arith.constant 32 : i32
        %add3A_924 = vector.broadcast %add3A_923 : i32 to vector<16xi32>
        %add3A_925 = arith.addi %mul3A_427, %add3A_924 : vector<16xi32>
        tpu.vector_store_idx %arg7[%broadcast_in_dim3A, %add3A_925, %broadcast_in_dim3A_902], %unpack3A_921 : memref<2x64x257xf32, #tpu.memory_space<vmem>>[vector<16xi32>, vector<16xi32>, vector<16xi32>], vector<16xf32>,
        %add3A_926 = arith.constant 33 : i32
        %add3A_927 = vector.broadcast %add3A_926 : i32 to vector<16xi32>
        %add3A_928 = arith.addi %mul3A_427, %add3A_927 : vector<16xi32>
        tpu.vector_store_idx %arg7[%broadcast_in_dim3A, %add3A_928, %broadcast_in_dim3A_902], %unpack3A_922 : memref<2x64x257xf32, #tpu.memory_space<vmem>>[vector<16xi32>, vector<16xi32>, vector<16xi32>], vector<16xf32>,
        %mul3A_929 = arith.constant 8 : i32
        %mul3A_930 = arith.muli %scan3A_745, %mul3A_929 : i32
        %add3A_931 = arith.constant 6 : i32
        %add3A_932 = arith.addi %mul3A_930, %add3A_931 : i32
        %broadcast_in_dim3A_933 = vector.broadcast %add3A_932 : i32 to vector<16xi32>
        %get3A_934 = arith.index_cast %select_n3A_424 : i32 to index
        %get3A_935 = arith.index_cast %add3A_932 : i32 to index
        %get3A_936 = arith.constant 0 : index
        %get3A_937 = tpu.vector_load %arg6[%get3A_934, %get3A_935, %get3A_936] {strides = array<i32>} : memref<2x256x32xi32, #tpu.memory_space<vmem>>, vector<16xi32>,
        %bitcast3A_938 = vector.bitcast %get3A_937 : vector<16xi32> to vector<32xbf16>
        %unpack3A_939 = tpu.unpack_subelements %bitcast3A_938, 0 {pack_format = #tpu.pack_format<interleaved>} : vector<32xbf16> -> vector<16xf32>
        %unpack3A_940 = tpu.unpack_subelements %bitcast3A_938, 1 {pack_format = #tpu.pack_format<interleaved>} : vector<32xbf16> -> vector<16xf32>
        %add3A_941 = arith.constant 0 : i32
        %add3A_942 = vector.broadcast %add3A_941 : i32 to vector<16xi32>
        %add3A_943 = arith.addi %mul3A_427, %add3A_942 : vector<16xi32>
        tpu.vector_store_idx %arg7[%broadcast_in_dim3A, %add3A_943, %broadcast_in_dim3A_933], %unpack3A_939 : memref<2x64x257xf32, #tpu.memory_space<vmem>>[vector<16xi32>, vector<16xi32>, vector<16xi32>], vector<16xf32>,
        %add3A_944 = arith.constant 1 : i32
        %add3A_945 = vector.broadcast %add3A_944 : i32 to vector<16xi32>
        %add3A_946 = arith.addi %mul3A_427, %add3A_945 : vector<16xi32>
        tpu.vector_store_idx %arg7[%broadcast_in_dim3A, %add3A_946, %broadcast_in_dim3A_933], %unpack3A_940 : memref<2x64x257xf32, #tpu.memory_space<vmem>>[vector<16xi32>, vector<16xi32>, vector<16xi32>], vector<16xf32>,
        %get3A_947 = arith.index_cast %select_n3A_424 : i32 to index
        %get3A_948 = arith.index_cast %add3A_932 : i32 to index
        %get3A_949 = arith.constant 16 : index
        %get3A_950 = tpu.vector_load %arg6[%get3A_947, %get3A_948, %get3A_949] {strides = array<i32>} : memref<2x256x32xi32, #tpu.memory_space<vmem>>, vector<16xi32>,
        %bitcast3A_951 = vector.bitcast %get3A_950 : vector<16xi32> to vector<32xbf16>
        %unpack3A_952 = tpu.unpack_subelements %bitcast3A_951, 0 {pack_format = #tpu.pack_format<interleaved>} : vector<32xbf16> -> vector<16xf32>
        %unpack3A_953 = tpu.unpack_subelements %bitcast3A_951, 1 {pack_format = #tpu.pack_format<interleaved>} : vector<32xbf16> -> vector<16xf32>
        %add3A_954 = arith.constant 32 : i32
        %add3A_955 = vector.broadcast %add3A_954 : i32 to vector<16xi32>
        %add3A_956 = arith.addi %mul3A_427, %add3A_955 : vector<16xi32>
        tpu.vector_store_idx %arg7[%broadcast_in_dim3A, %add3A_956, %broadcast_in_dim3A_933], %unpack3A_952 : memref<2x64x257xf32, #tpu.memory_space<vmem>>[vector<16xi32>, vector<16xi32>, vector<16xi32>], vector<16xf32>,
        %add3A_957 = arith.constant 33 : i32
        %add3A_958 = vector.broadcast %add3A_957 : i32 to vector<16xi32>
        %add3A_959 = arith.addi %mul3A_427, %add3A_958 : vector<16xi32>
        tpu.vector_store_idx %arg7[%broadcast_in_dim3A, %add3A_959, %broadcast_in_dim3A_933], %unpack3A_953 : memref<2x64x257xf32, #tpu.memory_space<vmem>>[vector<16xi32>, vector<16xi32>, vector<16xi32>], vector<16xf32>,
        %mul3A_960 = arith.constant 8 : i32
        %mul3A_961 = arith.muli %scan3A_745, %mul3A_960 : i32
        %add3A_962 = arith.constant 7 : i32
        %add3A_963 = arith.addi %mul3A_961, %add3A_962 : i32
        %broadcast_in_dim3A_964 = vector.broadcast %add3A_963 : i32 to vector<16xi32>
        %get3A_965 = arith.index_cast %select_n3A_424 : i32 to index
        %get3A_966 = arith.index_cast %add3A_963 : i32 to index
        %get3A_967 = arith.constant 0 : index
        %get3A_968 = tpu.vector_load %arg6[%get3A_965, %get3A_966, %get3A_967] {strides = array<i32>} : memref<2x256x32xi32, #tpu.memory_space<vmem>>, vector<16xi32>,
        %bitcast3A_969 = vector.bitcast %get3A_968 : vector<16xi32> to vector<32xbf16>
        %unpack3A_970 = tpu.unpack_subelements %bitcast3A_969, 0 {pack_format = #tpu.pack_format<interleaved>} : vector<32xbf16> -> vector<16xf32>
        %unpack3A_971 = tpu.unpack_subelements %bitcast3A_969, 1 {pack_format = #tpu.pack_format<interleaved>} : vector<32xbf16> -> vector<16xf32>
        %add3A_972 = arith.constant 0 : i32
        %add3A_973 = vector.broadcast %add3A_972 : i32 to vector<16xi32>
        %add3A_974 = arith.addi %mul3A_427, %add3A_973 : vector<16xi32>
        tpu.vector_store_idx %arg7[%broadcast_in_dim3A, %add3A_974, %broadcast_in_dim3A_964], %unpack3A_970 : memref<2x64x257xf32, #tpu.memory_space<vmem>>[vector<16xi32>, vector<16xi32>, vector<16xi32>], vector<16xf32>,
        %add3A_975 = arith.constant 1 : i32
        %add3A_976 = vector.broadcast %add3A_975 : i32 to vector<16xi32>
        %add3A_977 = arith.addi %mul3A_427, %add3A_976 : vector<16xi32>
        tpu.vector_store_idx %arg7[%broadcast_in_dim3A, %add3A_977, %broadcast_in_dim3A_964], %unpack3A_971 : memref<2x64x257xf32, #tpu.memory_space<vmem>>[vector<16xi32>, vector<16xi32>, vector<16xi32>], vector<16xf32>,
        %get3A_978 = arith.index_cast %select_n3A_424 : i32 to index
        %get3A_979 = arith.index_cast %add3A_963 : i32 to index
        %get3A_980 = arith.constant 16 : index
        %get3A_981 = tpu.vector_load %arg6[%get3A_978, %get3A_979, %get3A_980] {strides = array<i32>} : memref<2x256x32xi32, #tpu.memory_space<vmem>>, vector<16xi32>,
        %bitcast3A_982 = vector.bitcast %get3A_981 : vector<16xi32> to vector<32xbf16>
        %unpack3A_983 = tpu.unpack_subelements %bitcast3A_982, 0 {pack_format = #tpu.pack_format<interleaved>} : vector<32xbf16> -> vector<16xf32>
        %unpack3A_984 = tpu.unpack_subelements %bitcast3A_982, 1 {pack_format = #tpu.pack_format<interleaved>} : vector<32xbf16> -> vector<16xf32>
        %add3A_985 = arith.constant 32 : i32
        %add3A_986 = vector.broadcast %add3A_985 : i32 to vector<16xi32>
        %add3A_987 = arith.addi %mul3A_427, %add3A_986 : vector<16xi32>
        tpu.vector_store_idx %arg7[%broadcast_in_dim3A, %add3A_987, %broadcast_in_dim3A_964], %unpack3A_983 : memref<2x64x257xf32, #tpu.memory_space<vmem>>[vector<16xi32>, vector<16xi32>, vector<16xi32>], vector<16xf32>,
        %add3A_988 = arith.constant 33 : i32
        %add3A_989 = vector.broadcast %add3A_988 : i32 to vector<16xi32>
        %add3A_990 = arith.addi %mul3A_427, %add3A_989 : vector<16xi32>
        tpu.vector_store_idx %arg7[%broadcast_in_dim3A, %add3A_990, %broadcast_in_dim3A_964], %unpack3A_984 : memref<2x64x257xf32, #tpu.memory_space<vmem>>[vector<16xi32>, vector<16xi32>, vector<16xi32>], vector<16xf32>,
      }
      %scan3A_433 = arith.constant 32 : i32
      %add3A_434 = arith.addi %mul3A_2, %add3A_278 : i32
      %jit3A_435 = arith.constant 64 : i32
      %div3A_436 = arith.divsi %add3A_434, %jit3A_435 : i32
      %sign3A_437 = arith.constant 0 : i32
      %sign3A_438 = arith.cmpi sgt, %add3A_434, %sign3A_437 : i32
      %sign3A_439 = arith.extui %sign3A_438 : i1 to i32
      %sign3A_440 = arith.constant 0 : i32
      %sign3A_441 = arith.cmpi slt, %add3A_434, %sign3A_440 : i32
      %sign3A_442 = arith.extui %sign3A_441 : i1 to i32
      %sign3A_443 = arith.subi %sign3A_439, %sign3A_442 : i32
      %sign3A_444 = arith.constant 0 : i32
      %sign3A_445 = arith.cmpi sgt, %jit3A_435, %sign3A_444 : i32
      %sign3A_446 = arith.extui %sign3A_445 : i1 to i32
      %sign3A_447 = arith.constant 0 : i32
      %sign3A_448 = arith.cmpi slt, %jit3A_435, %sign3A_447 : i32
      %sign3A_449 = arith.extui %sign3A_448 : i1 to i32
      %sign3A_450 = arith.subi %sign3A_446, %sign3A_449 : i32
      %ne3A_451 = arith.cmpi ne, %sign3A_443, %sign3A_450 : i32
      %rem3A_452 = arith.remsi %add3A_434, %jit3A_435 : i32
      %ne3A_453 = arith.constant 0 : i32
      %ne3A_454 = arith.cmpi ne, %rem3A_452, %ne3A_453 : i32
      %and3A_455 = arith.andi %ne3A_451, %ne3A_454 : i1
      %sub3A_456 = arith.constant 1 : i32
      %sub3A_457 = arith.subi %div3A_436, %sub3A_456 : i32
      %select_n3A_458 = arith.select %and3A_455, %sub3A_457, %div3A_436 : i32
      %jit3A_459 = arith.constant 64 : i32
      %eq3A_460 = arith.constant 0 : i32
      %eq3A_461 = arith.cmpi eq, %jit3A_459, %eq3A_460 : i32
      %jit3A_462 = arith.constant 1 : i32
      %select_n3A_463 = arith.select %eq3A_461, %jit3A_462, %jit3A_459 : i32
      %rem3A_464 = arith.remsi %add3A_434, %select_n3A_463 : i32
      %ne3A_465 = arith.constant 0 : i32
      %ne3A_466 = arith.cmpi ne, %rem3A_464, %ne3A_465 : i32
      %lt3A_467 = arith.constant 0 : i32
      %lt3A_468 = arith.cmpi slt, %rem3A_464, %lt3A_467 : i32
      %lt3A_469 = arith.constant 0 : i32
      %lt3A_470 = arith.cmpi slt, %select_n3A_463, %lt3A_469 : i32
      %ne3A_471 = arith.xori %lt3A_468, %lt3A_470 : i1
      %and3A_472 = arith.andi %ne3A_471, %ne3A_466 : i1
      %add3A_473 = arith.addi %rem3A_464, %select_n3A_463 : i32
      %select_n3A_474 = arith.select %and3A_472, %add3A_473, %rem3A_464 : i32
      %mul3A_475 = arith.constant 256 : i32
      %mul3A_476 = arith.muli %select_n3A_474, %mul3A_475 : i32
      %multiple_of3A_477 = tpu.assume_multiple %mul3A_476, 256 : i32
      %jit3A_478 = arith.constant 2 : i32
      %eq3A_479 = arith.constant 0 : i32
      %eq3A_480 = arith.cmpi eq, %jit3A_478, %eq3A_479 : i32
      %jit3A_481 = arith.constant 1 : i32
      %select_n3A_482 = arith.select %eq3A_480, %jit3A_481, %jit3A_478 : i32
      %rem3A_483 = arith.remsi %add3A_278, %select_n3A_482 : i32
      %ne3A_484 = arith.constant 0 : i32
      %ne3A_485 = arith.cmpi ne, %rem3A_483, %ne3A_484 : i32
      %lt3A_486 = arith.constant 0 : i32
      %lt3A_487 = arith.cmpi slt, %rem3A_483, %lt3A_486 : i32
      %lt3A_488 = arith.constant 0 : i32
      %lt3A_489 = arith.cmpi slt, %select_n3A_482, %lt3A_488 : i32
      %ne3A_490 = arith.xori %lt3A_487, %lt3A_489 : i1
      %and3A_491 = arith.andi %ne3A_490, %ne3A_485 : i1
      %add3A_492 = arith.addi %rem3A_483, %select_n3A_482 : i32
      %select_n3A_493 = arith.select %and3A_491, %add3A_492, %rem3A_483 : i32
      %dma_start3A_494 = arith.constant 0 : i32
      %dma_start3A_495 = arith.constant 0 : i32
      %dma_start3A_496 = tpu.memref_slice %arg7[%select_n3A_493, %dma_start3A_494, %dma_start3A_495] : memref<2x64x257xf32, #tpu.memory_space<vmem>> -> memref<1x64x256xf32, #tpu.memory_space<vmem>>
      %dma_start3A_497 = tpu.memref_squeeze %dma_start3A_496 : memref<1x64x256xf32, #tpu.memory_space<vmem>> -> memref<64x256xf32, #tpu.memory_space<vmem>>
      %dma_start3A_498 = arith.constant 0 : i32
      %dma_start3A_499 = tpu.memref_slice %arg4[%select_n3A_458, %dma_start3A_498, %multiple_of3A_477] : memref<50x64x16384xf32, #tpu.memory_space<hbm>> -> memref<1x64x256xf32, #tpu.memory_space<hbm>>
      %dma_start3A_500 = tpu.memref_squeeze %dma_start3A_499 : memref<1x64x256xf32, #tpu.memory_space<hbm>> -> memref<64x256xf32, #tpu.memory_space<hbm>>
      %dma_start3A_501 = arith.constant 0 : i32
      %dma_start3A_502 = tpu.memref_slice %arg4[%select_n3A_458, %dma_start3A_501, %multiple_of3A_477] : memref<50x64x16384xf32, #tpu.memory_space<hbm>> -> memref<1x64x256xf32, #tpu.memory_space<hbm>>
      %dma_start3A_503 = tpu.memref_squeeze %dma_start3A_502 : memref<1x64x256xf32, #tpu.memory_space<hbm>> -> memref<64x256xf32, #tpu.memory_space<hbm>>
      %dma_start3A_504 = arith.constant 0 : i32
      %dma_start3A_505 = arith.constant 0 : i32
      %dma_start3A_506 = tpu.memref_slice %arg7[%select_n3A_493, %dma_start3A_504, %dma_start3A_505] : memref<2x64x257xf32, #tpu.memory_space<vmem>> -> memref<1x64x256xf32, #tpu.memory_space<vmem>>
      %dma_start3A_507 = tpu.memref_squeeze %dma_start3A_506 : memref<1x64x256xf32, #tpu.memory_space<vmem>> -> memref<64x256xf32, #tpu.memory_space<vmem>>
      tpu.enqueue_dma source(%dma_start3A_507 : memref<64x256xf32, #tpu.memory_space<vmem>>) target(%dma_start3A_503 : memref<64x256xf32, #tpu.memory_space<hbm>>) target_semaphore(%arg10 : memref<!tpu.dma_semaphore, #tpu.memory_space<semaphore_mem>>)
      %mul3A_508 = arith.constant 2 : i32
      %mul3A_509 = arith.muli %scan3A_274, %mul3A_508 : i32
      %add3A_510 = arith.constant 1 : i32
      %add3A_511 = arith.addi %mul3A_509, %add3A_510 : i32
      %add3A_512 = arith.constant 1 : i32
      %add3A_513 = arith.addi %add3A_511, %add3A_512 : i32
      %lt3A_514 = arith.constant 100 : i32
      %lt3A_515 = arith.cmpi slt, %add3A_513, %lt3A_514 : i32
      %convert_element_type3A_516 = arith.extui %lt3A_515 : i1 to i32
      %cond3A_517 = arith.constant 0 : i32
      %cond3A_518 = arith.cmpi ne, %convert_element_type3A_516, %cond3A_517 : i32
      scf.if %cond3A_518 {
        %jit3A_745 = arith.constant 4 : i32
        %eq3A_746 = arith.constant 0 : i32
        %eq3A_747 = arith.cmpi eq, %jit3A_745, %eq3A_746 : i32
        %jit3A_748 = arith.constant 1 : i32
        %select_n3A_749 = arith.select %eq3A_747, %jit3A_748, %jit3A_745 : i32
        %rem3A_750 = arith.remsi %add3A_513, %select_n3A_749 : i32
        %ne3A_751 = arith.constant 0 : i32
        %ne3A_752 = arith.cmpi ne, %rem3A_750, %ne3A_751 : i32
        %lt3A_753 = arith.constant 0 : i32
        %lt3A_754 = arith.cmpi slt, %rem3A_750, %lt3A_753 : i32
        %lt3A_755 = arith.constant 0 : i32
        %lt3A_756 = arith.cmpi slt, %select_n3A_749, %lt3A_755 : i32
        %ne3A_757 = arith.xori %lt3A_754, %lt3A_756 : i1
        %and3A_758 = arith.andi %ne3A_757, %ne3A_752 : i1
        %add3A_759 = arith.addi %rem3A_750, %select_n3A_749 : i32
        %select_n3A_760 = arith.select %and3A_758, %add3A_759, %rem3A_750 : i32
        %eq3A_761 = arith.constant 0 : i32
        %eq3A_762 = arith.cmpi eq, %select_n3A_760, %eq3A_761 : i32
        %convert_element_type3A_763 = arith.extui %eq3A_762 : i1 to i32
        %cond3A_764 = arith.constant 0 : i32
        %cond3A_765 = arith.cmpi ne, %convert_element_type3A_763, %cond3A_764 : i32
        scf.if %cond3A_765 {
          %add3A_928 = arith.addi %mul3A_2, %add3A_513 : i32
          %jit3A_929 = arith.constant 4 : i32
          %div3A_930 = arith.divsi %add3A_928, %jit3A_929 : i32
          %sign3A_931 = arith.constant 0 : i32
          %sign3A_932 = arith.cmpi sgt, %add3A_928, %sign3A_931 : i32
          %sign3A_933 = arith.extui %sign3A_932 : i1 to i32
          %sign3A_934 = arith.constant 0 : i32
          %sign3A_935 = arith.cmpi slt, %add3A_928, %sign3A_934 : i32
          %sign3A_936 = arith.extui %sign3A_935 : i1 to i32
          %sign3A_937 = arith.subi %sign3A_933, %sign3A_936 : i32
          %sign3A_938 = arith.constant 0 : i32
          %sign3A_939 = arith.cmpi sgt, %jit3A_929, %sign3A_938 : i32
          %sign3A_940 = arith.extui %sign3A_939 : i1 to i32
          %sign3A_941 = arith.constant 0 : i32
          %sign3A_942 = arith.cmpi slt, %jit3A_929, %sign3A_941 : i32
          %sign3A_943 = arith.extui %sign3A_942 : i1 to i32
          %sign3A_944 = arith.subi %sign3A_940, %sign3A_943 : i32
          %ne3A_945 = arith.cmpi ne, %sign3A_937, %sign3A_944 : i32
          %rem3A_946 = arith.remsi %add3A_928, %jit3A_929 : i32
          %ne3A_947 = arith.constant 0 : i32
          %ne3A_948 = arith.cmpi ne, %rem3A_946, %ne3A_947 : i32
          %and3A_949 = arith.andi %ne3A_945, %ne3A_948 : i1
          %sub3A_950 = arith.constant 1 : i32
          %sub3A_951 = arith.subi %div3A_930, %sub3A_950 : i32
          %select_n3A_952 = arith.select %and3A_949, %sub3A_951, %div3A_930 : i32
          %mul3A_953 = arith.constant 8 : i32
          %mul3A_954 = arith.muli %select_n3A_952, %mul3A_953 : i32
          %multiple_of3A_955 = tpu.assume_multiple %mul3A_954, 8 : i32
          %jit3A_956 = arith.constant 2 : i32
          %eq3A_957 = arith.constant 0 : i32
          %eq3A_958 = arith.cmpi eq, %jit3A_956, %eq3A_957 : i32
          %jit3A_959 = arith.constant 1 : i32
          %select_n3A_960 = arith.select %eq3A_958, %jit3A_959, %jit3A_956 : i32
          %rem3A_961 = arith.remsi %select_n3A_952, %select_n3A_960 : i32
          %ne3A_962 = arith.constant 0 : i32
          %ne3A_963 = arith.cmpi ne, %rem3A_961, %ne3A_962 : i32
          %lt3A_964 = arith.constant 0 : i32
          %lt3A_965 = arith.cmpi slt, %rem3A_961, %lt3A_964 : i32
          %lt3A_966 = arith.constant 0 : i32
          %lt3A_967 = arith.cmpi slt, %select_n3A_960, %lt3A_966 : i32
          %ne3A_968 = arith.xori %lt3A_965, %lt3A_967 : i1
          %and3A_969 = arith.andi %ne3A_968, %ne3A_963 : i1
          %add3A_970 = arith.addi %rem3A_961, %select_n3A_960 : i32
          %select_n3A_971 = arith.select %and3A_969, %add3A_970, %rem3A_961 : i32
          "tpu.region"() ({
            %run_scoped3A = tpu.sem_alloc : memref<!tpu.dma_semaphore, #tpu.memory_space<semaphore_mem>>
            %dma_start3A_972 = arith.constant 0 : i32
            %dma_start3A_973 = arith.constant 0 : i32
            %dma_start3A_974 = tpu.memref_slice %arg5[%select_n3A_971, %dma_start3A_972, %dma_start3A_973] : memref<2x8x128xi32, #tpu.memory_space<vmem>> -> memref<1x8x128xi32, #tpu.memory_space<vmem>>
            %dma_start3A_975 = tpu.memref_squeeze %dma_start3A_974 : memref<1x8x128xi32, #tpu.memory_space<vmem>> -> memref<8x128xi32, #tpu.memory_space<vmem>>
            %dma_start3A_976 = arith.constant 0 : i32
            %dma_start3A_977 = tpu.memref_slice %arg3[%multiple_of3A_955, %dma_start3A_976] : memref<6400x128xi32, #tpu.memory_space<hbm>> -> memref<8x128xi32, #tpu.memory_space<hbm>>
            %dma_start3A_978 = arith.constant 0 : i32
            %dma_start3A_979 = arith.constant 0 : i32
            %dma_start3A_980 = tpu.memref_slice %arg5[%select_n3A_971, %dma_start3A_978, %dma_start3A_979] : memref<2x8x128xi32, #tpu.memory_space<vmem>> -> memref<1x8x128xi32, #tpu.memory_space<vmem>>
            %dma_start3A_981 = tpu.memref_squeeze %dma_start3A_980 : memref<1x8x128xi32, #tpu.memory_space<vmem>> -> memref<8x128xi32, #tpu.memory_space<vmem>>
            %dma_start3A_982 = arith.constant 0 : i32
            %dma_start3A_983 = tpu.memref_slice %arg3[%multiple_of3A_955, %dma_start3A_982] : memref<6400x128xi32, #tpu.memory_space<hbm>> -> memref<8x128xi32, #tpu.memory_space<hbm>>
            tpu.enqueue_dma source(%dma_start3A_983 : memref<8x128xi32, #tpu.memory_space<hbm>>) target(%dma_start3A_981 : memref<8x128xi32, #tpu.memory_space<vmem>>) target_semaphore(%run_scoped3A : memref<!tpu.dma_semaphore, #tpu.memory_space<semaphore_mem>>)
            %dma_wait3A_984 = arith.constant 0 : i32
            %dma_wait3A_985 = arith.constant 0 : i32
            %dma_wait3A_986 = tpu.memref_slice %arg5[%select_n3A_971, %dma_wait3A_984, %dma_wait3A_985] : memref<2x8x128xi32, #tpu.memory_space<vmem>> -> memref<1x8x128xi32, #tpu.memory_space<vmem>>
            %dma_wait3A_987 = tpu.memref_squeeze %dma_wait3A_986 : memref<1x8x128xi32, #tpu.memory_space<vmem>> -> memref<8x128xi32, #tpu.memory_space<vmem>>
            %dma_wait3A_988 = arith.constant 0 : i32
            %dma_wait3A_989 = tpu.memref_slice %arg3[%multiple_of3A_955, %dma_wait3A_988] : memref<6400x128xi32, #tpu.memory_space<hbm>> -> memref<8x128xi32, #tpu.memory_space<hbm>>
            %dma_wait3A_990 = arith.constant 0 : i32
            %dma_wait3A_991 = arith.constant 0 : i32
            %dma_wait3A_992 = tpu.memref_slice %arg5[%select_n3A_971, %dma_wait3A_990, %dma_wait3A_991] : memref<2x8x128xi32, #tpu.memory_space<vmem>> -> memref<1x8x128xi32, #tpu.memory_space<vmem>>
            %dma_wait3A_993 = tpu.memref_squeeze %dma_wait3A_992 : memref<1x8x128xi32, #tpu.memory_space<vmem>> -> memref<8x128xi32, #tpu.memory_space<vmem>>
            %dma_wait3A_994 = arith.constant 0 : i32
            %dma_wait3A_995 = tpu.memref_slice %arg3[%multiple_of3A_955, %dma_wait3A_994] : memref<6400x128xi32, #tpu.memory_space<hbm>> -> memref<8x128xi32, #tpu.memory_space<hbm>>
            tpu.wait_dma2 semaphore(%run_scoped3A : memref<!tpu.dma_semaphore, #tpu.memory_space<semaphore_mem>>) src(%dma_wait3A_995 : memref<8x128xi32, #tpu.memory_space<hbm>>) dst(%dma_wait3A_993 : memref<8x128xi32, #tpu.memory_space<vmem>>)
            tpu.yield
          }) : () -> ()
        } else {
        }
        %add3A_766 = arith.addi %mul3A_2, %add3A_513 : i32
        %jit3A_767 = arith.constant 4 : i32
        %div3A_768 = arith.divsi %add3A_766, %jit3A_767 : i32
        %sign3A_769 = arith.constant 0 : i32
        %sign3A_770 = arith.cmpi sgt, %add3A_766, %sign3A_769 : i32
        %sign3A_771 = arith.extui %sign3A_770 : i1 to i32
        %sign3A_772 = arith.constant 0 : i32
        %sign3A_773 = arith.cmpi slt, %add3A_766, %sign3A_772 : i32
        %sign3A_774 = arith.extui %sign3A_773 : i1 to i32
        %sign3A_775 = arith.subi %sign3A_771, %sign3A_774 : i32
        %sign3A_776 = arith.constant 0 : i32
        %sign3A_777 = arith.cmpi sgt, %jit3A_767, %sign3A_776 : i32
        %sign3A_778 = arith.extui %sign3A_777 : i1 to i32
        %sign3A_779 = arith.constant 0 : i32
        %sign3A_780 = arith.cmpi slt, %jit3A_767, %sign3A_779 : i32
        %sign3A_781 = arith.extui %sign3A_780 : i1 to i32
        %sign3A_782 = arith.subi %sign3A_778, %sign3A_781 : i32
        %ne3A_783 = arith.cmpi ne, %sign3A_775, %sign3A_782 : i32
        %rem3A_784 = arith.remsi %add3A_766, %jit3A_767 : i32
        %ne3A_785 = arith.constant 0 : i32
        %ne3A_786 = arith.cmpi ne, %rem3A_784, %ne3A_785 : i32
        %and3A_787 = arith.andi %ne3A_783, %ne3A_786 : i1
        %sub3A_788 = arith.constant 1 : i32
        %sub3A_789 = arith.subi %div3A_768, %sub3A_788 : i32
        %select_n3A_790 = arith.select %and3A_787, %sub3A_789, %div3A_768 : i32
        %jit3A_791 = arith.constant 2 : i32
        %eq3A_792 = arith.constant 0 : i32
        %eq3A_793 = arith.cmpi eq, %jit3A_791, %eq3A_792 : i32
        %jit3A_794 = arith.constant 1 : i32
        %select_n3A_795 = arith.select %eq3A_793, %jit3A_794, %jit3A_791 : i32
        %rem3A_796 = arith.remsi %select_n3A_790, %select_n3A_795 : i32
        %ne3A_797 = arith.constant 0 : i32
        %ne3A_798 = arith.cmpi ne, %rem3A_796, %ne3A_797 : i32
        %lt3A_799 = arith.constant 0 : i32
        %lt3A_800 = arith.cmpi slt, %rem3A_796, %lt3A_799 : i32
        %lt3A_801 = arith.constant 0 : i32
        %lt3A_802 = arith.cmpi slt, %select_n3A_795, %lt3A_801 : i32
        %ne3A_803 = arith.xori %lt3A_800, %lt3A_802 : i1
        %and3A_804 = arith.andi %ne3A_803, %ne3A_798 : i1
        %add3A_805 = arith.addi %rem3A_796, %select_n3A_795 : i32
        %select_n3A_806 = arith.select %and3A_804, %add3A_805, %rem3A_796 : i32
        %add3A_807 = arith.addi %mul3A_2, %add3A_513 : i32
        %jit3A_808 = arith.constant 4 : i32
        %div3A_809 = arith.divsi %add3A_807, %jit3A_808 : i32
        %sign3A_810 = arith.constant 0 : i32
        %sign3A_811 = arith.cmpi sgt, %add3A_807, %sign3A_810 : i32
        %sign3A_812 = arith.extui %sign3A_811 : i1 to i32
        %sign3A_813 = arith.constant 0 : i32
        %sign3A_814 = arith.cmpi slt, %add3A_807, %sign3A_813 : i32
        %sign3A_815 = arith.extui %sign3A_814 : i1 to i32
        %sign3A_816 = arith.subi %sign3A_812, %sign3A_815 : i32
        %sign3A_817 = arith.constant 0 : i32
        %sign3A_818 = arith.cmpi sgt, %jit3A_808, %sign3A_817 : i32
        %sign3A_819 = arith.extui %sign3A_818 : i1 to i32
        %sign3A_820 = arith.constant 0 : i32
        %sign3A_821 = arith.cmpi slt, %jit3A_808, %sign3A_820 : i32
        %sign3A_822 = arith.extui %sign3A_821 : i1 to i32
        %sign3A_823 = arith.subi %sign3A_819, %sign3A_822 : i32
        %ne3A_824 = arith.cmpi ne, %sign3A_816, %sign3A_823 : i32
        %rem3A_825 = arith.remsi %add3A_807, %jit3A_808 : i32
        %ne3A_826 = arith.constant 0 : i32
        %ne3A_827 = arith.cmpi ne, %rem3A_825, %ne3A_826 : i32
        %and3A_828 = arith.andi %ne3A_824, %ne3A_827 : i1
        %sub3A_829 = arith.constant 1 : i32
        %sub3A_830 = arith.subi %div3A_809, %sub3A_829 : i32
        %select_n3A_831 = arith.select %and3A_828, %sub3A_830, %div3A_809 : i32
        %jit3A_832 = arith.constant 2 : i32
        %eq3A_833 = arith.constant 0 : i32
        %eq3A_834 = arith.cmpi eq, %jit3A_832, %eq3A_833 : i32
        %jit3A_835 = arith.constant 1 : i32
        %select_n3A_836 = arith.select %eq3A_834, %jit3A_835, %jit3A_832 : i32
        %rem3A_837 = arith.remsi %select_n3A_831, %select_n3A_836 : i32
        %ne3A_838 = arith.constant 0 : i32
        %ne3A_839 = arith.cmpi ne, %rem3A_837, %ne3A_838 : i32
        %lt3A_840 = arith.constant 0 : i32
        %lt3A_841 = arith.cmpi slt, %rem3A_837, %lt3A_840 : i32
        %lt3A_842 = arith.constant 0 : i32
        %lt3A_843 = arith.cmpi slt, %select_n3A_836, %lt3A_842 : i32
        %ne3A_844 = arith.xori %lt3A_841, %lt3A_843 : i1
        %and3A_845 = arith.andi %ne3A_844, %ne3A_839 : i1
        %add3A_846 = arith.addi %rem3A_837, %select_n3A_836 : i32
        %select_n3A_847 = arith.select %and3A_845, %add3A_846, %rem3A_837 : i32
        %jit3A_848 = arith.constant 4 : i32
        %eq3A_849 = arith.constant 0 : i32
        %eq3A_850 = arith.cmpi eq, %jit3A_848, %eq3A_849 : i32
        %jit3A_851 = arith.constant 1 : i32
        %select_n3A_852 = arith.select %eq3A_850, %jit3A_851, %jit3A_848 : i32
        %rem3A_853 = arith.remsi %add3A_513, %select_n3A_852 : i32
        %ne3A_854 = arith.constant 0 : i32
        %ne3A_855 = arith.cmpi ne, %rem3A_853, %ne3A_854 : i32
        %lt3A_856 = arith.constant 0 : i32
        %lt3A_857 = arith.cmpi slt, %rem3A_853, %lt3A_856 : i32
        %lt3A_858 = arith.constant 0 : i32
        %lt3A_859 = arith.cmpi slt, %select_n3A_852, %lt3A_858 : i32
        %ne3A_860 = arith.xori %lt3A_857, %lt3A_859 : i1
        %and3A_861 = arith.andi %ne3A_860, %ne3A_855 : i1
        %add3A_862 = arith.addi %rem3A_853, %select_n3A_852 : i32
        %select_n3A_863 = arith.select %and3A_861, %add3A_862, %rem3A_853 : i32
        %mul3A_864 = arith.constant 2 : i32
        %mul3A_865 = arith.muli %select_n3A_863, %mul3A_864 : i32
        %add3A_866 = arith.constant 0 : i32
        %add3A_867 = arith.addi %mul3A_865, %add3A_866 : i32
        %jit3A_868 = arith.constant 2 : i32
        %eq3A_869 = arith.constant 0 : i32
        %eq3A_870 = arith.cmpi eq, %jit3A_868, %eq3A_869 : i32
        %jit3A_871 = arith.constant 1 : i32
        %select_n3A_872 = arith.select %eq3A_870, %jit3A_871, %jit3A_868 : i32
        %rem3A_873 = arith.remsi %add3A_513, %select_n3A_872 : i32
        %ne3A_874 = arith.constant 0 : i32
        %ne3A_875 = arith.cmpi ne, %rem3A_873, %ne3A_874 : i32
        %lt3A_876 = arith.constant 0 : i32
        %lt3A_877 = arith.cmpi slt, %rem3A_873, %lt3A_876 : i32
        %lt3A_878 = arith.constant 0 : i32
        %lt3A_879 = arith.cmpi slt, %select_n3A_872, %lt3A_878 : i32
        %ne3A_880 = arith.xori %lt3A_877, %lt3A_879 : i1
        %and3A_881 = arith.andi %ne3A_880, %ne3A_875 : i1
        %add3A_882 = arith.addi %rem3A_873, %select_n3A_872 : i32
        %select_n3A_883 = arith.select %and3A_881, %add3A_882, %rem3A_873 : i32
        %add3A_884 = arith.constant 1 : i32
        %add3A_885 = arith.addi %mul3A_865, %add3A_884 : i32
        %jit3A_886 = arith.constant 2 : i32
        %eq3A_887 = arith.constant 0 : i32
        %eq3A_888 = arith.cmpi eq, %jit3A_886, %eq3A_887 : i32
        %jit3A_889 = arith.constant 1 : i32
        %select_n3A_890 = arith.select %eq3A_888, %jit3A_889, %jit3A_886 : i32
        %rem3A_891 = arith.remsi %add3A_513, %select_n3A_890 : i32
        %ne3A_892 = arith.constant 0 : i32
        %ne3A_893 = arith.cmpi ne, %rem3A_891, %ne3A_892 : i32
        %lt3A_894 = arith.constant 0 : i32
        %lt3A_895 = arith.cmpi slt, %rem3A_891, %lt3A_894 : i32
        %lt3A_896 = arith.constant 0 : i32
        %lt3A_897 = arith.cmpi slt, %select_n3A_890, %lt3A_896 : i32
        %ne3A_898 = arith.xori %lt3A_895, %lt3A_897 : i1
        %and3A_899 = arith.andi %ne3A_898, %ne3A_893 : i1
        %add3A_900 = arith.addi %rem3A_891, %select_n3A_890 : i32
        %select_n3A_901 = arith.select %and3A_899, %add3A_900, %rem3A_891 : i32
        %dma_start3A_902 = arith.constant 0 : i32
        %dma_start3A_903 = arith.constant 0 : i32
        %dma_start3A_904 = tpu.memref_slice %arg6[%select_n3A_883, %dma_start3A_902, %dma_start3A_903] : memref<2x256x32xi32, #tpu.memory_space<vmem>> -> memref<1x256x32xi32, #tpu.memory_space<vmem>>
        %dma_start3A_905 = tpu.memref_squeeze %dma_start3A_904 : memref<1x256x32xi32, #tpu.memory_space<vmem>> -> memref<256x32xi32, #tpu.memory_space<vmem>>
        %dma_start3A_906 = arith.constant 0 : i32
        %dma_start3A_907 = arith.constant 0 : i32
        %dma_start3A_908 = tpu.memref_slice %dma_start3A_905[%dma_start3A_906, %dma_start3A_907] : memref<256x32xi32, #tpu.memory_space<vmem>> -> memref<128x32xi32, #tpu.memory_space<vmem>>
        %dma_start3A_909 = arith.constant 0 : i32
        %dma_start3A_910 = tpu.memref_slice %arg5[%select_n3A_847, %add3A_867, %dma_start3A_909] : memref<2x8x128xi32, #tpu.memory_space<vmem>> -> memref<1x1x128xi32, #tpu.memory_space<vmem>>
        %dma_start3A_911 = tpu.memref_squeeze %dma_start3A_910 : memref<1x1x128xi32, #tpu.memory_space<vmem>> -> memref<128xi32, #tpu.memory_space<vmem>>
        %dma_start3A_912 = arith.constant 0 : i32
        %dma_start3A_913 = arith.constant 0 : i32
        %dma_start3A_914 = tpu.memref_slice %arg2[%dma_start3A_912, %dma_start3A_913] : memref<1000000x32xi32, #tpu.memory_space<hbm>> -> memref<1000000x32xi32, #tpu.memory_space<hbm>>
        tpu.enqueue_indirect_dma source(%dma_start3A_914 : memref<1000000x32xi32, #tpu.memory_space<hbm>>) target(%dma_start3A_908 : memref<128x32xi32, #tpu.memory_space<vmem>>) offsets(%dma_start3A_911 : memref<128xi32, #tpu.memory_space<vmem>>) semaphore(%arg8 : memref<!tpu.dma_semaphore, #tpu.memory_space<semaphore_mem>>)
        %dma_start3A_915 = arith.constant 0 : i32
        %dma_start3A_916 = arith.constant 0 : i32
        %dma_start3A_917 = tpu.memref_slice %arg6[%select_n3A_901, %dma_start3A_915, %dma_start3A_916] : memref<2x256x32xi32, #tpu.memory_space<vmem>> -> memref<1x256x32xi32, #tpu.memory_space<vmem>>
        %dma_start3A_918 = tpu.memref_squeeze %dma_start3A_917 : memref<1x256x32xi32, #tpu.memory_space<vmem>> -> memref<256x32xi32, #tpu.memory_space<vmem>>
        %dma_start3A_919 = arith.constant 128 : i32
        %dma_start3A_920 = arith.constant 0 : i32
        %dma_start3A_921 = tpu.memref_slice %dma_start3A_918[%dma_start3A_919, %dma_start3A_920] : memref<256x32xi32, #tpu.memory_space<vmem>> -> memref<128x32xi32, #tpu.memory_space<vmem>>
        %dma_start3A_922 = arith.constant 0 : i32
        %dma_start3A_923 = tpu.memref_slice %arg5[%select_n3A_847, %add3A_885, %dma_start3A_922] : memref<2x8x128xi32, #tpu.memory_space<vmem>> -> memref<1x1x128xi32, #tpu.memory_space<vmem>>
        %dma_start3A_924 = tpu.memref_squeeze %dma_start3A_923 : memref<1x1x128xi32, #tpu.memory_space<vmem>> -> memref<128xi32, #tpu.memory_space<vmem>>
        %dma_start3A_925 = arith.constant 0 : i32
        %dma_start3A_926 = arith.constant 0 : i32
        %dma_start3A_927 = tpu.memref_slice %arg2[%dma_start3A_925, %dma_start3A_926] : memref<1000000x32xi32, #tpu.memory_space<hbm>> -> memref<1000000x32xi32, #tpu.memory_space<hbm>>
        tpu.enqueue_indirect_dma source(%dma_start3A_927 : memref<1000000x32xi32, #tpu.memory_space<hbm>>) target(%dma_start3A_921 : memref<128x32xi32, #tpu.memory_space<vmem>>) offsets(%dma_start3A_924 : memref<128xi32, #tpu.memory_space<vmem>>) semaphore(%arg8 : memref<!tpu.dma_semaphore, #tpu.memory_space<semaphore_mem>>)
      } else {
      }
      %add3A_519 = arith.addi %mul3A_2, %add3A_511 : i32
      %jit3A_520 = arith.constant 4 : i32
      %div3A_521 = arith.divsi %add3A_519, %jit3A_520 : i32
      %sign3A_522 = arith.constant 0 : i32
      %sign3A_523 = arith.cmpi sgt, %add3A_519, %sign3A_522 : i32
      %sign3A_524 = arith.extui %sign3A_523 : i1 to i32
      %sign3A_525 = arith.constant 0 : i32
      %sign3A_526 = arith.cmpi slt, %add3A_519, %sign3A_525 : i32
      %sign3A_527 = arith.extui %sign3A_526 : i1 to i32
      %sign3A_528 = arith.subi %sign3A_524, %sign3A_527 : i32
      %sign3A_529 = arith.constant 0 : i32
      %sign3A_530 = arith.cmpi sgt, %jit3A_520, %sign3A_529 : i32
      %sign3A_531 = arith.extui %sign3A_530 : i1 to i32
      %sign3A_532 = arith.constant 0 : i32
      %sign3A_533 = arith.cmpi slt, %jit3A_520, %sign3A_532 : i32
      %sign3A_534 = arith.extui %sign3A_533 : i1 to i32
      %sign3A_535 = arith.subi %sign3A_531, %sign3A_534 : i32
      %ne3A_536 = arith.cmpi ne, %sign3A_528, %sign3A_535 : i32
      %rem3A_537 = arith.remsi %add3A_519, %jit3A_520 : i32
      %ne3A_538 = arith.constant 0 : i32
      %ne3A_539 = arith.cmpi ne, %rem3A_537, %ne3A_538 : i32
      %and3A_540 = arith.andi %ne3A_536, %ne3A_539 : i1
      %sub3A_541 = arith.constant 1 : i32
      %sub3A_542 = arith.subi %div3A_521, %sub3A_541 : i32
      %select_n3A_543 = arith.select %and3A_540, %sub3A_542, %div3A_521 : i32
      %jit3A_544 = arith.constant 2 : i32
      %eq3A_545 = arith.constant 0 : i32
      %eq3A_546 = arith.cmpi eq, %jit3A_544, %eq3A_545 : i32
      %jit3A_547 = arith.constant 1 : i32
      %select_n3A_548 = arith.select %eq3A_546, %jit3A_547, %jit3A_544 : i32
      %rem3A_549 = arith.remsi %select_n3A_543, %select_n3A_548 : i32
      %ne3A_550 = arith.constant 0 : i32
      %ne3A_551 = arith.cmpi ne, %rem3A_549, %ne3A_550 : i32
      %lt3A_552 = arith.constant 0 : i32
      %lt3A_553 = arith.cmpi slt, %rem3A_549, %lt3A_552 : i32
      %lt3A_554 = arith.constant 0 : i32
      %lt3A_555 = arith.cmpi slt, %select_n3A_548, %lt3A_554 : i32
      %ne3A_556 = arith.xori %lt3A_553, %lt3A_555 : i1
      %and3A_557 = arith.andi %ne3A_556, %ne3A_551 : i1
      %add3A_558 = arith.addi %rem3A_549, %select_n3A_548 : i32
      %select_n3A_559 = arith.select %and3A_557, %add3A_558, %rem3A_549 : i32
      %jit3A_560 = arith.constant 4 : i32
      %eq3A_561 = arith.constant 0 : i32
      %eq3A_562 = arith.cmpi eq, %jit3A_560, %eq3A_561 : i32
      %jit3A_563 = arith.constant 1 : i32
      %select_n3A_564 = arith.select %eq3A_562, %jit3A_563, %jit3A_560 : i32
      %rem3A_565 = arith.remsi %add3A_511, %select_n3A_564 : i32
      %ne3A_566 = arith.constant 0 : i32
      %ne3A_567 = arith.cmpi ne, %rem3A_565, %ne3A_566 : i32
      %lt3A_568 = arith.constant 0 : i32
      %lt3A_569 = arith.cmpi slt, %rem3A_565, %lt3A_568 : i32
      %lt3A_570 = arith.constant 0 : i32
      %lt3A_571 = arith.cmpi slt, %select_n3A_564, %lt3A_570 : i32
      %ne3A_572 = arith.xori %lt3A_569, %lt3A_571 : i1
      %and3A_573 = arith.andi %ne3A_572, %ne3A_567 : i1
      %add3A_574 = arith.addi %rem3A_565, %select_n3A_564 : i32
      %select_n3A_575 = arith.select %and3A_573, %add3A_574, %rem3A_565 : i32
      %mul3A_576 = arith.constant 2 : i32
      %mul3A_577 = arith.muli %select_n3A_575, %mul3A_576 : i32
      %add3A_578 = arith.constant 0 : i32
      %add3A_579 = arith.addi %mul3A_577, %add3A_578 : i32
      %jit3A_580 = arith.constant 2 : i32
      %eq3A_581 = arith.constant 0 : i32
      %eq3A_582 = arith.cmpi eq, %jit3A_580, %eq3A_581 : i32
      %jit3A_583 = arith.constant 1 : i32
      %select_n3A_584 = arith.select %eq3A_582, %jit3A_583, %jit3A_580 : i32
      %rem3A_585 = arith.remsi %add3A_511, %select_n3A_584 : i32
      %ne3A_586 = arith.constant 0 : i32
      %ne3A_587 = arith.cmpi ne, %rem3A_585, %ne3A_586 : i32
      %lt3A_588 = arith.constant 0 : i32
      %lt3A_589 = arith.cmpi slt, %rem3A_585, %lt3A_588 : i32
      %lt3A_590 = arith.constant 0 : i32
      %lt3A_591 = arith.cmpi slt, %select_n3A_584, %lt3A_590 : i32
      %ne3A_592 = arith.xori %lt3A_589, %lt3A_591 : i1
      %and3A_593 = arith.andi %ne3A_592, %ne3A_587 : i1
      %add3A_594 = arith.addi %rem3A_585, %select_n3A_584 : i32
      %select_n3A_595 = arith.select %and3A_593, %add3A_594, %rem3A_585 : i32
      %add3A_596 = arith.constant 1 : i32
      %add3A_597 = arith.addi %mul3A_577, %add3A_596 : i32
      %jit3A_598 = arith.constant 2 : i32
      %eq3A_599 = arith.constant 0 : i32
      %eq3A_600 = arith.cmpi eq, %jit3A_598, %eq3A_599 : i32
      %jit3A_601 = arith.constant 1 : i32
      %select_n3A_602 = arith.select %eq3A_600, %jit3A_601, %jit3A_598 : i32
      %rem3A_603 = arith.remsi %add3A_511, %select_n3A_602 : i32
      %ne3A_604 = arith.constant 0 : i32
      %ne3A_605 = arith.cmpi ne, %rem3A_603, %ne3A_604 : i32
      %lt3A_606 = arith.constant 0 : i32
      %lt3A_607 = arith.cmpi slt, %rem3A_603, %lt3A_606 : i32
      %lt3A_608 = arith.constant 0 : i32
      %lt3A_609 = arith.cmpi slt, %select_n3A_602, %lt3A_608 : i32
      %ne3A_610 = arith.xori %lt3A_607, %lt3A_609 : i1
      %and3A_611 = arith.andi %ne3A_610, %ne3A_605 : i1
      %add3A_612 = arith.addi %rem3A_603, %select_n3A_602 : i32
      %select_n3A_613 = arith.select %and3A_611, %add3A_612, %rem3A_603 : i32
      %dma_wait3A_614 = arith.constant 0 : i32
      %dma_wait3A_615 = arith.constant 0 : i32
      %dma_wait3A_616 = tpu.memref_slice %arg6[%select_n3A_595, %dma_wait3A_614, %dma_wait3A_615] : memref<2x256x32xi32, #tpu.memory_space<vmem>> -> memref<1x256x32xi32, #tpu.memory_space<vmem>>
      %dma_wait3A_617 = tpu.memref_squeeze %dma_wait3A_616 : memref<1x256x32xi32, #tpu.memory_space<vmem>> -> memref<256x32xi32, #tpu.memory_space<vmem>>
      %dma_wait3A_618 = arith.constant 0 : i32
      %dma_wait3A_619 = arith.constant 0 : i32
      %dma_wait3A_620 = tpu.memref_slice %dma_wait3A_617[%dma_wait3A_618, %dma_wait3A_619] : memref<256x32xi32, #tpu.memory_space<vmem>> -> memref<128x32xi32, #tpu.memory_space<vmem>>
      %dma_wait3A_621 = arith.constant 0 : i32
      %dma_wait3A_622 = tpu.memref_slice %arg5[%select_n3A_559, %add3A_579, %dma_wait3A_621] : memref<2x8x128xi32, #tpu.memory_space<vmem>> -> memref<1x1x128xi32, #tpu.memory_space<vmem>>
      %dma_wait3A_623 = tpu.memref_squeeze %dma_wait3A_622 : memref<1x1x128xi32, #tpu.memory_space<vmem>> -> memref<128xi32, #tpu.memory_space<vmem>>
      %dma_wait3A_624 = arith.constant 0 : i32
      %dma_wait3A_625 = arith.constant 0 : i32
      %dma_wait3A_626 = tpu.memref_slice %arg2[%dma_wait3A_624, %dma_wait3A_625] : memref<1000000x32xi32, #tpu.memory_space<hbm>> -> memref<1000000x32xi32, #tpu.memory_space<hbm>>
      tpu.wait_indirect_dma semaphore(%arg9 : memref<!tpu.dma_semaphore, #tpu.memory_space<semaphore_mem>>) src(%dma_wait3A_626 : memref<1000000x32xi32, #tpu.memory_space<hbm>>) dst(%dma_wait3A_620 : memref<128x32xi32, #tpu.memory_space<vmem>>)
      %dma_wait3A_627 = arith.constant 0 : i32
      %dma_wait3A_628 = arith.constant 0 : i32
      %dma_wait3A_629 = tpu.memref_slice %arg6[%select_n3A_613, %dma_wait3A_627, %dma_wait3A_628] : memref<2x256x32xi32, #tpu.memory_space<vmem>> -> memref<1x256x32xi32, #tpu.memory_space<vmem>>
      %dma_wait3A_630 = tpu.memref_squeeze %dma_wait3A_629 : memref<1x256x32xi32, #tpu.memory_space<vmem>> -> memref<256x32xi32, #tpu.memory_space<vmem>>
      %dma_wait3A_631 = arith.constant 128 : i32
      %dma_wait3A_632 = arith.constant 0 : i32
      %dma_wait3A_633 = tpu.memref_slice %dma_wait3A_630[%dma_wait3A_631, %dma_wait3A_632] : memref<256x32xi32, #tpu.memory_space<vmem>> -> memref<128x32xi32, #tpu.memory_space<vmem>>
      %dma_wait3A_634 = arith.constant 0 : i32
      %dma_wait3A_635 = tpu.memref_slice %arg5[%select_n3A_559, %add3A_597, %dma_wait3A_634] : memref<2x8x128xi32, #tpu.memory_space<vmem>> -> memref<1x1x128xi32, #tpu.memory_space<vmem>>
      %dma_wait3A_636 = tpu.memref_squeeze %dma_wait3A_635 : memref<1x1x128xi32, #tpu.memory_space<vmem>> -> memref<128xi32, #tpu.memory_space<vmem>>
      %dma_wait3A_637 = arith.constant 0 : i32
      %dma_wait3A_638 = arith.constant 0 : i32
      %dma_wait3A_639 = tpu.memref_slice %arg2[%dma_wait3A_637, %dma_wait3A_638] : memref<1000000x32xi32, #tpu.memory_space<hbm>> -> memref<1000000x32xi32, #tpu.memory_space<hbm>>
      tpu.wait_indirect_dma semaphore(%arg9 : memref<!tpu.dma_semaphore, #tpu.memory_space<semaphore_mem>>) src(%dma_wait3A_639 : memref<1000000x32xi32, #tpu.memory_space<hbm>>) dst(%dma_wait3A_633 : memref<128x32xi32, #tpu.memory_space<vmem>>)
      %ge3A_640 = arith.constant 2 : i32
      %ge3A_641 = arith.cmpi sge, %add3A_511, %ge3A_640 : i32
      %convert_element_type3A_642 = arith.extui %ge3A_641 : i1 to i32
      %cond3A_643 = arith.constant 0 : i32
      %cond3A_644 = arith.cmpi ne, %convert_element_type3A_642, %cond3A_643 : i32
      scf.if %cond3A_644 {
        %sub3A_745 = arith.constant 2 : i32
        %sub3A_746 = arith.subi %add3A_511, %sub3A_745 : i32
        %add3A_747 = arith.addi %mul3A_2, %sub3A_746 : i32
        %jit3A_748 = arith.constant 64 : i32
        %div3A_749 = arith.divsi %add3A_747, %jit3A_748 : i32
        %sign3A_750 = arith.constant 0 : i32
        %sign3A_751 = arith.cmpi sgt, %add3A_747, %sign3A_750 : i32
        %sign3A_752 = arith.extui %sign3A_751 : i1 to i32
        %sign3A_753 = arith.constant 0 : i32
        %sign3A_754 = arith.cmpi slt, %add3A_747, %sign3A_753 : i32
        %sign3A_755 = arith.extui %sign3A_754 : i1 to i32
        %sign3A_756 = arith.subi %sign3A_752, %sign3A_755 : i32
        %sign3A_757 = arith.constant 0 : i32
        %sign3A_758 = arith.cmpi sgt, %jit3A_748, %sign3A_757 : i32
        %sign3A_759 = arith.extui %sign3A_758 : i1 to i32
        %sign3A_760 = arith.constant 0 : i32
        %sign3A_761 = arith.cmpi slt, %jit3A_748, %sign3A_760 : i32
        %sign3A_762 = arith.extui %sign3A_761 : i1 to i32
        %sign3A_763 = arith.subi %sign3A_759, %sign3A_762 : i32
        %ne3A_764 = arith.cmpi ne, %sign3A_756, %sign3A_763 : i32
        %rem3A_765 = arith.remsi %add3A_747, %jit3A_748 : i32
        %ne3A_766 = arith.constant 0 : i32
        %ne3A_767 = arith.cmpi ne, %rem3A_765, %ne3A_766 : i32
        %and3A_768 = arith.andi %ne3A_764, %ne3A_767 : i1
        %sub3A_769 = arith.constant 1 : i32
        %sub3A_770 = arith.subi %div3A_749, %sub3A_769 : i32
        %select_n3A_771 = arith.select %and3A_768, %sub3A_770, %div3A_749 : i32
        %jit3A_772 = arith.constant 64 : i32
        %eq3A_773 = arith.constant 0 : i32
        %eq3A_774 = arith.cmpi eq, %jit3A_772, %eq3A_773 : i32
        %jit3A_775 = arith.constant 1 : i32
        %select_n3A_776 = arith.select %eq3A_774, %jit3A_775, %jit3A_772 : i32
        %rem3A_777 = arith.remsi %add3A_747, %select_n3A_776 : i32
        %ne3A_778 = arith.constant 0 : i32
        %ne3A_779 = arith.cmpi ne, %rem3A_777, %ne3A_778 : i32
        %lt3A_780 = arith.constant 0 : i32
        %lt3A_781 = arith.cmpi slt, %rem3A_777, %lt3A_780 : i32
        %lt3A_782 = arith.constant 0 : i32
        %lt3A_783 = arith.cmpi slt, %select_n3A_776, %lt3A_782 : i32
        %ne3A_784 = arith.xori %lt3A_781, %lt3A_783 : i1
        %and3A_785 = arith.andi %ne3A_784, %ne3A_779 : i1
        %add3A_786 = arith.addi %rem3A_777, %select_n3A_776 : i32
        %select_n3A_787 = arith.select %and3A_785, %add3A_786, %rem3A_777 : i32
        %mul3A_788 = arith.constant 256 : i32
        %mul3A_789 = arith.muli %select_n3A_787, %mul3A_788 : i32
        %multiple_of3A_790 = tpu.assume_multiple %mul3A_789, 256 : i32
        %jit3A_791 = arith.constant 2 : i32
        %eq3A_792 = arith.constant 0 : i32
        %eq3A_793 = arith.cmpi eq, %jit3A_791, %eq3A_792 : i32
        %jit3A_794 = arith.constant 1 : i32
        %select_n3A_795 = arith.select %eq3A_793, %jit3A_794, %jit3A_791 : i32
        %rem3A_796 = arith.remsi %sub3A_746, %select_n3A_795 : i32
        %ne3A_797 = arith.constant 0 : i32
        %ne3A_798 = arith.cmpi ne, %rem3A_796, %ne3A_797 : i32
        %lt3A_799 = arith.constant 0 : i32
        %lt3A_800 = arith.cmpi slt, %rem3A_796, %lt3A_799 : i32
        %lt3A_801 = arith.constant 0 : i32
        %lt3A_802 = arith.cmpi slt, %select_n3A_795, %lt3A_801 : i32
        %ne3A_803 = arith.xori %lt3A_800, %lt3A_802 : i1
        %and3A_804 = arith.andi %ne3A_803, %ne3A_798 : i1
        %add3A_805 = arith.addi %rem3A_796, %select_n3A_795 : i32
        %select_n3A_806 = arith.select %and3A_804, %add3A_805, %rem3A_796 : i32
        %dma_wait3A_807 = arith.constant 0 : i32
        %dma_wait3A_808 = arith.constant 0 : i32
        %dma_wait3A_809 = tpu.memref_slice %arg7[%select_n3A_806, %dma_wait3A_807, %dma_wait3A_808] : memref<2x64x257xf32, #tpu.memory_space<vmem>> -> memref<1x64x256xf32, #tpu.memory_space<vmem>>
        %dma_wait3A_810 = tpu.memref_squeeze %dma_wait3A_809 : memref<1x64x256xf32, #tpu.memory_space<vmem>> -> memref<64x256xf32, #tpu.memory_space<vmem>>
        %dma_wait3A_811 = arith.constant 0 : i32
        %dma_wait3A_812 = tpu.memref_slice %arg4[%select_n3A_771, %dma_wait3A_811, %multiple_of3A_790] : memref<50x64x16384xf32, #tpu.memory_space<hbm>> -> memref<1x64x256xf32, #tpu.memory_space<hbm>>
        %dma_wait3A_813 = tpu.memref_squeeze %dma_wait3A_812 : memref<1x64x256xf32, #tpu.memory_space<hbm>> -> memref<64x256xf32, #tpu.memory_space<hbm>>
        %dma_wait3A_814 = arith.constant 0 : i32
        %dma_wait3A_815 = tpu.memref_slice %arg4[%select_n3A_771, %dma_wait3A_814, %multiple_of3A_790] : memref<50x64x16384xf32, #tpu.memory_space<hbm>> -> memref<1x64x256xf32, #tpu.memory_space<hbm>>
        %dma_wait3A_816 = tpu.memref_squeeze %dma_wait3A_815 : memref<1x64x256xf32, #tpu.memory_space<hbm>> -> memref<64x256xf32, #tpu.memory_space<hbm>>
        %dma_wait3A_817 = arith.constant 0 : i32
        %dma_wait3A_818 = arith.constant 0 : i32
        %dma_wait3A_819 = tpu.memref_slice %arg7[%select_n3A_806, %dma_wait3A_817, %dma_wait3A_818] : memref<2x64x257xf32, #tpu.memory_space<vmem>> -> memref<1x64x256xf32, #tpu.memory_space<vmem>>
        %dma_wait3A_820 = tpu.memref_squeeze %dma_wait3A_819 : memref<1x64x256xf32, #tpu.memory_space<vmem>> -> memref<64x256xf32, #tpu.memory_space<vmem>>
        tpu.wait_dma2 semaphore(%arg11 : memref<!tpu.dma_semaphore, #tpu.memory_space<semaphore_mem>>) src(%dma_wait3A_820 : memref<64x256xf32, #tpu.memory_space<vmem>>) dst(%dma_wait3A_816 : memref<64x256xf32, #tpu.memory_space<hbm>>)
      } else {
      }
      %jit3A_645 = arith.constant 2 : i32
      %eq3A_646 = arith.constant 0 : i32
      %eq3A_647 = arith.cmpi eq, %jit3A_645, %eq3A_646 : i32
      %jit3A_648 = arith.constant 1 : i32
      %select_n3A_649 = arith.select %eq3A_647, %jit3A_648, %jit3A_645 : i32
      %rem3A_650 = arith.remsi %add3A_511, %select_n3A_649 : i32
      %ne3A_651 = arith.constant 0 : i32
      %ne3A_652 = arith.cmpi ne, %rem3A_650, %ne3A_651 : i32
      %lt3A_653 = arith.constant 0 : i32
      %lt3A_654 = arith.cmpi slt, %rem3A_650, %lt3A_653 : i32
      %lt3A_655 = arith.constant 0 : i32
      %lt3A_656 = arith.cmpi slt, %select_n3A_649, %lt3A_655 : i32
      %ne3A_657 = arith.xori %lt3A_654, %lt3A_656 : i1
      %and3A_658 = arith.andi %ne3A_657, %ne3A_652 : i1
      %add3A_659 = arith.addi %rem3A_650, %select_n3A_649 : i32
      %select_n3A_660 = arith.select %and3A_658, %add3A_659, %rem3A_650 : i32
      %broadcast_in_dim3A_661 = vector.broadcast %select_n3A_660 : i32 to vector<16xi32>
      %mul3A_662 = arith.constant 2 : i32
      %mul3A_663 = vector.broadcast %mul3A_662 : i32 to vector<16xi32>
      %mul3A_664 = arith.muli %iota3A, %mul3A_663 : vector<16xi32>
      %scan3A_665 = arith.constant 0 : i32
      %scan3A_666 = arith.constant 0 : i32
      %scan3A_667 = arith.constant 32 : i32
      %scan3A_668 = arith.addi %scan3A_666, %scan3A_667 : i32
      %scan3A_669 = arith.constant 1 : i32
      scf.for %scan3A_745 = %scan3A_666 to %scan3A_668 step %scan3A_669  : i32 {
        %mul3A_746 = arith.constant 8 : i32
        %mul3A_747 = arith.muli %scan3A_745, %mul3A_746 : i32
        %add3A_748 = arith.constant 0 : i32
        %add3A_749 = arith.addi %mul3A_747, %add3A_748 : i32
        %broadcast_in_dim3A_750 = vector.broadcast %add3A_749 : i32 to vector<16xi32>
        %get3A = arith.index_cast %select_n3A_660 : i32 to index
        %get3A_751 = arith.index_cast %add3A_749 : i32 to index
        %get3A_752 = arith.constant 0 : index
        %get3A_753 = tpu.vector_load %arg6[%get3A, %get3A_751, %get3A_752] {strides = array<i32>} : memref<2x256x32xi32, #tpu.memory_space<vmem>>, vector<16xi32>,
        %bitcast3A = vector.bitcast %get3A_753 : vector<16xi32> to vector<32xbf16>
        %unpack3A = tpu.unpack_subelements %bitcast3A, 0 {pack_format = #tpu.pack_format<interleaved>} : vector<32xbf16> -> vector<16xf32>
        %unpack3A_754 = tpu.unpack_subelements %bitcast3A, 1 {pack_format = #tpu.pack_format<interleaved>} : vector<32xbf16> -> vector<16xf32>
        %add3A_755 = arith.constant 0 : i32
        %add3A_756 = vector.broadcast %add3A_755 : i32 to vector<16xi32>
        %add3A_757 = arith.addi %mul3A_664, %add3A_756 : vector<16xi32>
        tpu.vector_store_idx %arg7[%broadcast_in_dim3A_661, %add3A_757, %broadcast_in_dim3A_750], %unpack3A : memref<2x64x257xf32, #tpu.memory_space<vmem>>[vector<16xi32>, vector<16xi32>, vector<16xi32>], vector<16xf32>,
        %add3A_758 = arith.constant 1 : i32
        %add3A_759 = vector.broadcast %add3A_758 : i32 to vector<16xi32>
        %add3A_760 = arith.addi %mul3A_664, %add3A_759 : vector<16xi32>
        tpu.vector_store_idx %arg7[%broadcast_in_dim3A_661, %add3A_760, %broadcast_in_dim3A_750], %unpack3A_754 : memref<2x64x257xf32, #tpu.memory_space<vmem>>[vector<16xi32>, vector<16xi32>, vector<16xi32>], vector<16xf32>,
        %get3A_761 = arith.index_cast %select_n3A_660 : i32 to index
        %get3A_762 = arith.index_cast %add3A_749 : i32 to index
        %get3A_763 = arith.constant 16 : index
        %get3A_764 = tpu.vector_load %arg6[%get3A_761, %get3A_762, %get3A_763] {strides = array<i32>} : memref<2x256x32xi32, #tpu.memory_space<vmem>>, vector<16xi32>,
        %bitcast3A_765 = vector.bitcast %get3A_764 : vector<16xi32> to vector<32xbf16>
        %unpack3A_766 = tpu.unpack_subelements %bitcast3A_765, 0 {pack_format = #tpu.pack_format<interleaved>} : vector<32xbf16> -> vector<16xf32>
        %unpack3A_767 = tpu.unpack_subelements %bitcast3A_765, 1 {pack_format = #tpu.pack_format<interleaved>} : vector<32xbf16> -> vector<16xf32>
        %add3A_768 = arith.constant 32 : i32
        %add3A_769 = vector.broadcast %add3A_768 : i32 to vector<16xi32>
        %add3A_770 = arith.addi %mul3A_664, %add3A_769 : vector<16xi32>
        tpu.vector_store_idx %arg7[%broadcast_in_dim3A_661, %add3A_770, %broadcast_in_dim3A_750], %unpack3A_766 : memref<2x64x257xf32, #tpu.memory_space<vmem>>[vector<16xi32>, vector<16xi32>, vector<16xi32>], vector<16xf32>,
        %add3A_771 = arith.constant 33 : i32
        %add3A_772 = vector.broadcast %add3A_771 : i32 to vector<16xi32>
        %add3A_773 = arith.addi %mul3A_664, %add3A_772 : vector<16xi32>
        tpu.vector_store_idx %arg7[%broadcast_in_dim3A_661, %add3A_773, %broadcast_in_dim3A_750], %unpack3A_767 : memref<2x64x257xf32, #tpu.memory_space<vmem>>[vector<16xi32>, vector<16xi32>, vector<16xi32>], vector<16xf32>,
        %mul3A_774 = arith.constant 8 : i32
        %mul3A_775 = arith.muli %scan3A_745, %mul3A_774 : i32
        %add3A_776 = arith.constant 1 : i32
        %add3A_777 = arith.addi %mul3A_775, %add3A_776 : i32
        %broadcast_in_dim3A_778 = vector.broadcast %add3A_777 : i32 to vector<16xi32>
        %get3A_779 = arith.index_cast %select_n3A_660 : i32 to index
        %get3A_780 = arith.index_cast %add3A_777 : i32 to index
        %get3A_781 = arith.constant 0 : index
        %get3A_782 = tpu.vector_load %arg6[%get3A_779, %get3A_780, %get3A_781] {strides = array<i32>} : memref<2x256x32xi32, #tpu.memory_space<vmem>>, vector<16xi32>,
        %bitcast3A_783 = vector.bitcast %get3A_782 : vector<16xi32> to vector<32xbf16>
        %unpack3A_784 = tpu.unpack_subelements %bitcast3A_783, 0 {pack_format = #tpu.pack_format<interleaved>} : vector<32xbf16> -> vector<16xf32>
        %unpack3A_785 = tpu.unpack_subelements %bitcast3A_783, 1 {pack_format = #tpu.pack_format<interleaved>} : vector<32xbf16> -> vector<16xf32>
        %add3A_786 = arith.constant 0 : i32
        %add3A_787 = vector.broadcast %add3A_786 : i32 to vector<16xi32>
        %add3A_788 = arith.addi %mul3A_664, %add3A_787 : vector<16xi32>
        tpu.vector_store_idx %arg7[%broadcast_in_dim3A_661, %add3A_788, %broadcast_in_dim3A_778], %unpack3A_784 : memref<2x64x257xf32, #tpu.memory_space<vmem>>[vector<16xi32>, vector<16xi32>, vector<16xi32>], vector<16xf32>,
        %add3A_789 = arith.constant 1 : i32
        %add3A_790 = vector.broadcast %add3A_789 : i32 to vector<16xi32>
        %add3A_791 = arith.addi %mul3A_664, %add3A_790 : vector<16xi32>
        tpu.vector_store_idx %arg7[%broadcast_in_dim3A_661, %add3A_791, %broadcast_in_dim3A_778], %unpack3A_785 : memref<2x64x257xf32, #tpu.memory_space<vmem>>[vector<16xi32>, vector<16xi32>, vector<16xi32>], vector<16xf32>,
        %get3A_792 = arith.index_cast %select_n3A_660 : i32 to index
        %get3A_793 = arith.index_cast %add3A_777 : i32 to index
        %get3A_794 = arith.constant 16 : index
        %get3A_795 = tpu.vector_load %arg6[%get3A_792, %get3A_793, %get3A_794] {strides = array<i32>} : memref<2x256x32xi32, #tpu.memory_space<vmem>>, vector<16xi32>,
        %bitcast3A_796 = vector.bitcast %get3A_795 : vector<16xi32> to vector<32xbf16>
        %unpack3A_797 = tpu.unpack_subelements %bitcast3A_796, 0 {pack_format = #tpu.pack_format<interleaved>} : vector<32xbf16> -> vector<16xf32>
        %unpack3A_798 = tpu.unpack_subelements %bitcast3A_796, 1 {pack_format = #tpu.pack_format<interleaved>} : vector<32xbf16> -> vector<16xf32>
        %add3A_799 = arith.constant 32 : i32
        %add3A_800 = vector.broadcast %add3A_799 : i32 to vector<16xi32>
        %add3A_801 = arith.addi %mul3A_664, %add3A_800 : vector<16xi32>
        tpu.vector_store_idx %arg7[%broadcast_in_dim3A_661, %add3A_801, %broadcast_in_dim3A_778], %unpack3A_797 : memref<2x64x257xf32, #tpu.memory_space<vmem>>[vector<16xi32>, vector<16xi32>, vector<16xi32>], vector<16xf32>,
        %add3A_802 = arith.constant 33 : i32
        %add3A_803 = vector.broadcast %add3A_802 : i32 to vector<16xi32>
        %add3A_804 = arith.addi %mul3A_664, %add3A_803 : vector<16xi32>
        tpu.vector_store_idx %arg7[%broadcast_in_dim3A_661, %add3A_804, %broadcast_in_dim3A_778], %unpack3A_798 : memref<2x64x257xf32, #tpu.memory_space<vmem>>[vector<16xi32>, vector<16xi32>, vector<16xi32>], vector<16xf32>,
        %mul3A_805 = arith.constant 8 : i32
        %mul3A_806 = arith.muli %scan3A_745, %mul3A_805 : i32
        %add3A_807 = arith.constant 2 : i32
        %add3A_808 = arith.addi %mul3A_806, %add3A_807 : i32
        %broadcast_in_dim3A_809 = vector.broadcast %add3A_808 : i32 to vector<16xi32>
        %get3A_810 = arith.index_cast %select_n3A_660 : i32 to index
        %get3A_811 = arith.index_cast %add3A_808 : i32 to index
        %get3A_812 = arith.constant 0 : index
        %get3A_813 = tpu.vector_load %arg6[%get3A_810, %get3A_811, %get3A_812] {strides = array<i32>} : memref<2x256x32xi32, #tpu.memory_space<vmem>>, vector<16xi32>,
        %bitcast3A_814 = vector.bitcast %get3A_813 : vector<16xi32> to vector<32xbf16>
        %unpack3A_815 = tpu.unpack_subelements %bitcast3A_814, 0 {pack_format = #tpu.pack_format<interleaved>} : vector<32xbf16> -> vector<16xf32>
        %unpack3A_816 = tpu.unpack_subelements %bitcast3A_814, 1 {pack_format = #tpu.pack_format<interleaved>} : vector<32xbf16> -> vector<16xf32>
        %add3A_817 = arith.constant 0 : i32
        %add3A_818 = vector.broadcast %add3A_817 : i32 to vector<16xi32>
        %add3A_819 = arith.addi %mul3A_664, %add3A_818 : vector<16xi32>
        tpu.vector_store_idx %arg7[%broadcast_in_dim3A_661, %add3A_819, %broadcast_in_dim3A_809], %unpack3A_815 : memref<2x64x257xf32, #tpu.memory_space<vmem>>[vector<16xi32>, vector<16xi32>, vector<16xi32>], vector<16xf32>,
        %add3A_820 = arith.constant 1 : i32
        %add3A_821 = vector.broadcast %add3A_820 : i32 to vector<16xi32>
        %add3A_822 = arith.addi %mul3A_664, %add3A_821 : vector<16xi32>
        tpu.vector_store_idx %arg7[%broadcast_in_dim3A_661, %add3A_822, %broadcast_in_dim3A_809], %unpack3A_816 : memref<2x64x257xf32, #tpu.memory_space<vmem>>[vector<16xi32>, vector<16xi32>, vector<16xi32>], vector<16xf32>,
        %get3A_823 = arith.index_cast %select_n3A_660 : i32 to index
        %get3A_824 = arith.index_cast %add3A_808 : i32 to index
        %get3A_825 = arith.constant 16 : index
        %get3A_826 = tpu.vector_load %arg6[%get3A_823, %get3A_824, %get3A_825] {strides = array<i32>} : memref<2x256x32xi32, #tpu.memory_space<vmem>>, vector<16xi32>,
        %bitcast3A_827 = vector.bitcast %get3A_826 : vector<16xi32> to vector<32xbf16>
        %unpack3A_828 = tpu.unpack_subelements %bitcast3A_827, 0 {pack_format = #tpu.pack_format<interleaved>} : vector<32xbf16> -> vector<16xf32>
        %unpack3A_829 = tpu.unpack_subelements %bitcast3A_827, 1 {pack_format = #tpu.pack_format<interleaved>} : vector<32xbf16> -> vector<16xf32>
        %add3A_830 = arith.constant 32 : i32
        %add3A_831 = vector.broadcast %add3A_830 : i32 to vector<16xi32>
        %add3A_832 = arith.addi %mul3A_664, %add3A_831 : vector<16xi32>
        tpu.vector_store_idx %arg7[%broadcast_in_dim3A_661, %add3A_832, %broadcast_in_dim3A_809], %unpack3A_828 : memref<2x64x257xf32, #tpu.memory_space<vmem>>[vector<16xi32>, vector<16xi32>, vector<16xi32>], vector<16xf32>,
        %add3A_833 = arith.constant 33 : i32
        %add3A_834 = vector.broadcast %add3A_833 : i32 to vector<16xi32>
        %add3A_835 = arith.addi %mul3A_664, %add3A_834 : vector<16xi32>
        tpu.vector_store_idx %arg7[%broadcast_in_dim3A_661, %add3A_835, %broadcast_in_dim3A_809], %unpack3A_829 : memref<2x64x257xf32, #tpu.memory_space<vmem>>[vector<16xi32>, vector<16xi32>, vector<16xi32>], vector<16xf32>,
        %mul3A_836 = arith.constant 8 : i32
        %mul3A_837 = arith.muli %scan3A_745, %mul3A_836 : i32
        %add3A_838 = arith.constant 3 : i32
        %add3A_839 = arith.addi %mul3A_837, %add3A_838 : i32
        %broadcast_in_dim3A_840 = vector.broadcast %add3A_839 : i32 to vector<16xi32>
        %get3A_841 = arith.index_cast %select_n3A_660 : i32 to index
        %get3A_842 = arith.index_cast %add3A_839 : i32 to index
        %get3A_843 = arith.constant 0 : index
        %get3A_844 = tpu.vector_load %arg6[%get3A_841, %get3A_842, %get3A_843] {strides = array<i32>} : memref<2x256x32xi32, #tpu.memory_space<vmem>>, vector<16xi32>,
        %bitcast3A_845 = vector.bitcast %get3A_844 : vector<16xi32> to vector<32xbf16>
        %unpack3A_846 = tpu.unpack_subelements %bitcast3A_845, 0 {pack_format = #tpu.pack_format<interleaved>} : vector<32xbf16> -> vector<16xf32>
        %unpack3A_847 = tpu.unpack_subelements %bitcast3A_845, 1 {pack_format = #tpu.pack_format<interleaved>} : vector<32xbf16> -> vector<16xf32>
        %add3A_848 = arith.constant 0 : i32
        %add3A_849 = vector.broadcast %add3A_848 : i32 to vector<16xi32>
        %add3A_850 = arith.addi %mul3A_664, %add3A_849 : vector<16xi32>
        tpu.vector_store_idx %arg7[%broadcast_in_dim3A_661, %add3A_850, %broadcast_in_dim3A_840], %unpack3A_846 : memref<2x64x257xf32, #tpu.memory_space<vmem>>[vector<16xi32>, vector<16xi32>, vector<16xi32>], vector<16xf32>,
        %add3A_851 = arith.constant 1 : i32
        %add3A_852 = vector.broadcast %add3A_851 : i32 to vector<16xi32>
        %add3A_853 = arith.addi %mul3A_664, %add3A_852 : vector<16xi32>
        tpu.vector_store_idx %arg7[%broadcast_in_dim3A_661, %add3A_853, %broadcast_in_dim3A_840], %unpack3A_847 : memref<2x64x257xf32, #tpu.memory_space<vmem>>[vector<16xi32>, vector<16xi32>, vector<16xi32>], vector<16xf32>,
        %get3A_854 = arith.index_cast %select_n3A_660 : i32 to index
        %get3A_855 = arith.index_cast %add3A_839 : i32 to index
        %get3A_856 = arith.constant 16 : index
        %get3A_857 = tpu.vector_load %arg6[%get3A_854, %get3A_855, %get3A_856] {strides = array<i32>} : memref<2x256x32xi32, #tpu.memory_space<vmem>>, vector<16xi32>,
        %bitcast3A_858 = vector.bitcast %get3A_857 : vector<16xi32> to vector<32xbf16>
        %unpack3A_859 = tpu.unpack_subelements %bitcast3A_858, 0 {pack_format = #tpu.pack_format<interleaved>} : vector<32xbf16> -> vector<16xf32>
        %unpack3A_860 = tpu.unpack_subelements %bitcast3A_858, 1 {pack_format = #tpu.pack_format<interleaved>} : vector<32xbf16> -> vector<16xf32>
        %add3A_861 = arith.constant 32 : i32
        %add3A_862 = vector.broadcast %add3A_861 : i32 to vector<16xi32>
        %add3A_863 = arith.addi %mul3A_664, %add3A_862 : vector<16xi32>
        tpu.vector_store_idx %arg7[%broadcast_in_dim3A_661, %add3A_863, %broadcast_in_dim3A_840], %unpack3A_859 : memref<2x64x257xf32, #tpu.memory_space<vmem>>[vector<16xi32>, vector<16xi32>, vector<16xi32>], vector<16xf32>,
        %add3A_864 = arith.constant 33 : i32
        %add3A_865 = vector.broadcast %add3A_864 : i32 to vector<16xi32>
        %add3A_866 = arith.addi %mul3A_664, %add3A_865 : vector<16xi32>
        tpu.vector_store_idx %arg7[%broadcast_in_dim3A_661, %add3A_866, %broadcast_in_dim3A_840], %unpack3A_860 : memref<2x64x257xf32, #tpu.memory_space<vmem>>[vector<16xi32>, vector<16xi32>, vector<16xi32>], vector<16xf32>,
        %mul3A_867 = arith.constant 8 : i32
        %mul3A_868 = arith.muli %scan3A_745, %mul3A_867 : i32
        %add3A_869 = arith.constant 4 : i32
        %add3A_870 = arith.addi %mul3A_868, %add3A_869 : i32
        %broadcast_in_dim3A_871 = vector.broadcast %add3A_870 : i32 to vector<16xi32>
        %get3A_872 = arith.index_cast %select_n3A_660 : i32 to index
        %get3A_873 = arith.index_cast %add3A_870 : i32 to index
        %get3A_874 = arith.constant 0 : index
        %get3A_875 = tpu.vector_load %arg6[%get3A_872, %get3A_873, %get3A_874] {strides = array<i32>} : memref<2x256x32xi32, #tpu.memory_space<vmem>>, vector<16xi32>,
        %bitcast3A_876 = vector.bitcast %get3A_875 : vector<16xi32> to vector<32xbf16>
        %unpack3A_877 = tpu.unpack_subelements %bitcast3A_876, 0 {pack_format = #tpu.pack_format<interleaved>} : vector<32xbf16> -> vector<16xf32>
        %unpack3A_878 = tpu.unpack_subelements %bitcast3A_876, 1 {pack_format = #tpu.pack_format<interleaved>} : vector<32xbf16> -> vector<16xf32>
        %add3A_879 = arith.constant 0 : i32
        %add3A_880 = vector.broadcast %add3A_879 : i32 to vector<16xi32>
        %add3A_881 = arith.addi %mul3A_664, %add3A_880 : vector<16xi32>
        tpu.vector_store_idx %arg7[%broadcast_in_dim3A_661, %add3A_881, %broadcast_in_dim3A_871], %unpack3A_877 : memref<2x64x257xf32, #tpu.memory_space<vmem>>[vector<16xi32>, vector<16xi32>, vector<16xi32>], vector<16xf32>,
        %add3A_882 = arith.constant 1 : i32
        %add3A_883 = vector.broadcast %add3A_882 : i32 to vector<16xi32>
        %add3A_884 = arith.addi %mul3A_664, %add3A_883 : vector<16xi32>
        tpu.vector_store_idx %arg7[%broadcast_in_dim3A_661, %add3A_884, %broadcast_in_dim3A_871], %unpack3A_878 : memref<2x64x257xf32, #tpu.memory_space<vmem>>[vector<16xi32>, vector<16xi32>, vector<16xi32>], vector<16xf32>,
        %get3A_885 = arith.index_cast %select_n3A_660 : i32 to index
        %get3A_886 = arith.index_cast %add3A_870 : i32 to index
        %get3A_887 = arith.constant 16 : index
        %get3A_888 = tpu.vector_load %arg6[%get3A_885, %get3A_886, %get3A_887] {strides = array<i32>} : memref<2x256x32xi32, #tpu.memory_space<vmem>>, vector<16xi32>,
        %bitcast3A_889 = vector.bitcast %get3A_888 : vector<16xi32> to vector<32xbf16>
        %unpack3A_890 = tpu.unpack_subelements %bitcast3A_889, 0 {pack_format = #tpu.pack_format<interleaved>} : vector<32xbf16> -> vector<16xf32>
        %unpack3A_891 = tpu.unpack_subelements %bitcast3A_889, 1 {pack_format = #tpu.pack_format<interleaved>} : vector<32xbf16> -> vector<16xf32>
        %add3A_892 = arith.constant 32 : i32
        %add3A_893 = vector.broadcast %add3A_892 : i32 to vector<16xi32>
        %add3A_894 = arith.addi %mul3A_664, %add3A_893 : vector<16xi32>
        tpu.vector_store_idx %arg7[%broadcast_in_dim3A_661, %add3A_894, %broadcast_in_dim3A_871], %unpack3A_890 : memref<2x64x257xf32, #tpu.memory_space<vmem>>[vector<16xi32>, vector<16xi32>, vector<16xi32>], vector<16xf32>,
        %add3A_895 = arith.constant 33 : i32
        %add3A_896 = vector.broadcast %add3A_895 : i32 to vector<16xi32>
        %add3A_897 = arith.addi %mul3A_664, %add3A_896 : vector<16xi32>
        tpu.vector_store_idx %arg7[%broadcast_in_dim3A_661, %add3A_897, %broadcast_in_dim3A_871], %unpack3A_891 : memref<2x64x257xf32, #tpu.memory_space<vmem>>[vector<16xi32>, vector<16xi32>, vector<16xi32>], vector<16xf32>,
        %mul3A_898 = arith.constant 8 : i32
        %mul3A_899 = arith.muli %scan3A_745, %mul3A_898 : i32
        %add3A_900 = arith.constant 5 : i32
        %add3A_901 = arith.addi %mul3A_899, %add3A_900 : i32
        %broadcast_in_dim3A_902 = vector.broadcast %add3A_901 : i32 to vector<16xi32>
        %get3A_903 = arith.index_cast %select_n3A_660 : i32 to index
        %get3A_904 = arith.index_cast %add3A_901 : i32 to index
        %get3A_905 = arith.constant 0 : index
        %get3A_906 = tpu.vector_load %arg6[%get3A_903, %get3A_904, %get3A_905] {strides = array<i32>} : memref<2x256x32xi32, #tpu.memory_space<vmem>>, vector<16xi32>,
        %bitcast3A_907 = vector.bitcast %get3A_906 : vector<16xi32> to vector<32xbf16>
        %unpack3A_908 = tpu.unpack_subelements %bitcast3A_907, 0 {pack_format = #tpu.pack_format<interleaved>} : vector<32xbf16> -> vector<16xf32>
        %unpack3A_909 = tpu.unpack_subelements %bitcast3A_907, 1 {pack_format = #tpu.pack_format<interleaved>} : vector<32xbf16> -> vector<16xf32>
        %add3A_910 = arith.constant 0 : i32
        %add3A_911 = vector.broadcast %add3A_910 : i32 to vector<16xi32>
        %add3A_912 = arith.addi %mul3A_664, %add3A_911 : vector<16xi32>
        tpu.vector_store_idx %arg7[%broadcast_in_dim3A_661, %add3A_912, %broadcast_in_dim3A_902], %unpack3A_908 : memref<2x64x257xf32, #tpu.memory_space<vmem>>[vector<16xi32>, vector<16xi32>, vector<16xi32>], vector<16xf32>,
        %add3A_913 = arith.constant 1 : i32
        %add3A_914 = vector.broadcast %add3A_913 : i32 to vector<16xi32>
        %add3A_915 = arith.addi %mul3A_664, %add3A_914 : vector<16xi32>
        tpu.vector_store_idx %arg7[%broadcast_in_dim3A_661, %add3A_915, %broadcast_in_dim3A_902], %unpack3A_909 : memref<2x64x257xf32, #tpu.memory_space<vmem>>[vector<16xi32>, vector<16xi32>, vector<16xi32>], vector<16xf32>,
        %get3A_916 = arith.index_cast %select_n3A_660 : i32 to index
        %get3A_917 = arith.index_cast %add3A_901 : i32 to index
        %get3A_918 = arith.constant 16 : index
        %get3A_919 = tpu.vector_load %arg6[%get3A_916, %get3A_917, %get3A_918] {strides = array<i32>} : memref<2x256x32xi32, #tpu.memory_space<vmem>>, vector<16xi32>,
        %bitcast3A_920 = vector.bitcast %get3A_919 : vector<16xi32> to vector<32xbf16>
        %unpack3A_921 = tpu.unpack_subelements %bitcast3A_920, 0 {pack_format = #tpu.pack_format<interleaved>} : vector<32xbf16> -> vector<16xf32>
        %unpack3A_922 = tpu.unpack_subelements %bitcast3A_920, 1 {pack_format = #tpu.pack_format<interleaved>} : vector<32xbf16> -> vector<16xf32>
        %add3A_923 = arith.constant 32 : i32
        %add3A_924 = vector.broadcast %add3A_923 : i32 to vector<16xi32>
        %add3A_925 = arith.addi %mul3A_664, %add3A_924 : vector<16xi32>
        tpu.vector_store_idx %arg7[%broadcast_in_dim3A_661, %add3A_925, %broadcast_in_dim3A_902], %unpack3A_921 : memref<2x64x257xf32, #tpu.memory_space<vmem>>[vector<16xi32>, vector<16xi32>, vector<16xi32>], vector<16xf32>,
        %add3A_926 = arith.constant 33 : i32
        %add3A_927 = vector.broadcast %add3A_926 : i32 to vector<16xi32>
        %add3A_928 = arith.addi %mul3A_664, %add3A_927 : vector<16xi32>
        tpu.vector_store_idx %arg7[%broadcast_in_dim3A_661, %add3A_928, %broadcast_in_dim3A_902], %unpack3A_922 : memref<2x64x257xf32, #tpu.memory_space<vmem>>[vector<16xi32>, vector<16xi32>, vector<16xi32>], vector<16xf32>,
        %mul3A_929 = arith.constant 8 : i32
        %mul3A_930 = arith.muli %scan3A_745, %mul3A_929 : i32
        %add3A_931 = arith.constant 6 : i32
        %add3A_932 = arith.addi %mul3A_930, %add3A_931 : i32
        %broadcast_in_dim3A_933 = vector.broadcast %add3A_932 : i32 to vector<16xi32>
        %get3A_934 = arith.index_cast %select_n3A_660 : i32 to index
        %get3A_935 = arith.index_cast %add3A_932 : i32 to index
        %get3A_936 = arith.constant 0 : index
        %get3A_937 = tpu.vector_load %arg6[%get3A_934, %get3A_935, %get3A_936] {strides = array<i32>} : memref<2x256x32xi32, #tpu.memory_space<vmem>>, vector<16xi32>,
        %bitcast3A_938 = vector.bitcast %get3A_937 : vector<16xi32> to vector<32xbf16>
        %unpack3A_939 = tpu.unpack_subelements %bitcast3A_938, 0 {pack_format = #tpu.pack_format<interleaved>} : vector<32xbf16> -> vector<16xf32>
        %unpack3A_940 = tpu.unpack_subelements %bitcast3A_938, 1 {pack_format = #tpu.pack_format<interleaved>} : vector<32xbf16> -> vector<16xf32>
        %add3A_941 = arith.constant 0 : i32
        %add3A_942 = vector.broadcast %add3A_941 : i32 to vector<16xi32>
        %add3A_943 = arith.addi %mul3A_664, %add3A_942 : vector<16xi32>
        tpu.vector_store_idx %arg7[%broadcast_in_dim3A_661, %add3A_943, %broadcast_in_dim3A_933], %unpack3A_939 : memref<2x64x257xf32, #tpu.memory_space<vmem>>[vector<16xi32>, vector<16xi32>, vector<16xi32>], vector<16xf32>,
        %add3A_944 = arith.constant 1 : i32
        %add3A_945 = vector.broadcast %add3A_944 : i32 to vector<16xi32>
        %add3A_946 = arith.addi %mul3A_664, %add3A_945 : vector<16xi32>
        tpu.vector_store_idx %arg7[%broadcast_in_dim3A_661, %add3A_946, %broadcast_in_dim3A_933], %unpack3A_940 : memref<2x64x257xf32, #tpu.memory_space<vmem>>[vector<16xi32>, vector<16xi32>, vector<16xi32>], vector<16xf32>,
        %get3A_947 = arith.index_cast %select_n3A_660 : i32 to index
        %get3A_948 = arith.index_cast %add3A_932 : i32 to index
        %get3A_949 = arith.constant 16 : index
        %get3A_950 = tpu.vector_load %arg6[%get3A_947, %get3A_948, %get3A_949] {strides = array<i32>} : memref<2x256x32xi32, #tpu.memory_space<vmem>>, vector<16xi32>,
        %bitcast3A_951 = vector.bitcast %get3A_950 : vector<16xi32> to vector<32xbf16>
        %unpack3A_952 = tpu.unpack_subelements %bitcast3A_951, 0 {pack_format = #tpu.pack_format<interleaved>} : vector<32xbf16> -> vector<16xf32>
        %unpack3A_953 = tpu.unpack_subelements %bitcast3A_951, 1 {pack_format = #tpu.pack_format<interleaved>} : vector<32xbf16> -> vector<16xf32>
        %add3A_954 = arith.constant 32 : i32
        %add3A_955 = vector.broadcast %add3A_954 : i32 to vector<16xi32>
        %add3A_956 = arith.addi %mul3A_664, %add3A_955 : vector<16xi32>
        tpu.vector_store_idx %arg7[%broadcast_in_dim3A_661, %add3A_956, %broadcast_in_dim3A_933], %unpack3A_952 : memref<2x64x257xf32, #tpu.memory_space<vmem>>[vector<16xi32>, vector<16xi32>, vector<16xi32>], vector<16xf32>,
        %add3A_957 = arith.constant 33 : i32
        %add3A_958 = vector.broadcast %add3A_957 : i32 to vector<16xi32>
        %add3A_959 = arith.addi %mul3A_664, %add3A_958 : vector<16xi32>
        tpu.vector_store_idx %arg7[%broadcast_in_dim3A_661, %add3A_959, %broadcast_in_dim3A_933], %unpack3A_953 : memref<2x64x257xf32, #tpu.memory_space<vmem>>[vector<16xi32>, vector<16xi32>, vector<16xi32>], vector<16xf32>,
        %mul3A_960 = arith.constant 8 : i32
        %mul3A_961 = arith.muli %scan3A_745, %mul3A_960 : i32
        %add3A_962 = arith.constant 7 : i32
        %add3A_963 = arith.addi %mul3A_961, %add3A_962 : i32
        %broadcast_in_dim3A_964 = vector.broadcast %add3A_963 : i32 to vector<16xi32>
        %get3A_965 = arith.index_cast %select_n3A_660 : i32 to index
        %get3A_966 = arith.index_cast %add3A_963 : i32 to index
        %get3A_967 = arith.constant 0 : index
        %get3A_968 = tpu.vector_load %arg6[%get3A_965, %get3A_966, %get3A_967] {strides = array<i32>} : memref<2x256x32xi32, #tpu.memory_space<vmem>>, vector<16xi32>,
        %bitcast3A_969 = vector.bitcast %get3A_968 : vector<16xi32> to vector<32xbf16>
        %unpack3A_970 = tpu.unpack_subelements %bitcast3A_969, 0 {pack_format = #tpu.pack_format<interleaved>} : vector<32xbf16> -> vector<16xf32>
        %unpack3A_971 = tpu.unpack_subelements %bitcast3A_969, 1 {pack_format = #tpu.pack_format<interleaved>} : vector<32xbf16> -> vector<16xf32>
        %add3A_972 = arith.constant 0 : i32
        %add3A_973 = vector.broadcast %add3A_972 : i32 to vector<16xi32>
        %add3A_974 = arith.addi %mul3A_664, %add3A_973 : vector<16xi32>
        tpu.vector_store_idx %arg7[%broadcast_in_dim3A_661, %add3A_974, %broadcast_in_dim3A_964], %unpack3A_970 : memref<2x64x257xf32, #tpu.memory_space<vmem>>[vector<16xi32>, vector<16xi32>, vector<16xi32>], vector<16xf32>,
        %add3A_975 = arith.constant 1 : i32
        %add3A_976 = vector.broadcast %add3A_975 : i32 to vector<16xi32>
        %add3A_977 = arith.addi %mul3A_664, %add3A_976 : vector<16xi32>
        tpu.vector_store_idx %arg7[%broadcast_in_dim3A_661, %add3A_977, %broadcast_in_dim3A_964], %unpack3A_971 : memref<2x64x257xf32, #tpu.memory_space<vmem>>[vector<16xi32>, vector<16xi32>, vector<16xi32>], vector<16xf32>,
        %get3A_978 = arith.index_cast %select_n3A_660 : i32 to index
        %get3A_979 = arith.index_cast %add3A_963 : i32 to index
        %get3A_980 = arith.constant 16 : index
        %get3A_981 = tpu.vector_load %arg6[%get3A_978, %get3A_979, %get3A_980] {strides = array<i32>} : memref<2x256x32xi32, #tpu.memory_space<vmem>>, vector<16xi32>,
        %bitcast3A_982 = vector.bitcast %get3A_981 : vector<16xi32> to vector<32xbf16>
        %unpack3A_983 = tpu.unpack_subelements %bitcast3A_982, 0 {pack_format = #tpu.pack_format<interleaved>} : vector<32xbf16> -> vector<16xf32>
        %unpack3A_984 = tpu.unpack_subelements %bitcast3A_982, 1 {pack_format = #tpu.pack_format<interleaved>} : vector<32xbf16> -> vector<16xf32>
        %add3A_985 = arith.constant 32 : i32
        %add3A_986 = vector.broadcast %add3A_985 : i32 to vector<16xi32>
        %add3A_987 = arith.addi %mul3A_664, %add3A_986 : vector<16xi32>
        tpu.vector_store_idx %arg7[%broadcast_in_dim3A_661, %add3A_987, %broadcast_in_dim3A_964], %unpack3A_983 : memref<2x64x257xf32, #tpu.memory_space<vmem>>[vector<16xi32>, vector<16xi32>, vector<16xi32>], vector<16xf32>,
        %add3A_988 = arith.constant 33 : i32
        %add3A_989 = vector.broadcast %add3A_988 : i32 to vector<16xi32>
        %add3A_990 = arith.addi %mul3A_664, %add3A_989 : vector<16xi32>
        tpu.vector_store_idx %arg7[%broadcast_in_dim3A_661, %add3A_990, %broadcast_in_dim3A_964], %unpack3A_984 : memref<2x64x257xf32, #tpu.memory_space<vmem>>[vector<16xi32>, vector<16xi32>, vector<16xi32>], vector<16xf32>,
      }
      %scan3A_670 = arith.constant 32 : i32
      %add3A_671 = arith.addi %mul3A_2, %add3A_511 : i32
      %jit3A_672 = arith.constant 64 : i32
      %div3A_673 = arith.divsi %add3A_671, %jit3A_672 : i32
      %sign3A_674 = arith.constant 0 : i32
      %sign3A_675 = arith.cmpi sgt, %add3A_671, %sign3A_674 : i32
      %sign3A_676 = arith.extui %sign3A_675 : i1 to i32
      %sign3A_677 = arith.constant 0 : i32
      %sign3A_678 = arith.cmpi slt, %add3A_671, %sign3A_677 : i32
      %sign3A_679 = arith.extui %sign3A_678 : i1 to i32
      %sign3A_680 = arith.subi %sign3A_676, %sign3A_679 : i32
      %sign3A_681 = arith.constant 0 : i32
      %sign3A_682 = arith.cmpi sgt, %jit3A_672, %sign3A_681 : i32
      %sign3A_683 = arith.extui %sign3A_682 : i1 to i32
      %sign3A_684 = arith.constant 0 : i32
      %sign3A_685 = arith.cmpi slt, %jit3A_672, %sign3A_684 : i32
      %sign3A_686 = arith.extui %sign3A_685 : i1 to i32
      %sign3A_687 = arith.subi %sign3A_683, %sign3A_686 : i32
      %ne3A_688 = arith.cmpi ne, %sign3A_680, %sign3A_687 : i32
      %rem3A_689 = arith.remsi %add3A_671, %jit3A_672 : i32
      %ne3A_690 = arith.constant 0 : i32
      %ne3A_691 = arith.cmpi ne, %rem3A_689, %ne3A_690 : i32
      %and3A_692 = arith.andi %ne3A_688, %ne3A_691 : i1
      %sub3A_693 = arith.constant 1 : i32
      %sub3A_694 = arith.subi %div3A_673, %sub3A_693 : i32
      %select_n3A_695 = arith.select %and3A_692, %sub3A_694, %div3A_673 : i32
      %jit3A_696 = arith.constant 64 : i32
      %eq3A_697 = arith.constant 0 : i32
      %eq3A_698 = arith.cmpi eq, %jit3A_696, %eq3A_697 : i32
      %jit3A_699 = arith.constant 1 : i32
      %select_n3A_700 = arith.select %eq3A_698, %jit3A_699, %jit3A_696 : i32
      %rem3A_701 = arith.remsi %add3A_671, %select_n3A_700 : i32
      %ne3A_702 = arith.constant 0 : i32
      %ne3A_703 = arith.cmpi ne, %rem3A_701, %ne3A_702 : i32
      %lt3A_704 = arith.constant 0 : i32
      %lt3A_705 = arith.cmpi slt, %rem3A_701, %lt3A_704 : i32
      %lt3A_706 = arith.constant 0 : i32
      %lt3A_707 = arith.cmpi slt, %select_n3A_700, %lt3A_706 : i32
      %ne3A_708 = arith.xori %lt3A_705, %lt3A_707 : i1
      %and3A_709 = arith.andi %ne3A_708, %ne3A_703 : i1
      %add3A_710 = arith.addi %rem3A_701, %select_n3A_700 : i32
      %select_n3A_711 = arith.select %and3A_709, %add3A_710, %rem3A_701 : i32
      %mul3A_712 = arith.constant 256 : i32
      %mul3A_713 = arith.muli %select_n3A_711, %mul3A_712 : i32
      %multiple_of3A_714 = tpu.assume_multiple %mul3A_713, 256 : i32
      %jit3A_715 = arith.constant 2 : i32
      %eq3A_716 = arith.constant 0 : i32
      %eq3A_717 = arith.cmpi eq, %jit3A_715, %eq3A_716 : i32
      %jit3A_718 = arith.constant 1 : i32
      %select_n3A_719 = arith.select %eq3A_717, %jit3A_718, %jit3A_715 : i32
      %rem3A_720 = arith.remsi %add3A_511, %select_n3A_719 : i32
      %ne3A_721 = arith.constant 0 : i32
      %ne3A_722 = arith.cmpi ne, %rem3A_720, %ne3A_721 : i32
      %lt3A_723 = arith.constant 0 : i32
      %lt3A_724 = arith.cmpi slt, %rem3A_720, %lt3A_723 : i32
      %lt3A_725 = arith.constant 0 : i32
      %lt3A_726 = arith.cmpi slt, %select_n3A_719, %lt3A_725 : i32
      %ne3A_727 = arith.xori %lt3A_724, %lt3A_726 : i1
      %and3A_728 = arith.andi %ne3A_727, %ne3A_722 : i1
      %add3A_729 = arith.addi %rem3A_720, %select_n3A_719 : i32
      %select_n3A_730 = arith.select %and3A_728, %add3A_729, %rem3A_720 : i32
      %dma_start3A_731 = arith.constant 0 : i32
      %dma_start3A_732 = arith.constant 0 : i32
      %dma_start3A_733 = tpu.memref_slice %arg7[%select_n3A_730, %dma_start3A_731, %dma_start3A_732] : memref<2x64x257xf32, #tpu.memory_space<vmem>> -> memref<1x64x256xf32, #tpu.memory_space<vmem>>
      %dma_start3A_734 = tpu.memref_squeeze %dma_start3A_733 : memref<1x64x256xf32, #tpu.memory_space<vmem>> -> memref<64x256xf32, #tpu.memory_space<vmem>>
      %dma_start3A_735 = arith.constant 0 : i32
      %dma_start3A_736 = tpu.memref_slice %arg4[%select_n3A_695, %dma_start3A_735, %multiple_of3A_714] : memref<50x64x16384xf32, #tpu.memory_space<hbm>> -> memref<1x64x256xf32, #tpu.memory_space<hbm>>
      %dma_start3A_737 = tpu.memref_squeeze %dma_start3A_736 : memref<1x64x256xf32, #tpu.memory_space<hbm>> -> memref<64x256xf32, #tpu.memory_space<hbm>>
      %dma_start3A_738 = arith.constant 0 : i32
      %dma_start3A_739 = tpu.memref_slice %arg4[%select_n3A_695, %dma_start3A_738, %multiple_of3A_714] : memref<50x64x16384xf32, #tpu.memory_space<hbm>> -> memref<1x64x256xf32, #tpu.memory_space<hbm>>
      %dma_start3A_740 = tpu.memref_squeeze %dma_start3A_739 : memref<1x64x256xf32, #tpu.memory_space<hbm>> -> memref<64x256xf32, #tpu.memory_space<hbm>>
      %dma_start3A_741 = arith.constant 0 : i32
      %dma_start3A_742 = arith.constant 0 : i32
      %dma_start3A_743 = tpu.memref_slice %arg7[%select_n3A_730, %dma_start3A_741, %dma_start3A_742] : memref<2x64x257xf32, #tpu.memory_space<vmem>> -> memref<1x64x256xf32, #tpu.memory_space<vmem>>
      %dma_start3A_744 = tpu.memref_squeeze %dma_start3A_743 : memref<1x64x256xf32, #tpu.memory_space<vmem>> -> memref<64x256xf32, #tpu.memory_space<vmem>>
      tpu.enqueue_dma source(%dma_start3A_744 : memref<64x256xf32, #tpu.memory_space<vmem>>) target(%dma_start3A_740 : memref<64x256xf32, #tpu.memory_space<hbm>>) target_semaphore(%arg11 : memref<!tpu.dma_semaphore, #tpu.memory_space<semaphore_mem>>)
    }
    %scan3A_154 = arith.constant 50 : i32
    %add3A_155 = arith.constant 98 : i32
    %add3A_156 = arith.addi %mul3A_2, %add3A_155 : i32
    %jit3A_157 = arith.constant 64 : i32
    %div3A_158 = arith.divsi %add3A_156, %jit3A_157 : i32
    %sign3A_159 = arith.constant 0 : i32
    %sign3A_160 = arith.cmpi sgt, %add3A_156, %sign3A_159 : i32
    %sign3A_161 = arith.extui %sign3A_160 : i1 to i32
    %sign3A_162 = arith.constant 0 : i32
    %sign3A_163 = arith.cmpi slt, %add3A_156, %sign3A_162 : i32
    %sign3A_164 = arith.extui %sign3A_163 : i1 to i32
    %sign3A_165 = arith.subi %sign3A_161, %sign3A_164 : i32
    %sign3A_166 = arith.constant 0 : i32
    %sign3A_167 = arith.cmpi sgt, %jit3A_157, %sign3A_166 : i32
    %sign3A_168 = arith.extui %sign3A_167 : i1 to i32
    %sign3A_169 = arith.constant 0 : i32
    %sign3A_170 = arith.cmpi slt, %jit3A_157, %sign3A_169 : i32
    %sign3A_171 = arith.extui %sign3A_170 : i1 to i32
    %sign3A_172 = arith.subi %sign3A_168, %sign3A_171 : i32
    %ne3A_173 = arith.cmpi ne, %sign3A_165, %sign3A_172 : i32
    %rem3A_174 = arith.remsi %add3A_156, %jit3A_157 : i32
    %ne3A_175 = arith.constant 0 : i32
    %ne3A_176 = arith.cmpi ne, %rem3A_174, %ne3A_175 : i32
    %and3A_177 = arith.andi %ne3A_173, %ne3A_176 : i1
    %sub3A_178 = arith.constant 1 : i32
    %sub3A_179 = arith.subi %div3A_158, %sub3A_178 : i32
    %select_n3A_180 = arith.select %and3A_177, %sub3A_179, %div3A_158 : i32
    %jit3A_181 = arith.constant 64 : i32
    %eq3A_182 = arith.constant 0 : i32
    %eq3A_183 = arith.cmpi eq, %jit3A_181, %eq3A_182 : i32
    %jit3A_184 = arith.constant 1 : i32
    %select_n3A_185 = arith.select %eq3A_183, %jit3A_184, %jit3A_181 : i32
    %rem3A_186 = arith.remsi %add3A_156, %select_n3A_185 : i32
    %ne3A_187 = arith.constant 0 : i32
    %ne3A_188 = arith.cmpi ne, %rem3A_186, %ne3A_187 : i32
    %lt3A_189 = arith.constant 0 : i32
    %lt3A_190 = arith.cmpi slt, %rem3A_186, %lt3A_189 : i32
    %lt3A_191 = arith.constant 0 : i32
    %lt3A_192 = arith.cmpi slt, %select_n3A_185, %lt3A_191 : i32
    %ne3A_193 = arith.xori %lt3A_190, %lt3A_192 : i1
    %and3A_194 = arith.andi %ne3A_193, %ne3A_188 : i1
    %add3A_195 = arith.addi %rem3A_186, %select_n3A_185 : i32
    %select_n3A_196 = arith.select %and3A_194, %add3A_195, %rem3A_186 : i32
    %mul3A_197 = arith.constant 256 : i32
    %mul3A_198 = arith.muli %select_n3A_196, %mul3A_197 : i32
    %multiple_of3A_199 = tpu.assume_multiple %mul3A_198, 256 : i32
    %dma_wait3A = arith.constant 0 : i32
    %dma_wait3A_200 = arith.constant 0 : i32
    %dma_wait3A_201 = arith.constant 0 : i32
    %dma_wait3A_202 = tpu.memref_slice %arg7[%dma_wait3A, %dma_wait3A_200, %dma_wait3A_201] : memref<2x64x257xf32, #tpu.memory_space<vmem>> -> memref<1x64x256xf32, #tpu.memory_space<vmem>>
    %dma_wait3A_203 = tpu.memref_squeeze %dma_wait3A_202 : memref<1x64x256xf32, #tpu.memory_space<vmem>> -> memref<64x256xf32, #tpu.memory_space<vmem>>
    %dma_wait3A_204 = arith.constant 0 : i32
    %dma_wait3A_205 = tpu.memref_slice %arg4[%select_n3A_180, %dma_wait3A_204, %multiple_of3A_199] : memref<50x64x16384xf32, #tpu.memory_space<hbm>> -> memref<1x64x256xf32, #tpu.memory_space<hbm>>
    %dma_wait3A_206 = tpu.memref_squeeze %dma_wait3A_205 : memref<1x64x256xf32, #tpu.memory_space<hbm>> -> memref<64x256xf32, #tpu.memory_space<hbm>>
    %dma_wait3A_207 = arith.constant 0 : i32
    %dma_wait3A_208 = tpu.memref_slice %arg4[%select_n3A_180, %dma_wait3A_207, %multiple_of3A_199] : memref<50x64x16384xf32, #tpu.memory_space<hbm>> -> memref<1x64x256xf32, #tpu.memory_space<hbm>>
    %dma_wait3A_209 = tpu.memref_squeeze %dma_wait3A_208 : memref<1x64x256xf32, #tpu.memory_space<hbm>> -> memref<64x256xf32, #tpu.memory_space<hbm>>
    %dma_wait3A_210 = arith.constant 0 : i32
    %dma_wait3A_211 = arith.constant 0 : i32
    %dma_wait3A_212 = tpu.memref_slice %arg7[%dma_wait3A, %dma_wait3A_210, %dma_wait3A_211] : memref<2x64x257xf32, #tpu.memory_space<vmem>> -> memref<1x64x256xf32, #tpu.memory_space<vmem>>
    %dma_wait3A_213 = tpu.memref_squeeze %dma_wait3A_212 : memref<1x64x256xf32, #tpu.memory_space<vmem>> -> memref<64x256xf32, #tpu.memory_space<vmem>>
    tpu.wait_dma2 semaphore(%arg10 : memref<!tpu.dma_semaphore, #tpu.memory_space<semaphore_mem>>) src(%dma_wait3A_213 : memref<64x256xf32, #tpu.memory_space<vmem>>) dst(%dma_wait3A_209 : memref<64x256xf32, #tpu.memory_space<hbm>>)
    %add3A_214 = arith.constant 99 : i32
    %add3A_215 = arith.addi %mul3A_2, %add3A_214 : i32
    %jit3A_216 = arith.constant 64 : i32
    %div3A_217 = arith.divsi %add3A_215, %jit3A_216 : i32
    %sign3A_218 = arith.constant 0 : i32
    %sign3A_219 = arith.cmpi sgt, %add3A_215, %sign3A_218 : i32
    %sign3A_220 = arith.extui %sign3A_219 : i1 to i32
    %sign3A_221 = arith.constant 0 : i32
    %sign3A_222 = arith.cmpi slt, %add3A_215, %sign3A_221 : i32
    %sign3A_223 = arith.extui %sign3A_222 : i1 to i32
    %sign3A_224 = arith.subi %sign3A_220, %sign3A_223 : i32
    %sign3A_225 = arith.constant 0 : i32
    %sign3A_226 = arith.cmpi sgt, %jit3A_216, %sign3A_225 : i32
    %sign3A_227 = arith.extui %sign3A_226 : i1 to i32
    %sign3A_228 = arith.constant 0 : i32
    %sign3A_229 = arith.cmpi slt, %jit3A_216, %sign3A_228 : i32
    %sign3A_230 = arith.extui %sign3A_229 : i1 to i32
    %sign3A_231 = arith.subi %sign3A_227, %sign3A_230 : i32
    %ne3A_232 = arith.cmpi ne, %sign3A_224, %sign3A_231 : i32
    %rem3A_233 = arith.remsi %add3A_215, %jit3A_216 : i32
    %ne3A_234 = arith.constant 0 : i32
    %ne3A_235 = arith.cmpi ne, %rem3A_233, %ne3A_234 : i32
    %and3A_236 = arith.andi %ne3A_232, %ne3A_235 : i1
    %sub3A_237 = arith.constant 1 : i32
    %sub3A_238 = arith.subi %div3A_217, %sub3A_237 : i32
    %select_n3A_239 = arith.select %and3A_236, %sub3A_238, %div3A_217 : i32
    %jit3A_240 = arith.constant 64 : i32
    %eq3A_241 = arith.constant 0 : i32
    %eq3A_242 = arith.cmpi eq, %jit3A_240, %eq3A_241 : i32
    %jit3A_243 = arith.constant 1 : i32
    %select_n3A_244 = arith.select %eq3A_242, %jit3A_243, %jit3A_240 : i32
    %rem3A_245 = arith.remsi %add3A_215, %select_n3A_244 : i32
    %ne3A_246 = arith.constant 0 : i32
    %ne3A_247 = arith.cmpi ne, %rem3A_245, %ne3A_246 : i32
    %lt3A_248 = arith.constant 0 : i32
    %lt3A_249 = arith.cmpi slt, %rem3A_245, %lt3A_248 : i32
    %lt3A_250 = arith.constant 0 : i32
    %lt3A_251 = arith.cmpi slt, %select_n3A_244, %lt3A_250 : i32
    %ne3A_252 = arith.xori %lt3A_249, %lt3A_251 : i1
    %and3A_253 = arith.andi %ne3A_252, %ne3A_247 : i1
    %add3A_254 = arith.addi %rem3A_245, %select_n3A_244 : i32
    %select_n3A_255 = arith.select %and3A_253, %add3A_254, %rem3A_245 : i32
    %mul3A_256 = arith.constant 256 : i32
    %mul3A_257 = arith.muli %select_n3A_255, %mul3A_256 : i32
    %multiple_of3A_258 = tpu.assume_multiple %mul3A_257, 256 : i32
    %dma_wait3A_259 = arith.constant 1 : i32
    %dma_wait3A_260 = arith.constant 0 : i32
    %dma_wait3A_261 = arith.constant 0 : i32
    %dma_wait3A_262 = tpu.memref_slice %arg7[%dma_wait3A_259, %dma_wait3A_260, %dma_wait3A_261] : memref<2x64x257xf32, #tpu.memory_space<vmem>> -> memref<1x64x256xf32, #tpu.memory_space<vmem>>
    %dma_wait3A_263 = tpu.memref_squeeze %dma_wait3A_262 : memref<1x64x256xf32, #tpu.memory_space<vmem>> -> memref<64x256xf32, #tpu.memory_space<vmem>>
    %dma_wait3A_264 = arith.constant 0 : i32
    %dma_wait3A_265 = tpu.memref_slice %arg4[%select_n3A_239, %dma_wait3A_264, %multiple_of3A_258] : memref<50x64x16384xf32, #tpu.memory_space<hbm>> -> memref<1x64x256xf32, #tpu.memory_space<hbm>>
    %dma_wait3A_266 = tpu.memref_squeeze %dma_wait3A_265 : memref<1x64x256xf32, #tpu.memory_space<hbm>> -> memref<64x256xf32, #tpu.memory_space<hbm>>
    %dma_wait3A_267 = arith.constant 0 : i32
    %dma_wait3A_268 = tpu.memref_slice %arg4[%select_n3A_239, %dma_wait3A_267, %multiple_of3A_258] : memref<50x64x16384xf32, #tpu.memory_space<hbm>> -> memref<1x64x256xf32, #tpu.memory_space<hbm>>
    %dma_wait3A_269 = tpu.memref_squeeze %dma_wait3A_268 : memref<1x64x256xf32, #tpu.memory_space<hbm>> -> memref<64x256xf32, #tpu.memory_space<hbm>>
    %dma_wait3A_270 = arith.constant 0 : i32
    %dma_wait3A_271 = arith.constant 0 : i32
    %dma_wait3A_272 = tpu.memref_slice %arg7[%dma_wait3A_259, %dma_wait3A_270, %dma_wait3A_271] : memref<2x64x257xf32, #tpu.memory_space<vmem>> -> memref<1x64x256xf32, #tpu.memory_space<vmem>>
    %dma_wait3A_273 = tpu.memref_squeeze %dma_wait3A_272 : memref<1x64x256xf32, #tpu.memory_space<vmem>> -> memref<64x256xf32, #tpu.memory_space<vmem>>
    tpu.wait_dma2 semaphore(%arg11 : memref<!tpu.dma_semaphore, #tpu.memory_space<semaphore_mem>>) src(%dma_wait3A_273 : memref<64x256xf32, #tpu.memory_space<vmem>>) dst(%dma_wait3A_269 : memref<64x256xf32, #tpu.memory_space<hbm>>)
    return
  }
}

module attributes {stable_mosaic.version = 14 : i64} {
  func.func @mm(%arg0: i32, %arg1: memref<64x16384xf32, #tpu.memory_space<vmem>>, %arg2: memref<64x32xf32, #tpu.memory_space<vmem>>, %arg3: memref<64x32xf32, #tpu.memory_space<vmem>>, %arg4: memref<16384x32xi32, #tpu.memory_space<vmem>>) attributes {dimension_semantics = [#tpu.dimension_semantics<arbitrary>], iteration_bounds = array<i64: 62>, scalar_prefetch = 0 : i64, scratch_operands = 0 : i64, tpu.core_type = #tpu.core_type<tc>, window_params = [{transform_indices = @transform_0, window_bounds = array<i64: 64, 16384>}, {pipeline_mode = #tpu.pipeline_mode<synchronous>, transform_indices = @transform_1, window_bounds = array<i64: 64, 32>}, {pipeline_mode = #tpu.pipeline_mode<synchronous>, transform_indices = @transform_2, window_bounds = array<i64: 64, 32>}, {transform_indices = @transform_3, window_bounds = array<i64: 16384, 32>}]} {
    %get3A = arith.constant 0 : index
    %get3A_0 = arith.constant 0 : index
    %get3A_1 = vector.load %arg1[%get3A, %get3A_0] : memref<64x16384xf32, #tpu.memory_space<vmem>>, vector<64x16384xf32>
    %get3A_2 = arith.constant 0 : index
    %get3A_3 = arith.constant 0 : index
    %get3A_4 = vector.load %arg2[%get3A_2, %get3A_3] : memref<64x32xf32, #tpu.memory_space<vmem>>, vector<64x32xf32>
    %dot_general3A = arith.constant dense<0.000000e+00> : vector<16384x32xf32>
    %dot_general3A_5 = tpu.matmul %get3A_1, %get3A_4, %dot_general3A {dimension_numbers = #tpu.dot_dimension_numbers<[0], [0], [1], [1], [0, 1, 1, 1], [], []>, transpose_lhs_hint = false} : vector<64x16384xf32>, vector<64x32xf32>, vector<16384x32xf32> -> vector<16384x32xf32>
    %convert_element_type3A = arith.truncf %dot_general3A_5 : vector<16384x32xf32> to vector<16384x32xbf16>
    %bitcast_convert_type3A = tpu.bitcast %convert_element_type3A : vector<16384x32xbf16> -> vector<16384x32xi16>
    %convert_element_type3A_6 = arith.extui %bitcast_convert_type3A : vector<16384x32xi16> to vector<16384x32xi32>
    %get3A_7 = arith.constant 0 : index
    %get3A_8 = arith.constant 0 : index
    %get3A_9 = vector.load %arg1[%get3A_7, %get3A_8] : memref<64x16384xf32, #tpu.memory_space<vmem>>, vector<64x16384xf32>
    %get3A_10 = arith.constant 0 : index
    %get3A_11 = arith.constant 0 : index
    %get3A_12 = vector.load %arg3[%get3A_10, %get3A_11] : memref<64x32xf32, #tpu.memory_space<vmem>>, vector<64x32xf32>
    %dot_general3A_13 = arith.constant dense<0.000000e+00> : vector<16384x32xf32>
    %dot_general3A_14 = tpu.matmul %get3A_9, %get3A_12, %dot_general3A_13 {dimension_numbers = #tpu.dot_dimension_numbers<[0], [0], [1], [1], [0, 1, 1, 1], [], []>, transpose_lhs_hint = false} : vector<64x16384xf32>, vector<64x32xf32>, vector<16384x32xf32> -> vector<16384x32xf32>
    %convert_element_type3A_15 = arith.truncf %dot_general3A_14 : vector<16384x32xf32> to vector<16384x32xbf16>
    %bitcast_convert_type3A_16 = tpu.bitcast %convert_element_type3A_15 : vector<16384x32xbf16> -> vector<16384x32xi16>
    %convert_element_type3A_17 = arith.extui %bitcast_convert_type3A_16 : vector<16384x32xi16> to vector<16384x32xi32>
    %shift_left3A = arith.constant 16 : i32
    %shift_left3A_18 = vector.broadcast %shift_left3A : i32 to vector<16384x32xi32>
    %shift_left3A_19 = arith.shli %convert_element_type3A_17, %shift_left3A_18 : vector<16384x32xi32>
    %or3A = arith.ori %convert_element_type3A_6, %shift_left3A_19 : vector<16384x32xi32>
    %bitcast_convert_type3A_20 = tpu.bitcast %or3A : vector<16384x32xi32> -> vector<16384x32xi32>
    %swap3A = arith.constant 0 : index
    %swap3A_21 = arith.constant 0 : index
    %swap3A_22 = vector.load %arg4[%swap3A, %swap3A_21] : memref<16384x32xi32, #tpu.memory_space<vmem>>, vector<16384x32xi32>
    tpu.vector_store %arg4[%swap3A, %swap3A_21], %bitcast_convert_type3A_20 {strides = array<i32>} : memref<16384x32xi32, #tpu.memory_space<vmem>>, vector<16384x32xi32>,
    return
  }
  func.func @transform_0(%arg0: i32) -> (i32, i32) {
    %c0_i32 = arith.constant 0 : i32
    %c0_i32_0 = arith.constant 0 : i32
    return %c0_i32, %arg0 : i32, i32
  }
  func.func @transform_1(%arg0: i32) -> (i32, i32) {
    %c0_i32 = arith.constant 0 : i32
    %c0_i32_0 = arith.constant 0 : i32
    %c0_i32_1 = arith.constant 0 : i32
    return %c0_i32, %c0_i32_0 : i32, i32
  }
  func.func @transform_2(%arg0: i32) -> (i32, i32) {
    %c0_i32 = arith.constant 0 : i32
    %c0_i32_0 = arith.constant 0 : i32
    %c0_i32_1 = arith.constant 0 : i32
    return %c0_i32, %c0_i32_0 : i32, i32
  }
  func.func @transform_3(%arg0: i32) -> (i32, i32) {
    %c0_i32 = arith.constant 0 : i32
    %c0_i32_0 = arith.constant 0 : i32
    return %arg0, %c0_i32 : i32, i32
  }
}

</mosaic_0001>

<sc_bundles>
// kernel: kernel.4.cloned.1.call-start
scs
__scs_entry_jumppad:
0x0: {  	(pc) =	sbr.rel $0x88, $3  }
0x1: {  	(tag) =	ssettag $0x0;
	lr =	simm.s32 $0x1  }
0x2: {  	[smem:$0x3F9E] =	sst lr;
	_ =	strace $0xD0000000  }
0x3: {  	_ = 	snop  }
0x4: {  	_ = 	snop  }
0x5: {  	_ = 	snop  }
0x6: {  	_ = 	snop  }
0x7: {  	_ = 	snop  }
__scs_overlays_trampoline_lowered:
0x8: {  	[smem:$0x3FAD] =	sst s0  }
0x9: {  	[smem:$0x3FAE] =	sst s1  }
0xa: {  	[smem:$0x3FAF] =	sst s2  }
0xb: {  	[smem:$0x3FB0] =	sst s3  }
0xc: {  	[smem:$0x3FB1] =	sst s4  }
0xd: {  	[smem:$0x3FB2] =	sst s5  }
0xe: {  	[smem:$0x3FB3] =	sst s6  }
0xf: {  	[smem:$0x3FB4] =	sst s7  }
0x10: {  	[smem:$0x3FB5] =	sst s8  }
0x11: {  	[smem:$0x3FB6] =	sst s9;
	s0 =	simm.s32 @!p0 $0x0  }
0x12: {  	s1 =	sld [smem:$0x3F9C];
	s0 =	simm.s32 @p0 $0x1  }
0x13: {  	[smem:$0x3FB7] =	sst s0;
	s0 =	simm.s32 @!p1 $0x0  }
0x14: {  	s2 =	sld [smem:$0x3F9B];
	s0 =	simm.s32 @p1 $0x1  }
0x15: {  	[smem:$0x3FB8] =	sst s0;
	s0 =	simm.s32 @!p2 $0x0  }
0x16: {  	s3 =	sld [smem:$0x3FDB];
	s0 =	simm.s32 @p2 $0x1  }
0x17: {  	s4 =	simm.s32 $0x1BF5;
	[smem:$0x3FBA] =	sst s0  }
0x18: {  	s0 =	sld [smem:$0x3F9D];
	_ =	swait.ge [sflag:s4], $0x0  }
0x19: {  	s7 =	sld [smem:$0x3F9E]  }
0x1a: {  	s8 =	sadd.s32 $0xFFFFE003, lr  }
0x1b: {  	s9 =	sadd.s32 $0xFFFFFEF7, lr;
	s5 =	simm.s32 $0xFFFFFFFF;
	p2 =	slt.u32 s8, $0xFFFFF086  }
0x1c: {  	p1 =	slt.u32 s9, $0xF7A;
	s5 =	simm.s32 @!p2 $0x0  }
0x1d: {  	s5 =	simm.s32 @p1 $0x1;
	p0 =	seq.s32 s7, s2  }
0x1e: {  	s7 =	smul.u32 @!p0 $0xF7A, s2;
	p2 =	seq.s32 @!p0 s5, $0x0  }
0x1f: {  	s9 =	smul.u32 $0xF7A, s1;
	s8 =	simm.s32 @!p0 $0x1BF5;
	p2 =	por !p2, p0  }
0x20: {  	[sflag:s8] =	ssyncset.s32 @!p0 $0xFFFFF086;
	s6 =	sadd.s32 @!p0 s3, s7;
	s7 =	simm.s32 @!p0 $0x108  }
0x21: {  	s3 =	sadd.s32 s3, s9;
	s6 =	sadd.s32 @!p0 $0x88, s6;
	s7 =	simm.s32 @p2 $0x1082  }
0x22: {  	[simem:s7], [sflag:s8] =	dma.local @!p0 [hbm:s6], $0xF7A  }
0x23: {  	s9 =	sor.u32 $0xD0000000, s2;
	s6 =	simm.s32 $0x108;
	_ =	swait.ge @!p0 [sflag:s8], $0x0  }
0x24: {  	s3 =	sadd.s32 $0x88, s3;
	s6 =	simm.s32 @!p1 $0x1082;
	[sflag:s4] =	ssyncset.s32 $0xFFFFF086  }
0x25: {  	[simem:s6], [sflag:s4] =	dma.local [hbm:s3], $0xF7A  }
0x26: {  	[smem:$0x3F9E] =	sst s1;
	(tag) =	ssettag s2;
	_ =	strace s9  }
0x27: {  	s1 =	sld [smem:$0x3FAE]  }
0x28: {  	s2 =	sld [smem:$0x3FAF]  }
0x29: {  	s4 =	sld [smem:$0x3FB1]  }
0x2a: {  	p0 =	seq.s32 s5, $0x0;
	s5 =	sld [smem:$0x3FB2]  }
0x2b: {  	s6 =	sld [smem:$0x3FB3]  }
0x2c: {  	s7 =	sld [smem:$0x3FB4]  }
0x2d: {  	s3 =	simm.s32 $0x108;
	s8 =	sld [smem:$0x3FB5]  }
0x2e: {  	s3 =	simm.s32 @!p0 $0x1082;
	s9 =	sld [smem:$0x3FB6]  }
0x2f: {  	lr =	sadd.s32 s0, s3;
	s0 =	sld [smem:$0x3FAD]  }
0x30: {  	s3 =	sld [smem:$0x3FB0]  }
0x31: {  	[smem:$0x3FB9] =	sst s10  }
0x32: {  	s10 =	sld [smem:$0x3FB7];
	_ =	sdelay $0x3  }
0x33: {  	p0 =	seq.s32 s10, $0x1;
	s10 =	sld [smem:$0x3FB9];
	_ =	sdelay $0x3  }
0x34: {  	[smem:$0x3FB9] =	sst s10  }
0x35: {  	s10 =	sld [smem:$0x3FB8];
	_ =	sdelay $0x3  }
0x36: {  	p1 =	seq.s32 s10, $0x1;
	s10 =	sld [smem:$0x3FB9];
	_ =	sdelay $0x3  }
0x37: {  	[smem:$0x3FB9] =	sst s10  }
0x38: {  	s10 =	sld [smem:$0x3FBA]  }
0x39: {  	_ = 	snop;
	(pc) =	sbr.ind lr, $3  }
0x3a: {  	_ = 	snop  }
0x3b: {  	_ = 	snop  }
0x3c: {  	p2 =	seq.s32 s10, $0x1;
	s10 =	sld [smem:$0x3FB9]  }
0x3d: {  	_ =	shalt  }
0x3e: {  	_ =	shalt  }
0x3f: {  	_ =	shalt  }
0x40: {  	_ =	shalt  }
0x41: {  	_ =	shalt  }
0x42: {  	_ =	shalt  }
0x43: {  	_ =	shalt  }
0x44: {  	_ =	shalt  }
0x45: {  	_ =	shalt  }
0x46: {  	_ =	shalt  }
0x47: {  	_ =	shalt  }
0x48: {  	_ =	shalt  }
0x49: {  	_ =	shalt  }
0x4a: {  	_ =	shalt  }
0x4b: {  	_ =	shalt  }
0x4c: {  	_ =	shalt  }
0x4d: {  	_ =	shalt  }
0x4e: {  	_ =	shalt  }
0x4f: {  	_ =	shalt  }
0x50: {  	_ =	shalt  }
0x51: {  	_ =	shalt  }
0x52: {  	_ =	shalt  }
0x53: {  	_ =	shalt  }
0x54: {  	_ =	shalt  }
0x55: {  	_ =	shalt  }
0x56: {  	_ =	shalt  }
0x57: {  	_ =	shalt  }
0x58: {  	_ =	shalt  }
0x59: {  	_ =	shalt  }
0x5a: {  	_ =	shalt  }
0x5b: {  	_ =	shalt  }
0x5c: {  	_ =	shalt  }
0x5d: {  	_ =	shalt  }
0x5e: {  	_ =	shalt  }
0x5f: {  	_ =	shalt  }
0x60: {  	_ =	shalt  }
0x61: {  	_ =	shalt  }
0x62: {  	_ =	shalt  }
0x63: {  	_ =	shalt  }
0x64: {  	_ =	shalt  }
0x65: {  	_ =	shalt  }
0x66: {  	_ =	shalt  }
0x67: {  	_ =	shalt  }
0x68: {  	_ =	shalt  }
0x69: {  	_ =	shalt  }
0x6a: {  	_ =	shalt  }
0x6b: {  	_ =	shalt  }
0x6c: {  	_ =	shalt  }
0x6d: {  	_ =	shalt  }
0x6e: {  	_ =	shalt  }
0x6f: {  	_ =	shalt  }
0x70: {  	_ =	shalt  }
0x71: {  	_ =	shalt  }
0x72: {  	_ =	shalt  }
0x73: {  	_ =	shalt  }
0x74: {  	_ =	shalt  }
0x75: {  	_ =	shalt  }
0x76: {  	_ =	shalt  }
0x77: {  	_ =	shalt  }
0x78: {  	_ =	shalt  }
0x79: {  	_ =	shalt  }
0x7a: {  	_ =	shalt  }
0x7b: {  	_ =	shalt  }
0x7c: {  	_ =	shalt  }
0x7d: {  	_ =	shalt  }
0x7e: {  	_ =	shalt  }
0x7f: {  	_ =	shalt  }
0x80: {  	_ =	shalt  }
0x81: {  	_ =	shalt  }
0x82: {  	_ =	shalt  }
0x83: {  	_ =	shalt  }
0x84: {  	_ =	shalt  }
0x85: {  	_ =	shalt  }
0x86: {  	_ =	shalt  }
0x87: {  	_ =	shalt  }
.Lfunc_end0:
.L_simem_size_0:
called_computation_lowered:
.L_overlay_start_0:
0x88: {  	s2 =	sld [smem:$0x3FD9]  }
0x89: {  	s3 =	sld [smem:$0x3FFE];
	_ =	sdelay $0x1  }
0x8a: {  	s1 =	srdreg.scid  }
0x8b: {  	s0 =	sand.u32 $0x1, s1  }
0x8c: {  	s17 =	sshll.u32 s0, $0xA;
	s2 =	sadd.s32 s3, s2  }
0x8d: {  	s2 =	sadd.s32 s2, s17  }
0x8e: {  	[smem:$0x3FC5] =	sst s2  }
0x8f: {  	_ = 	snop  }
0x90: {  	s2 =	sld [smem:$0x3FD0];
	(tm) =	ssettm $0x1  }
0x91: {  	s18 =	sld [smem:$0x3FFB];
	_ =	sdelay $0x3  }
0x92: {  	_ =	strace s18  }
0x93: {  	s3 =	sld [smem:$0x3FFC];
	_ =	sdelay $0x3  }
0x94: {  	_ =	strace s3  }
0x95: {  	s3 =	sld [smem:$0x3FFD];
	_ =	sdelay $0x3  }
0x96: {  	_ =	strace s3  }
0x97: {  	_ =	strace $0x8FFFFFFF  }
0x98: {  	s19 =	sld [smem:$0x3FDB];
	_ =	sdelay $0x1  }
0x99: {  	s4 =	simm.s32 $_scs_section_size  }
0x9a: {  	s5 =	simm.s32 $_size__tile_overlayer_lowered;
	s6 =	simm.s32 $_tile_overlayer_lowered  }
0x9b: {  	s22 =	simm.s32 $0x1BFF;
	s21 =	sshll.u32 s6, $0x1;
	s3 =	sadd.s32 s4, s19  }
0x9c: {  	s7 =	simm.s32 $0x0;
	s20 =	sshll.u32 s5, $0x1;
	s5 =	sadd.s32 s21, s3  }
0x9d: {  	[timem:s7], [sflag:s22] =	dma.local [hbm:s5], s20  }
0x9e: {  	_ =	swait.ge [sflag:s22], s20  }
0x9f: {  	s4 =	ssub.s32 $0x0, s20;
	[sflag:s22] =	ssyncset.done $0x0  }
0xa0: {  	[sflag:s22] =	ssyncadd.s32 s4;
	_ =	sdelay $0x1  }
0xa1: {  	s23 =	simm.s32 $0x1B8B  }
0xa2: {  	_ =	swait.ge [sflag:s23], $0x1  }
0xa3: {  	[sflag:s23] =	ssyncset.done $0x0  }
0xa4: {  	s25 =	simm.s32 $0x1B8E;
	s24 =	sld [smem:$0x3FFE];
	[sflag:s23] =	ssyncadd.s32 $0xFFFFFFFF  }
0xa5: {  	s26 =	simm.s32 $execute0_lowered;
	[smem:$0x3FD2] =	sst s25  }
0xa6: {  	s5 =	sshll.u32 s26, $0x1;
	_ =	strace $0x80000046;
	[dreg:$0x1] =	wrdreg $0xFFFFFFFF  }
0xa7: {  	s28 =	simm.s32 $_size_execute0_lowered;
	s3 =	sadd.s32 s3, s5;
	[dreg:$0x0] =	wrdreg $0x0  }
0xa8: {  	s5 =	sshll.u32 s28, $0x1;
	[dreg:$0x2] =	wrdreg s3  }
0xa9: {  	[dreg:$0x3] =	wrdreg s5  }
0xaa: {  	[dreg:$0x4] =	wrdreg $0xC0  }
0xab: {  	_ =	task [dreg:s7], $0x5FFFF  }
0xac: {  	[dreg:$0x1] =	wrdreg $0xFFFFFFFF  }
0xad: {  	[dreg:$0x0] =	wrdreg $0x60  }
0xae: {  	[dreg:$0x2] =	wrdreg s2  }
0xaf: {  	[dreg:$0x3] =	wrdreg s24  }
0xb0: {  	[dreg:$0x4] =	wrdreg $0x9  }
0xb1: {  	_ =	task.clear_ibuf [dreg:s7], $0x5FFFF;
	_ =	strace $0x90000046  }
0xb2: {  	s29 =	simm.s32 $0x9;
	_ =	strace $0x80000048  }
0xb3: {  	_ =	swait.ge [sflag:s29], $0x1  }
0xb4: {  	[sflag:s29] =	ssyncadd.s32 $0xFFFFFFFF  }
0xb5: {  	_ =	strace $0x90000048  }
0xb6: {  	_ =	sfence  }
0xb7: {  	s30 =	sld [smem:$0x0];
	_ =	sdelay $0x2  }
0xb8: {  	s31 =	sshll.u32 s1, $0xD;
	s1 =	sshrl.u32 s1, $0x2  }
0xb9: {  	s3 =	sand.u32 $0x4000, s31;
	s1 =	sadd.s32 s1, s30  }
0xba: {  	s0 =	sor.u32 s3, s0;
	s1 =	sshll.u32 s1, $0x11  }
0xbb: {  	s0 =	sor.u32 s1, s0  }
0xbc: {  	s0 =	sadd.s32 $0x8F2B, s0  }
0xbd: {  	[sflag:s0] =	ssyncadd.remote.s32 $0x1  }
0xbe: {  	_ =	sfence.sel $0xFFFF  }
0xbf: {  	[dreg:$0x0] =	wrdreg $0xFFFFFFFF;
	(pc) =	sbr.abs _section_cstart, $3  }
0xc0: {  	[dreg:$0x1] =	wrdreg $0xFFFFFFFF  }
0xc1: {  	_ =	task.clear_ibuf [dreg:s7], $0x2FFFF;
	_ =	strace $0x9FFFFFFF  }
0xc2: {  	(tm) =	ssettm $0x7FFFFFFF  }
0xc3: {  	_ =	shalt  }
tec
execute0_lowered:
.L_overlay_start_1:
0x0: {  	(tag) =	ssettag $0x1  }
0x1: {  	v0 =	vlaneseq.u32  }
0x2: {  	v6 =	vmul.u32 $0x210, v0  }
0x3: {  	vm0 =	vcmask $0x300;
	v0 =	vimm.s32 $0x0  }
0x4: {  	v1 =	vsel vm0, $0x3, v0;
	v0 =	vadd.s32 $0x4200, v6  }
0x5: {  	[tilespmem:$0x1FDC0] =	vst v0;
	v0 =	vadd.s32 $0x4308, v6  }
0x6: {  	s0 =	rddreg [dreg:$0x0];
	[tilespmem:$0x1FDD0] =	vst v0;
	v0 =	vadd.s32 $0x6300, v6  }
0x7: {  	s5 =	rddreg [dreg:$0x1];
	s2 =	simm.s32 $0x0;
	[tilespmem:$0x1FDE0] =	vst v0;
	v0 =	vadd.s32 $0x6408, v6  }
0x8: {  	[smem:$0x7FF] =	sst s2;
	[tilespmem:$0x1FDF0] =	vst v0;
	v0 =	vadd.s32 $0x4201, v6  }
0x9: {  	s1 =	rddreg [dreg:$0x2];
	_ =	strace $0x80000047;
	[tilespmem:$0x1FE00] =	vst v0  }
0xa: {  	v8 =	vadd.s32 $0x2100, v6;
	[tilespmem:$0x1FE10] =	vst v6  }
0xb: {  	v9 =	vadd.s32 $0x2208, v6;
	[tilespmem:$0x1FE20] =	vst v8  }
0xc: {  	v10 =	vor.u32 $0x1, v6;
	[tilespmem:$0x1FE30] =	vst v9  }
0xd: {  	v11 =	vadd.s32 $0x109, v6;
	[tilespmem:$0x1FE40] =	vst v10  }
0xe: {  	v12 =	vadd.s32 $0x2101, v6;
	[tilespmem:$0x1FE50] =	vst v11  }
0xf: {  	v13 =	vadd.s32 $0x2209, v6;
	[tilespmem:$0x1FE60] =	vst v12  }
0x10: {  	v14 =	vor.u32 $0x2, v6;
	[tilespmem:$0x1FE70] =	vst v13  }
0x11: {  	v15 =	vadd.s32 $0x10A, v6;
	[tilespmem:$0x1FE80] =	vst v14  }
0x12: {  	v16 =	vadd.s32 $0x2102, v6;
	[tilespmem:$0x1FE90] =	vst v15  }
0x13: {  	v17 =	vadd.s32 $0x220A, v6;
	[tilespmem:$0x1FEA0] =	vst v16  }
0x14: {  	v18 =	vor.u32 $0x3, v6;
	[tilespmem:$0x1FEB0] =	vst v17  }
0x15: {  	v19 =	vadd.s32 $0x10B, v6;
	[tilespmem:$0x1FEC0] =	vst v18  }
0x16: {  	v20 =	vadd.s32 $0x2103, v6;
	[tilespmem:$0x1FED0] =	vst v19  }
0x17: {  	v21 =	vadd.s32 $0x220B, v6;
	[tilespmem:$0x1FEE0] =	vst v20  }
0x18: {  	v22 =	vor.u32 $0x4, v6;
	[tilespmem:$0x1FEF0] =	vst v21  }
0x19: {  	v23 =	vadd.s32 $0x10C, v6;
	[tilespmem:$0x1FF00] =	vst v22  }
0x1a: {  	v24 =	vadd.s32 $0x2104, v6;
	[tilespmem:$0x1FF10] =	vst v23  }
0x1b: {  	v25 =	vadd.s32 $0x220C, v6;
	[tilespmem:$0x1FF20] =	vst v24  }
0x1c: {  	v5 =	vadd.s32 $0x108, v6;
	v26 =	vor.u32 $0x5, v6;
	v27 =	vadd.s32 $0x10D, v6;
	[tilespmem:$0x1FF30] =	vst v25  }
0x1d: {  	v28 =	vadd.s32 $0x2105, v6;
	v29 =	vadd.s32 $0x220D, v6;
	v30 =	vor.u32 $0x6, v6;
	[tilespmem:$0x1FF40] =	vst v26  }
0x1e: {  	v31 =	vadd.s32 $0x10E, v6;
	v32 =	vadd.s32 $0x2106, v6;
	v33 =	vadd.s32 $0x220E, v6;
	[tilespmem:$0x1FF50] =	vst v27  }
0x1f: {  	s4 =	srdreg.scid;
	v34 =	vor.u32 $0x7, v6;
	v35 =	vadd.s32 $0x10F, v6;
	v36 =	vadd.s32 $0x2107, v6;
	[tilespmem:$0x1FF60] =	vst v28  }
0x20: {  	s3 =	stileid.u32;
	s13 =	simm.s32 $0x800;
	s14 =	simm.s32 $0x1800;
	v37 =	vadd.s32 $0x220F, v6;
	v38 =	vadd.s32 $0x4309, v6;
	v39 =	vadd.s32 $0x6301, v6;
	[tilespmem:$0x1FF70] =	vst v29  }
0x21: {  	s12 =	simm.s32 $0x80;
	s15 =	simm.s32 $0x2800;
	s16 =	simm.s32 $0x3800;
	v40 =	vadd.s32 $0x6409, v6;
	v41 =	vadd.s32 $0x4202, v6;
	v42 =	vadd.s32 $0x430A, v6;
	[tilespmem:$0x1FF80] =	vst v30  }
0x22: {  	s17 =	simm.s32 $0x1;
	s18 =	simm.s32 $0x4800;
	s19 =	simm.s32 $0x2;
	v43 =	vadd.s32 $0x6302, v6;
	v44 =	vadd.s32 $0x640A, v6;
	v45 =	vadd.s32 $0x4203, v6;
	[tilespmem:$0x1FF90] =	vst v31  }
0x23: {  	s20 =	simm.s32 $0x3;
	s21 =	simm.s32 $0x4;
	s22 =	simm.s32 $0x0;
	v46 =	vadd.s32 $0x430B, v6;
	v47 =	vadd.s32 $0x6303, v6;
	v48 =	vadd.s32 $0x640B, v6;
	[tilespmem:$0x1FFA0] =	vst v32  }
0x24: {  	s7 =	sand.u32 $0x1, s4;
	s6 =	sshll.u32 s3, $0x1;
	s4 =	sadd.s32 $0x600, s5;
	v49 =	vadd.s32 $0x4204, v6;
	v50 =	vadd.s32 $0x430C, v6;
	v51 =	vadd.s32 $0x6304, v6;
	[tilespmem:$0x1FFB0] =	vst v33  }
0x25: {  	s5 =	sadd.s32 $0x19600, s5;
	s8 =	ssub.s32 $0x2, s7;
	s6 =	sor.u32 s7, s6;
	v52 =	vadd.s32 $0x640C, v6;
	v53 =	vadd.s32 $0x4205, v6;
	v54 =	vadd.s32 $0x430D, v6;
	[tilespmem:$0x1FFC0] =	vst v34  }
0x26: {  	s7 =	sshll.u32 s7, $0xA;
	s9 =	sshrl.u32 s8, $0x1;
	s10 =	smul.u32 $0xC80, s6;
	v55 =	vadd.s32 $0x6305, v6;
	v56 =	vadd.s32 $0x640D, v6;
	v57 =	vadd.s32 $0x4206, v6;
	[tilespmem:$0x1FFD0] =	vst v35  }
0x27: {  	s6 =	smul.u32 $0x64, s6;
	v58 =	vadd.s32 $0x430E, v6;
	v59 =	vadd.s32 $0x6306, v6;
	v60 =	vadd.s32 $0x640E, v6;
	s11 =	ssub.s32 s8, s9;
	s9 =	sor.u32 $0x80, s7;
	[tilespmem:$0x1FFE0] =	vst v36  }
0x28: {  	v61 =	vadd.s32 $0x4207, v6;
	v62 =	vadd.s32 $0x430F, v6;
	v63 =	vadd.s32 $0x6307, v6;
	s8 =	sadd.s32 s4, s10;
	s10 =	smax.u32 s11, $0x1;
	s11 =	simm.s32 $0x5;
	[tilespmem:$0x1FFF0] =	vst v37  }
.LBB2_1:
0x29: {  	[tilespmem:s7], [sflag:$0x5] =	stream.linear.gather [hbm4b:s8+s2], $0x400, $0x38;
	[tilespmem:$0xCC00] =	vst v63  }
0x2a: {  	_ =	swait.ge [sflag:s11], $0x400  }
0x2b: {  	[sflag:s11] =	ssyncset.done $0x0  }
0x2c: {  	[sflag:s11] =	ssyncadd.s32 $0xFFFFFC00  }
0x2d: {  	[tilespmem:s13], [sflag:$0x1] =	stream.indirect.gather [hbm4b:s0+s12], $0x20, s7, s12, $0xb8;
	[tilespmem:$0xCC00] =	vst v63  }
0x2e: {  	s23 =	simm.s32 $0x0  }
0x2f: {  	[tilespmem:s14], [sflag:$0x1] =	stream.indirect.gather [hbm4b:s0+s12], $0x20, s9, s12, $0xb8;
	[tilespmem:$0xCC00] =	vst v63  }
.LBB2_2:
0x30: {  	s25 =	sshllo.u32 s23, $0x1  }
0x31: {  	s24 =	sadd.s32 s6, s25  }
0x32: {  	s25 =	sshll.u32 s25, $0x8;
	s26 =	sshll.u32 s24, $0x8  }
0x33: {  	s25 =	sand.u32 $0x300, s25;
	s26 =	sand.u32 $0x400, s26  }
0x34: {  	s25 =	sor.u32 s25, s26  }
0x35: {  	[tilespmem:s15], [sflag:$0x2] =	stream.indirect.gather [hbm4b:s0+s12], $0x20, s25, s12, $0xb8;
	[tilespmem:$0xCC00] =	vst v63  }
0x36: {  	s25 =	sor.u32 $0x80, s25  }
0x37: {  	[tilespmem:s16], [sflag:$0x2] =	stream.indirect.gather [hbm4b:s0+s12], $0x20, s25, s12, $0xb8;
	[tilespmem:$0xCC00] =	vst v63  }
0x38: {  	_ =	swait.ge [sflag:s17], $0x1000  }
0x39: {  	[sflag:s17] =	ssyncset.done $0x0  }
0x3a: {  	[sflag:s17] =	ssyncadd.s32 $0xFFFFF000  }
0x3b: {  	_ =	swait.ge [sflag:s17], $0x1000  }
0x3c: {  	p0 =	seq.s32 s23, $0x0;
	s31 =	simm.s32 $0x0;
	[sflag:s17] =	ssyncset.done $0x0  }
0x3d: {  	v0 =	vmov s31;
	s26 =	simm.s32 @!p0 $0x3;
	[sflag:s17] =	ssyncadd.s32 $0xFFFFF000  }
0x3e: {  	v0 =	vshrl.u32 v0, $0x3;
	_ =	swait.ge @!p0 [sflag:s26], $0x4000  }
0x3f: {  	v0 =	vshll.u32 v0, v1;
	[sflag:s26] =	ssyncset.done @!p0 $0x0  }
0x40: {  	v0 =	vbroadcast v0, $0x0;
	[sflag:s26] =	ssyncadd.s32 @!p0 $0xFFFFC000;
	s26 =	simm.s32 $0x880  }
0x41: {  	v2 =	vld [tilespmem:s26+$0xFFFFFF80]  }
0x42: {  	v7 =	vadd.s32 v6, v0  }
0x43: {  	v4 =	vadd.s32 v5, v0;
	_ =	sdelay $0x2  }
0x44: {  	v3 =	vunpack.i.l.bf16.f32 v2  }
0x45: {  	v2 =	vunpack.i.u.bf16.f32 v2;
	[tilespmem:v7+s18+$0x0] =	vst.idx.msk $0xffff, v3  }
0x46: {  	[tilespmem:v4+s18+$0x0] =	vst.idx.msk $0xffff, v2  }
0x47: {  	v2 =	vld [tilespmem:s26+$0xFFFFFF90]  }
0x48: {  	v3 =	vadd.s32 v8, v0  }
0x49: {  	v7 =	vadd.s32 v9, v0  }
0x4a: {  	s30 =	simm.s32 $0x1  }
0x4b: {  	v4 =	vmov s30  }
0x4c: {  	v4 =	vshrl.u32 v4, $0x3;
	v0 =	vunpack.i.l.bf16.f32 v2  }
0x4d: {  	v2 =	vunpack.i.u.bf16.f32 v2;
	[tilespmem:v3+s18+$0x0] =	vst.idx.msk $0xffff, v0;
	v0 =	vshll.u32 v4, v1  }
0x4e: {  	[tilespmem:v7+s18+$0x0] =	vst.idx.msk $0xffff, v2;
	v0 =	vbroadcast v0, $0x0  }
0x4f: {  	v2 =	vld [tilespmem:s26+$0xFFFFFFA0]  }
0x50: {  	v7 =	vadd.s32 v10, v0  }
0x51: {  	v4 =	vadd.s32 v11, v0;
	_ =	sdelay $0x2  }
0x52: {  	v3 =	vunpack.i.l.bf16.f32 v2  }
0x53: {  	v2 =	vunpack.i.u.bf16.f32 v2;
	[tilespmem:v7+s18+$0x0] =	vst.idx.msk $0xffff, v3  }
0x54: {  	[tilespmem:v4+s18+$0x0] =	vst.idx.msk $0xffff, v2  }
0x55: {  	v2 =	vld [tilespmem:s26+$0xFFFFFFB0]  }
0x56: {  	v3 =	vadd.s32 v12, v0  }
0x57: {  	v7 =	vadd.s32 v13, v0  }
0x58: {  	s31 =	simm.s32 $0x2  }
0x59: {  	v4 =	vmov s31  }
0x5a: {  	v4 =	vshrl.u32 v4, $0x3;
	v0 =	vunpack.i.l.bf16.f32 v2  }
0x5b: {  	v2 =	vunpack.i.u.bf16.f32 v2;
	[tilespmem:v3+s18+$0x0] =	vst.idx.msk $0xffff, v0;
	v0 =	vshll.u32 v4, v1  }
0x5c: {  	[tilespmem:v7+s18+$0x0] =	vst.idx.msk $0xffff, v2;
	v0 =	vbroadcast v0, $0x0  }
0x5d: {  	v2 =	vld [tilespmem:s26+$0xFFFFFFC0]  }
0x5e: {  	v7 =	vadd.s32 v14, v0  }
0x5f: {  	v4 =	vadd.s32 v15, v0;
	_ =	sdelay $0x2  }
0x60: {  	v3 =	vunpack.i.l.bf16.f32 v2  }
0x61: {  	v2 =	vunpack.i.u.bf16.f32 v2;
	[tilespmem:v7+s18+$0x0] =	vst.idx.msk $0xffff, v3  }
0x62: {  	[tilespmem:v4+s18+$0x0] =	vst.idx.msk $0xffff, v2  }
0x63: {  	v2 =	vld [tilespmem:s26+$0xFFFFFFD0]  }
0x64: {  	v3 =	vadd.s32 v16, v0  }
0x65: {  	v7 =	vadd.s32 v17, v0  }
0x66: {  	s30 =	simm.s32 $0x3  }
0x67: {  	v4 =	vmov s30  }
0x68: {  	v4 =	vshrl.u32 v4, $0x3;
	v0 =	vunpack.i.l.bf16.f32 v2  }
0x69: {  	v2 =	vunpack.i.u.bf16.f32 v2;
	[tilespmem:v3+s18+$0x0] =	vst.idx.msk $0xffff, v0;
	v0 =	vshll.u32 v4, v1  }
0x6a: {  	[tilespmem:v7+s18+$0x0] =	vst.idx.msk $0xffff, v2;
	v0 =	vbroadcast v0, $0x0  }
0x6b: {  	v2 =	vld [tilespmem:s26+$0xFFFFFFE0]  }
0x6c: {  	v7 =	vadd.s32 v18, v0  }
0x6d: {  	v4 =	vadd.s32 v19, v0;
	_ =	sdelay $0x2  }
0x6e: {  	v3 =	vunpack.i.l.bf16.f32 v2  }
0x6f: {  	v2 =	vunpack.i.u.bf16.f32 v2;
	[tilespmem:v7+s18+$0x0] =	vst.idx.msk $0xffff, v3  }
0x70: {  	[tilespmem:v4+s18+$0x0] =	vst.idx.msk $0xffff, v2  }
0x71: {  	v2 =	vld [tilespmem:s26+$0xFFFFFFF0]  }
0x72: {  	v3 =	vadd.s32 v20, v0  }
0x73: {  	v7 =	vadd.s32 v21, v0  }
0x74: {  	s31 =	simm.s32 $0x4  }
0x75: {  	v4 =	vmov s31  }
0x76: {  	v4 =	vshrl.u32 v4, $0x3;
	v0 =	vunpack.i.l.bf16.f32 v2  }
0x77: {  	v2 =	vunpack.i.u.bf16.f32 v2;
	[tilespmem:v3+s18+$0x0] =	vst.idx.msk $0xffff, v0;
	v0 =	vshll.u32 v4, v1  }
0x78: {  	[tilespmem:v7+s18+$0x0] =	vst.idx.msk $0xffff, v2;
	v0 =	vbroadcast v0, $0x0  }
0x79: {  	v2 =	vld [tilespmem:s26+$0x0]  }
0x7a: {  	v7 =	vadd.s32 v22, v0  }
0x7b: {  	v4 =	vadd.s32 v23, v0;
	_ =	sdelay $0x2  }
0x7c: {  	v3 =	vunpack.i.l.bf16.f32 v2  }
0x7d: {  	v2 =	vunpack.i.u.bf16.f32 v2;
	[tilespmem:v7+s18+$0x0] =	vst.idx.msk $0xffff, v3  }
0x7e: {  	[tilespmem:v4+s18+$0x0] =	vst.idx.msk $0xffff, v2  }
0x7f: {  	v2 =	vld [tilespmem:s26+$0x10]  }
0x80: {  	v3 =	vadd.s32 v24, v0  }
0x81: {  	v7 =	vadd.s32 v25, v0  }
0x82: {  	s30 =	simm.s32 $0x5  }
0x83: {  	v4 =	vmov s30  }
0x84: {  	v4 =	vshrl.u32 v4, $0x3;
	v0 =	vunpack.i.l.bf16.f32 v2  }
0x85: {  	v2 =	vunpack.i.u.bf16.f32 v2;
	[tilespmem:v3+s18+$0x0] =	vst.idx.msk $0xffff, v0;
	v0 =	vshll.u32 v4, v1  }
0x86: {  	[tilespmem:v7+s18+$0x0] =	vst.idx.msk $0xffff, v2;
	v0 =	vbroadcast v0, $0x0  }
0x87: {  	v2 =	vld [tilespmem:s26+$0x20]  }
0x88: {  	v7 =	vadd.s32 v26, v0  }
0x89: {  	v4 =	vadd.s32 v27, v0;
	_ =	sdelay $0x2  }
0x8a: {  	v3 =	vunpack.i.l.bf16.f32 v2  }
0x8b: {  	v2 =	vunpack.i.u.bf16.f32 v2;
	[tilespmem:v7+s18+$0x0] =	vst.idx.msk $0xffff, v3  }
0x8c: {  	[tilespmem:v4+s18+$0x0] =	vst.idx.msk $0xffff, v2  }
0x8d: {  	v2 =	vld [tilespmem:s26+$0x30]  }
0x8e: {  	v3 =	vadd.s32 v28, v0  }
0x8f: {  	v7 =	vadd.s32 v29, v0  }
0x90: {  	s31 =	simm.s32 $0x6  }
0x91: {  	v4 =	vmov s31  }
0x92: {  	v4 =	vshrl.u32 v4, $0x3;
	v0 =	vunpack.i.l.bf16.f32 v2  }
0x93: {  	v2 =	vunpack.i.u.bf16.f32 v2;
	[tilespmem:v3+s18+$0x0] =	vst.idx.msk $0xffff, v0;
	v0 =	vshll.u32 v4, v1  }
0x94: {  	[tilespmem:v7+s18+$0x0] =	vst.idx.msk $0xffff, v2;
	v0 =	vbroadcast v0, $0x0  }
0x95: {  	v2 =	vld [tilespmem:s26+$0x40]  }
0x96: {  	v7 =	vadd.s32 v30, v0  }
0x97: {  	v4 =	vadd.s32 v31, v0;
	_ =	sdelay $0x2  }
0x98: {  	v3 =	vunpack.i.l.bf16.f32 v2  }
0x99: {  	v2 =	vunpack.i.u.bf16.f32 v2;
	[tilespmem:v7+s18+$0x0] =	vst.idx.msk $0xffff, v3  }
0x9a: {  	[tilespmem:v4+s18+$0x0] =	vst.idx.msk $0xffff, v2  }
0x9b: {  	v2 =	vld [tilespmem:s26+$0x50]  }
0x9c: {  	v3 =	vadd.s32 v32, v0  }
0x9d: {  	v7 =	vadd.s32 v33, v0  }
0x9e: {  	s30 =	simm.s32 $0x7  }
0x9f: {  	v4 =	vmov s30  }
0xa0: {  	v4 =	vshrl.u32 v4, $0x3;
	v0 =	vunpack.i.l.bf16.f32 v2  }
0xa1: {  	v2 =	vunpack.i.u.bf16.f32 v2;
	[tilespmem:v3+s18+$0x0] =	vst.idx.msk $0xffff, v0;
	v0 =	vshll.u32 v4, v1  }
0xa2: {  	[tilespmem:v7+s18+$0x0] =	vst.idx.msk $0xffff, v2;
	v0 =	vbroadcast v0, $0x0  }
0xa3: {  	v2 =	vld [tilespmem:s26+$0x60]  }
0xa4: {  	v7 =	vadd.s32 v34, v0  }
0xa5: {  	v4 =	vadd.s32 v35, v0;
	_ =	sdelay $0x2  }
0xa6: {  	v3 =	vunpack.i.l.bf16.f32 v2  }
0xa7: {  	v2 =	vunpack.i.u.bf16.f32 v2;
	[tilespmem:v7+s18+$0x0] =	vst.idx.msk $0xffff, v3  }
0xa8: {  	[tilespmem:v4+s18+$0x0] =	vst.idx.msk $0xffff, v2  }
0xa9: {  	v3 =	vld [tilespmem:s26+$0x70]  }
0xaa: {  	v7 =	vadd.s32 v36, v0;
	_ =	sdelay $0x1  }
0xab: {  	s31 =	simm.s32 $0x8;
	v0 =	vadd.s32 v37, v0  }
0xac: {  	v2 =	vmov s31  }
0xad: {  	v2 =	vshrl.u32 v2, $0x3;
	v4 =	vunpack.i.l.bf16.f32 v3  }
0xae: {  	s28 =	simm.s32 $0xF;
	s29 =	simm.s32 $0x17;
	s25 =	sshll.u32 s23, $0x1;
	v2 =	vshll.u32 v2, v1;
	v3 =	vunpack.i.u.bf16.f32 v3;
	[tilespmem:v7+s18+$0x0] =	vst.idx.msk $0xffff, v4  }
.LBB2_3:
0xaf: {  	p1 =	sne.s32 s29, $0xFF  }
0xb0: {  	v2 =	vbroadcast v2, $0x0;
	[tilespmem:v0+s18+$0x0] =	vst.idx.msk $0xffff, v3;
	s26 =	sadd.s32 $0x100, s26;
	s30 =	smov.u32 s29;
	s29 =	sadd.s32 $0x8, s29  }
0xb1: {  	v0 =	vld [tilespmem:s26+$0xFFFFFF80]  }
0xb2: {  	v3 =	vadd.s32 v6, v2  }
0xb3: {  	v4 =	vadd.s32 v5, v2;
	_ =	sdelay $0x2  }
0xb4: {  	v7 =	vmov v5;
	v5 =	vunpack.i.l.bf16.f32 v0  }
0xb5: {  	v0 =	vunpack.i.u.bf16.f32 v0;
	[tilespmem:v3+s18+$0x0] =	vst.idx.msk $0xffff, v5  }
0xb6: {  	[tilespmem:v4+s18+$0x0] =	vst.idx.msk $0xffff, v0  }
0xb7: {  	v0 =	vld [tilespmem:s26+$0xFFFFFF90]  }
0xb8: {  	v3 =	vadd.s32 v8, v2  }
0xb9: {  	v2 =	vadd.s32 v9, v2  }
0xba: {  	s31 =	sadd.s32 $0xFFFFFFFA, s28  }
0xbb: {  	v4 =	vmov s31  }
0xbc: {  	v4 =	vshrl.u32 v4, $0x3;
	v5 =	vunpack.i.l.bf16.f32 v0  }
0xbd: {  	v0 =	vunpack.i.u.bf16.f32 v0;
	[tilespmem:v3+s18+$0x0] =	vst.idx.msk $0xffff, v5;
	v3 =	vshll.u32 v4, v1  }
0xbe: {  	[tilespmem:v2+s18+$0x0] =	vst.idx.msk $0xffff, v0;
	v0 =	vbroadcast v3, $0x0  }
0xbf: {  	v2 =	vld [tilespmem:s26+$0xFFFFFFA0]  }
0xc0: {  	v3 =	vadd.s32 v10, v0  }
0xc1: {  	v4 =	vadd.s32 v11, v0;
	_ =	sdelay $0x2  }
0xc2: {  	v5 =	vunpack.i.l.bf16.f32 v2  }
0xc3: {  	v2 =	vunpack.i.u.bf16.f32 v2;
	[tilespmem:v3+s18+$0x0] =	vst.idx.msk $0xffff, v5  }
0xc4: {  	[tilespmem:v4+s18+$0x0] =	vst.idx.msk $0xffff, v2  }
0xc5: {  	v2 =	vld [tilespmem:s26+$0xFFFFFFB0]  }
0xc6: {  	v3 =	vadd.s32 v12, v0  }
0xc7: {  	v0 =	vadd.s32 v13, v0  }
0xc8: {  	s31 =	sadd.s32 $0xFFFFFFFB, s28  }
0xc9: {  	v4 =	vmov s31  }
0xca: {  	v4 =	vshrl.u32 v4, $0x3;
	v5 =	vunpack.i.l.bf16.f32 v2  }
0xcb: {  	v2 =	vunpack.i.u.bf16.f32 v2;
	[tilespmem:v3+s18+$0x0] =	vst.idx.msk $0xffff, v5;
	v3 =	vshll.u32 v4, v1  }
0xcc: {  	[tilespmem:v0+s18+$0x0] =	vst.idx.msk $0xffff, v2;
	v0 =	vbroadcast v3, $0x0  }
0xcd: {  	v2 =	vld [tilespmem:s26+$0xFFFFFFC0]  }
0xce: {  	v3 =	vadd.s32 v14, v0  }
0xcf: {  	v4 =	vadd.s32 v15, v0;
	_ =	sdelay $0x2  }
0xd0: {  	v5 =	vunpack.i.l.bf16.f32 v2  }
0xd1: {  	v2 =	vunpack.i.u.bf16.f32 v2;
	[tilespmem:v3+s18+$0x0] =	vst.idx.msk $0xffff, v5  }
0xd2: {  	[tilespmem:v4+s18+$0x0] =	vst.idx.msk $0xffff, v2  }
0xd3: {  	v2 =	vld [tilespmem:s26+$0xFFFFFFD0]  }
0xd4: {  	v3 =	vadd.s32 v16, v0  }
0xd5: {  	v0 =	vadd.s32 v17, v0  }
0xd6: {  	s31 =	sadd.s32 $0xFFFFFFFC, s28  }
0xd7: {  	v4 =	vmov s31  }
0xd8: {  	v4 =	vshrl.u32 v4, $0x3;
	v5 =	vunpack.i.l.bf16.f32 v2  }
0xd9: {  	v2 =	vunpack.i.u.bf16.f32 v2;
	[tilespmem:v3+s18+$0x0] =	vst.idx.msk $0xffff, v5;
	v3 =	vshll.u32 v4, v1  }
0xda: {  	[tilespmem:v0+s18+$0x0] =	vst.idx.msk $0xffff, v2;
	v0 =	vbroadcast v3, $0x0  }
0xdb: {  	v2 =	vld [tilespmem:s26+$0xFFFFFFE0]  }
0xdc: {  	v3 =	vadd.s32 v18, v0  }
0xdd: {  	v4 =	vadd.s32 v19, v0;
	_ =	sdelay $0x2  }
0xde: {  	v5 =	vunpack.i.l.bf16.f32 v2  }
0xdf: {  	v2 =	vunpack.i.u.bf16.f32 v2;
	[tilespmem:v3+s18+$0x0] =	vst.idx.msk $0xffff, v5  }
0xe0: {  	[tilespmem:v4+s18+$0x0] =	vst.idx.msk $0xffff, v2  }
0xe1: {  	v2 =	vld [tilespmem:s26+$0xFFFFFFF0]  }
0xe2: {  	v3 =	vadd.s32 v20, v0  }
0xe3: {  	v0 =	vadd.s32 v21, v0  }
0xe4: {  	s31 =	sadd.s32 $0xFFFFFFFD, s28  }
0xe5: {  	v4 =	vmov s31  }
0xe6: {  	v4 =	vshrl.u32 v4, $0x3;
	v5 =	vunpack.i.l.bf16.f32 v2  }
0xe7: {  	v2 =	vunpack.i.u.bf16.f32 v2;
	[tilespmem:v3+s18+$0x0] =	vst.idx.msk $0xffff, v5;
	v3 =	vshll.u32 v4, v1  }
0xe8: {  	[tilespmem:v0+s18+$0x0] =	vst.idx.msk $0xffff, v2;
	v0 =	vbroadcast v3, $0x0  }
0xe9: {  	v2 =	vld [tilespmem:s26+$0x0]  }
0xea: {  	v3 =	vadd.s32 v22, v0  }
0xeb: {  	v4 =	vadd.s32 v23, v0;
	_ =	sdelay $0x2  }
0xec: {  	v5 =	vunpack.i.l.bf16.f32 v2  }
0xed: {  	v2 =	vunpack.i.u.bf16.f32 v2;
	[tilespmem:v3+s18+$0x0] =	vst.idx.msk $0xffff, v5  }
0xee: {  	[tilespmem:v4+s18+$0x0] =	vst.idx.msk $0xffff, v2  }
0xef: {  	v2 =	vld [tilespmem:s26+$0x10]  }
0xf0: {  	v3 =	vadd.s32 v24, v0  }
0xf1: {  	v0 =	vadd.s32 v25, v0  }
0xf2: {  	s31 =	sadd.s32 $0xFFFFFFFE, s28  }
0xf3: {  	v4 =	vmov s31  }
0xf4: {  	v4 =	vshrl.u32 v4, $0x3;
	v5 =	vunpack.i.l.bf16.f32 v2  }
0xf5: {  	v2 =	vunpack.i.u.bf16.f32 v2;
	[tilespmem:v3+s18+$0x0] =	vst.idx.msk $0xffff, v5;
	v3 =	vshll.u32 v4, v1  }
0xf6: {  	[tilespmem:v0+s18+$0x0] =	vst.idx.msk $0xffff, v2;
	v0 =	vbroadcast v3, $0x0  }
0xf7: {  	v2 =	vld [tilespmem:s26+$0x20]  }
0xf8: {  	v3 =	vadd.s32 v26, v0  }
0xf9: {  	v4 =	vadd.s32 v27, v0;
	_ =	sdelay $0x2  }
0xfa: {  	v5 =	vunpack.i.l.bf16.f32 v2  }
0xfb: {  	v2 =	vunpack.i.u.bf16.f32 v2;
	[tilespmem:v3+s18+$0x0] =	vst.idx.msk $0xffff, v5  }
0xfc: {  	[tilespmem:v4+s18+$0x0] =	vst.idx.msk $0xffff, v2  }
0xfd: {  	v2 =	vld [tilespmem:s26+$0x30]  }
0xfe: {  	v3 =	vadd.s32 v28, v0  }
0xff: {  	v0 =	vadd.s32 v29, v0  }
0x100: {  	s31 =	sadd.s32 $0xFFFFFFFF, s28  }
0x101: {  	v4 =	vmov s31  }
0x102: {  	v4 =	vshrl.u32 v4, $0x3;
	v5 =	vunpack.i.l.bf16.f32 v2  }
0x103: {  	v2 =	vunpack.i.u.bf16.f32 v2;
	[tilespmem:v3+s18+$0x0] =	vst.idx.msk $0xffff, v5;
	v3 =	vshll.u32 v4, v1  }
0x104: {  	[tilespmem:v0+s18+$0x0] =	vst.idx.msk $0xffff, v2;
	v0 =	vbroadcast v3, $0x0  }
0x105: {  	v2 =	vld [tilespmem:s26+$0x40]  }
0x106: {  	v3 =	vadd.s32 v30, v0  }
0x107: {  	v4 =	vadd.s32 v31, v0;
	_ =	sdelay $0x2  }
0x108: {  	v5 =	vunpack.i.l.bf16.f32 v2  }
0x109: {  	v2 =	vunpack.i.u.bf16.f32 v2;
	[tilespmem:v3+s18+$0x0] =	vst.idx.msk $0xffff, v5  }
0x10a: {  	[tilespmem:v4+s18+$0x0] =	vst.idx.msk $0xffff, v2  }
0x10b: {  	v2 =	vld [tilespmem:s26+$0x50]  }
0x10c: {  	v3 =	vadd.s32 v32, v0  }
0x10d: {  	v0 =	vadd.s32 v33, v0;
	_ =	sdelay $0x1  }
0x10e: {  	v4 =	vmov s28;
	s28 =	smov.u32 s30  }
0x10f: {  	v4 =	vshrl.u32 v4, $0x3;
	v5 =	vunpack.i.l.bf16.f32 v2  }
0x110: {  	v2 =	vunpack.i.u.bf16.f32 v2;
	[tilespmem:v3+s18+$0x0] =	vst.idx.msk $0xffff, v5;
	v3 =	vshll.u32 v4, v1  }
0x111: {  	[tilespmem:v0+s18+$0x0] =	vst.idx.msk $0xffff, v2;
	v0 =	vbroadcast v3, $0x0  }
0x112: {  	v2 =	vld [tilespmem:s26+$0x60]  }
0x113: {  	v3 =	vadd.s32 v34, v0  }
0x114: {  	v4 =	vadd.s32 v35, v0;
	_ =	sdelay $0x2  }
0x115: {  	v5 =	vunpack.i.l.bf16.f32 v2  }
0x116: {  	v2 =	vunpack.i.u.bf16.f32 v2;
	[tilespmem:v3+s18+$0x0] =	vst.idx.msk $0xffff, v5  }
0x117: {  	[tilespmem:v4+s18+$0x0] =	vst.idx.msk $0xffff, v2  }
0x118: {  	v3 =	vld [tilespmem:s26+$0x70];
	_ =	sdelay $0x2  }
0x119: {  	v4 =	vadd.s32 v36, v0  }
.Ltmp0:
0x11a: {  	v0 =	vadd.s32 v37, v0;
	(pc) =	sbr.rel @p1 .LBB2_3-.Ltmp0, $4  }
0x11b: {  	s30 =	sadd.s32 $0xFFFFFFF9, s28;
	v5 =	vunpack.i.l.bf16.f32 v3  }
0x11c: {  	v2 =	vmov s30  }
0x11d: {  	v2 =	vshrl.u32 v2, $0x3  }
0x11e: {  	v2 =	vshll.u32 v2, v1;
	v3 =	vunpack.i.u.bf16.f32 v3;
	[tilespmem:v4+s18+$0x0] =	vst.idx.msk $0xffff, v5;
	v5 =	vmov v7  }
0x11f: {  	_ =	sdelay $0x3  }
0x120: {  	v2 =	vbroadcast v2, $0x0;
	[tilespmem:v0+s18+$0x0] =	vst.idx.msk $0xffff, v3;
	s26 =	sadd.s32 $0x100, s26  }
0x121: {  	v0 =	vld [tilespmem:s26+$0xFFFFFF80]  }
0x122: {  	v3 =	vadd.s32 v6, v2  }
0x123: {  	v4 =	vadd.s32 v5, v2;
	_ =	sdelay $0x2  }
0x124: {  	v5 =	vunpack.i.l.bf16.f32 v0  }
0x125: {  	v0 =	vunpack.i.u.bf16.f32 v0;
	[tilespmem:v3+s18+$0x0] =	vst.idx.msk $0xffff, v5  }
0x126: {  	[tilespmem:v4+s18+$0x0] =	vst.idx.msk $0xffff, v0  }
0x127: {  	v0 =	vld [tilespmem:s26+$0xFFFFFF90]  }
0x128: {  	v3 =	vadd.s32 v8, v2  }
0x129: {  	v2 =	vadd.s32 v9, v2  }
0x12a: {  	s29 =	sadd.s32 $0xFFFFFFFA, s28  }
0x12b: {  	v4 =	vmov s29  }
0x12c: {  	v4 =	vshrl.u32 v4, $0x3;
	v5 =	vunpack.i.l.bf16.f32 v0  }
0x12d: {  	v0 =	vunpack.i.u.bf16.f32 v0;
	[tilespmem:v3+s18+$0x0] =	vst.idx.msk $0xffff, v5;
	v3 =	vshll.u32 v4, v1  }
0x12e: {  	[tilespmem:v2+s18+$0x0] =	vst.idx.msk $0xffff, v0;
	v0 =	vbroadcast v3, $0x0  }
0x12f: {  	v2 =	vld [tilespmem:s26+$0xFFFFFFA0]  }
0x130: {  	v3 =	vadd.s32 v10, v0  }
0x131: {  	v4 =	vadd.s32 v11, v0;
	_ =	sdelay $0x2  }
0x132: {  	v5 =	vunpack.i.l.bf16.f32 v2  }
0x133: {  	v2 =	vunpack.i.u.bf16.f32 v2;
	[tilespmem:v3+s18+$0x0] =	vst.idx.msk $0xffff, v5  }
0x134: {  	[tilespmem:v4+s18+$0x0] =	vst.idx.msk $0xffff, v2  }
0x135: {  	v2 =	vld [tilespmem:s26+$0xFFFFFFB0]  }
0x136: {  	v3 =	vadd.s32 v12, v0  }
0x137: {  	v0 =	vadd.s32 v13, v0  }
0x138: {  	s30 =	sadd.s32 $0xFFFFFFFB, s28  }
0x139: {  	v4 =	vmov s30  }
0x13a: {  	v4 =	vshrl.u32 v4, $0x3;
	v5 =	vunpack.i.l.bf16.f32 v2  }
0x13b: {  	v2 =	vunpack.i.u.bf16.f32 v2;
	[tilespmem:v3+s18+$0x0] =	vst.idx.msk $0xffff, v5;
	v3 =	vshll.u32 v4, v1  }
0x13c: {  	[tilespmem:v0+s18+$0x0] =	vst.idx.msk $0xffff, v2;
	v0 =	vbroadcast v3, $0x0  }
0x13d: {  	v2 =	vld [tilespmem:s26+$0xFFFFFFC0]  }
0x13e: {  	v3 =	vadd.s32 v14, v0  }
0x13f: {  	v4 =	vadd.s32 v15, v0;
	_ =	sdelay $0x2  }
0x140: {  	v5 =	vunpack.i.l.bf16.f32 v2  }
0x141: {  	v2 =	vunpack.i.u.bf16.f32 v2;
	[tilespmem:v3+s18+$0x0] =	vst.idx.msk $0xffff, v5  }
0x142: {  	[tilespmem:v4+s18+$0x0] =	vst.idx.msk $0xffff, v2  }
0x143: {  	v2 =	vld [tilespmem:s26+$0xFFFFFFD0]  }
0x144: {  	v3 =	vadd.s32 v16, v0  }
0x145: {  	v0 =	vadd.s32 v17, v0  }
0x146: {  	s31 =	sadd.s32 $0xFFFFFFFC, s28  }
0x147: {  	v4 =	vmov s31  }
0x148: {  	v4 =	vshrl.u32 v4, $0x3;
	v5 =	vunpack.i.l.bf16.f32 v2  }
0x149: {  	v2 =	vunpack.i.u.bf16.f32 v2;
	[tilespmem:v3+s18+$0x0] =	vst.idx.msk $0xffff, v5;
	v3 =	vshll.u32 v4, v1  }
0x14a: {  	[tilespmem:v0+s18+$0x0] =	vst.idx.msk $0xffff, v2;
	v0 =	vbroadcast v3, $0x0  }
0x14b: {  	v2 =	vld [tilespmem:s26+$0xFFFFFFE0]  }
0x14c: {  	v3 =	vadd.s32 v18, v0  }
0x14d: {  	v4 =	vadd.s32 v19, v0;
	_ =	sdelay $0x2  }
0x14e: {  	v5 =	vunpack.i.l.bf16.f32 v2  }
0x14f: {  	v2 =	vunpack.i.u.bf16.f32 v2;
	[tilespmem:v3+s18+$0x0] =	vst.idx.msk $0xffff, v5  }
0x150: {  	[tilespmem:v4+s18+$0x0] =	vst.idx.msk $0xffff, v2  }
0x151: {  	v2 =	vld [tilespmem:s26+$0xFFFFFFF0]  }
0x152: {  	v3 =	vadd.s32 v20, v0  }
0x153: {  	v0 =	vadd.s32 v21, v0  }
0x154: {  	s30 =	sadd.s32 $0xFFFFFFFD, s28  }
0x155: {  	v4 =	vmov s30  }
0x156: {  	v4 =	vshrl.u32 v4, $0x3;
	v5 =	vunpack.i.l.bf16.f32 v2  }
0x157: {  	v2 =	vunpack.i.u.bf16.f32 v2;
	[tilespmem:v3+s18+$0x0] =	vst.idx.msk $0xffff, v5;
	v3 =	vshll.u32 v4, v1  }
0x158: {  	[tilespmem:v0+s18+$0x0] =	vst.idx.msk $0xffff, v2;
	v0 =	vbroadcast v3, $0x0  }
0x159: {  	v2 =	vld [tilespmem:s26+$0x0]  }
0x15a: {  	v3 =	vadd.s32 v22, v0  }
0x15b: {  	v4 =	vadd.s32 v23, v0;
	_ =	sdelay $0x2  }
0x15c: {  	v5 =	vunpack.i.l.bf16.f32 v2  }
0x15d: {  	v2 =	vunpack.i.u.bf16.f32 v2;
	[tilespmem:v3+s18+$0x0] =	vst.idx.msk $0xffff, v5  }
0x15e: {  	[tilespmem:v4+s18+$0x0] =	vst.idx.msk $0xffff, v2  }
0x15f: {  	v2 =	vld [tilespmem:s26+$0x10]  }
0x160: {  	v3 =	vadd.s32 v24, v0  }
0x161: {  	v0 =	vadd.s32 v25, v0  }
0x162: {  	s31 =	sadd.s32 $0xFFFFFFFE, s28  }
0x163: {  	v4 =	vmov s31  }
0x164: {  	v4 =	vshrl.u32 v4, $0x3;
	v5 =	vunpack.i.l.bf16.f32 v2  }
0x165: {  	v2 =	vunpack.i.u.bf16.f32 v2;
	[tilespmem:v3+s18+$0x0] =	vst.idx.msk $0xffff, v5;
	v3 =	vshll.u32 v4, v1  }
0x166: {  	[tilespmem:v0+s18+$0x0] =	vst.idx.msk $0xffff, v2;
	v0 =	vbroadcast v3, $0x0  }
0x167: {  	v2 =	vld [tilespmem:s26+$0x20]  }
0x168: {  	v3 =	vadd.s32 v26, v0  }
0x169: {  	v4 =	vadd.s32 v27, v0;
	_ =	sdelay $0x2  }
0x16a: {  	v5 =	vunpack.i.l.bf16.f32 v2  }
0x16b: {  	v2 =	vunpack.i.u.bf16.f32 v2;
	[tilespmem:v3+s18+$0x0] =	vst.idx.msk $0xffff, v5  }
0x16c: {  	[tilespmem:v4+s18+$0x0] =	vst.idx.msk $0xffff, v2  }
0x16d: {  	v2 =	vld [tilespmem:s26+$0x30]  }
0x16e: {  	v3 =	vadd.s32 v28, v0  }
0x16f: {  	v0 =	vadd.s32 v29, v0  }
0x170: {  	s30 =	sadd.s32 $0xFFFFFFFF, s28  }
0x171: {  	v4 =	vmov s30  }
0x172: {  	v4 =	vshrl.u32 v4, $0x3;
	v5 =	vunpack.i.l.bf16.f32 v2  }
0x173: {  	v2 =	vunpack.i.u.bf16.f32 v2;
	[tilespmem:v3+s18+$0x0] =	vst.idx.msk $0xffff, v5;
	v3 =	vshll.u32 v4, v1  }
0x174: {  	[tilespmem:v0+s18+$0x0] =	vst.idx.msk $0xffff, v2;
	v0 =	vbroadcast v3, $0x0  }
0x175: {  	v2 =	vld [tilespmem:s26+$0x40]  }
0x176: {  	v3 =	vadd.s32 v30, v0  }
0x177: {  	v4 =	vadd.s32 v31, v0;
	_ =	sdelay $0x2  }
0x178: {  	v5 =	vunpack.i.l.bf16.f32 v2  }
0x179: {  	v2 =	vunpack.i.u.bf16.f32 v2;
	[tilespmem:v3+s18+$0x0] =	vst.idx.msk $0xffff, v5  }
0x17a: {  	[tilespmem:v4+s18+$0x0] =	vst.idx.msk $0xffff, v2  }
0x17b: {  	v2 =	vld [tilespmem:s26+$0x50]  }
0x17c: {  	v3 =	vadd.s32 v32, v0  }
0x17d: {  	v0 =	vadd.s32 v33, v0;
	_ =	sdelay $0x1  }
0x17e: {  	v4 =	vmov s28  }
0x17f: {  	v4 =	vshrl.u32 v4, $0x3;
	v5 =	vunpack.i.l.bf16.f32 v2  }
0x180: {  	v2 =	vunpack.i.u.bf16.f32 v2;
	[tilespmem:v3+s18+$0x0] =	vst.idx.msk $0xffff, v5;
	v3 =	vshll.u32 v4, v1  }
0x181: {  	[tilespmem:v0+s18+$0x0] =	vst.idx.msk $0xffff, v2;
	v0 =	vbroadcast v3, $0x0  }
0x182: {  	v2 =	vld [tilespmem:s26+$0x60]  }
0x183: {  	v3 =	vadd.s32 v34, v0  }
0x184: {  	v4 =	vadd.s32 v35, v0;
	_ =	sdelay $0x2  }
0x185: {  	v5 =	vunpack.i.l.bf16.f32 v2  }
0x186: {  	v2 =	vunpack.i.u.bf16.f32 v2;
	[tilespmem:v3+s18+$0x0] =	vst.idx.msk $0xffff, v5  }
0x187: {  	[tilespmem:v4+s18+$0x0] =	vst.idx.msk $0xffff, v2  }
0x188: {  	v2 =	vld [tilespmem:s26+$0x70]  }
0x189: {  	v3 =	vadd.s32 v36, v0  }
0x18a: {  	v0 =	vadd.s32 v37, v0  }
0x18b: {  	s31 =	sadd.s32 s6, s25  }
0x18c: {  	s28 =	sshll.u32 s31, $0x5  }
0x18d: {  	s28 =	sand.u32 $0x7C0, s28;
	s26 =	sshll.u32 s31, $0xB;
	v4 =	vunpack.i.l.bf16.f32 v2  }
0x18e: {  	s28 =	sadd.s32 s5, s28;
	s26 =	sand.u32 $0xFFE0000, s26;
	v2 =	vunpack.i.u.bf16.f32 v2;
	[tilespmem:v3+s18+$0x0] =	vst.idx.msk $0xffff, v4  }
0x18f: {  	s26 =	sadd.s32 s26, s28;
	s28 =	simm.s32 $0x4800;
	[tilespmem:v0+s18+$0x0] =	vst.idx.msk $0xffff, v2  }
0x190: {  	[hbm4b:s26+s2] =	stream.linear.scatter [tilespmem:s28], [sflag:$0x3], $0x100, $0x38;
	[tilespmem:$0xCC00] =	vst v63  }
0x191: {  	s28 =	simm.s32 $0x420  }
.LBB2_5:
0x192: {  	p1 =	sne.s32 s28, $0x103E0  }
.Ltmp1:
0x193: {  	_ = 	snop;
	(pc) =	sbr.rel @p1 .LBB2_5-.Ltmp1, $4  }
0x194: {  	_ = 	snop  }
0x195: {  	s29 =	sshra.s32 s28, $0x2;
	s28 =	sadd.s32 $0x420, s28  }
0x196: {  	s26 =	sadd.s32 $0x800, s26;
	s29 =	sadd.s32 $0x4800, s29  }
0x197: {  	[hbm4b:s26+s2] =	stream.linear.scatter [tilespmem:s29], [sflag:$0x3], $0x100, $0x38;
	[tilespmem:$0xCC00] =	vst v63  }
0x198: {  	p1 =	seq.s32 s23, $0x31  }
0x199: {  	s25 =	sadd.s32 @!p1 $0x2, s25  }
0x19a: {  	s26 =	sand.u32 @!p1 $0x2, s25  }
0x19b: {  	p2 =	sne.s32 @!p1 s26, $0x0  }
0x19c: {  	s25 =	sadd.s32 @!p1 s6, s25;
	p2 =	por p2, p1  }
0x19d: {  	s28 =	sshll.u32 @!p2 s25, $0x5  }
0x19e: {  	s25 =	sshll.u32 @!p1 s25, $0x8;
	s28 =	sand.u32 @!p2 $0x1FFFFF80, s28  }
0x19f: {  	s29 =	simm.s32 @!p2 $0x0;
	s25 =	sand.u32 @!p1 $0x400, s25;
	s28 =	sadd.s32 @!p2 s4, s28  }
0x1a0: {  	[tilespmem:s25], [sflag:$0x5] =	stream.linear.gather @!p2 [hbm4b:s28+s29], $0x400, $0x38;
	[tilespmem:$0xCC00] =	vst v63  }
0x1a1: {  	s28 =	simm.s32 @!p2 $0x5  }
0x1a2: {  	s26 =	sshll.u32 @!p1 s26, $0x8;
	_ =	swait.ge @!p2 [sflag:s28], $0x400  }
0x1a3: {  	s25 =	sadd.s32 @!p1 s26, s25;
	[sflag:s28] =	ssyncset.done @!p2 $0x0  }
0x1a4: {  	s26 =	simm.s32 @!p1 $0x80;
	[sflag:s28] =	ssyncadd.s32 @!p2 $0xFFFFFC00;
	s28 =	simm.s32 @!p1 $0x800  }
0x1a5: {  	[tilespmem:s28], [sflag:$0x1] =	stream.indirect.gather @!p1 [hbm4b:s0+s26], $0x20, s25, s26, $0xb8;
	[tilespmem:$0xCC00] =	vst v63  }
0x1a6: {  	s25 =	sadd.s32 @!p1 $0x80, s25;
	s28 =	simm.s32 @!p1 $0x1800  }
0x1a7: {  	[tilespmem:s28], [sflag:$0x1] =	stream.indirect.gather @!p1 [hbm4b:s0+s26], $0x20, s25, s26, $0xb8;
	[tilespmem:$0xCC00] =	vst v63  }
0x1a8: {  	_ =	swait.ge [sflag:s19], $0x1000  }
0x1a9: {  	[sflag:s19] =	ssyncset.done $0x0  }
0x1aa: {  	[sflag:s19] =	ssyncadd.s32 $0xFFFFF000  }
0x1ab: {  	_ =	swait.ge [sflag:s19], $0x1000  }
0x1ac: {  	[sflag:s19] =	ssyncset.done $0x0  }
0x1ad: {  	s26 =	simm.s32 @!p0 $0x4;
	[sflag:s19] =	ssyncadd.s32 $0xFFFFF000  }
0x1ae: {  	s29 =	simm.s32 $0x0;
	_ =	swait.ge @!p0 [sflag:s26], $0x4000  }
0x1af: {  	v0 =	vmov s29;
	v8 =	vld [tilespmem:$0x1FDC0]  }
0x1b0: {  	v0 =	vshrl.u32 v0, $0x3;
	v9 =	vld [tilespmem:$0x1FDD0]  }
0x1b1: {  	v0 =	vshll.u32 v0, v1;
	[sflag:s26] =	ssyncset.done @!p0 $0x0  }
0x1b2: {  	v0 =	vbroadcast v0, $0x0;
	s25 =	simm.s32 $0x28F0;
	[sflag:s26] =	ssyncadd.s32 @!p0 $0xFFFFC000  }
0x1b3: {  	v2 =	vld [tilespmem:s25+$0xFFFFFF10]  }
0x1b4: {  	v3 =	vadd.s32 v8, v0  }
0x1b5: {  	v4 =	vadd.s32 v9, v0;
	_ =	sdelay $0x1  }
0x1b6: {  	v10 =	vld [tilespmem:$0x1FDE0]  }
0x1b7: {  	v11 =	vld [tilespmem:$0x1FDF0];
	v5 =	vunpack.i.l.bf16.f32 v2  }
0x1b8: {  	v2 =	vunpack.i.u.bf16.f32 v2;
	[tilespmem:v3+s18+$0x0] =	vst.idx.msk $0xffff, v5  }
0x1b9: {  	[tilespmem:v4+s18+$0x0] =	vst.idx.msk $0xffff, v2  }
0x1ba: {  	v2 =	vld [tilespmem:s25+$0xFFFFFF20]  }
0x1bb: {  	v3 =	vadd.s32 v10, v0  }
0x1bc: {  	v0 =	vadd.s32 v11, v0  }
0x1bd: {  	s30 =	simm.s32 $0x1  }
0x1be: {  	v12 =	vld [tilespmem:$0x1FE00];
	v4 =	vmov s30  }
0x1bf: {  	v4 =	vshrl.u32 v4, $0x3;
	v5 =	vunpack.i.l.bf16.f32 v2  }
0x1c0: {  	v2 =	vunpack.i.u.bf16.f32 v2;
	[tilespmem:v3+s18+$0x0] =	vst.idx.msk $0xffff, v5;
	v3 =	vshll.u32 v4, v1  }
0x1c1: {  	[tilespmem:v0+s18+$0x0] =	vst.idx.msk $0xffff, v2;
	v0 =	vbroadcast v3, $0x0  }
0x1c2: {  	v2 =	vld [tilespmem:s25+$0xFFFFFF30]  }
0x1c3: {  	v3 =	vadd.s32 v12, v0  }
0x1c4: {  	v4 =	vadd.s32 v38, v0;
	_ =	sdelay $0x2  }
0x1c5: {  	v5 =	vunpack.i.l.bf16.f32 v2  }
0x1c6: {  	v2 =	vunpack.i.u.bf16.f32 v2;
	[tilespmem:v3+s18+$0x0] =	vst.idx.msk $0xffff, v5  }
0x1c7: {  	[tilespmem:v4+s18+$0x0] =	vst.idx.msk $0xffff, v2  }
0x1c8: {  	v2 =	vld [tilespmem:s25+$0xFFFFFF40]  }
0x1c9: {  	v3 =	vadd.s32 v39, v0  }
0x1ca: {  	v0 =	vadd.s32 v40, v0  }
0x1cb: {  	s31 =	simm.s32 $0x2  }
0x1cc: {  	v4 =	vmov s31  }
0x1cd: {  	v4 =	vshrl.u32 v4, $0x3;
	v5 =	vunpack.i.l.bf16.f32 v2  }
0x1ce: {  	v2 =	vunpack.i.u.bf16.f32 v2;
	[tilespmem:v3+s18+$0x0] =	vst.idx.msk $0xffff, v5;
	v3 =	vshll.u32 v4, v1  }
0x1cf: {  	[tilespmem:v0+s18+$0x0] =	vst.idx.msk $0xffff, v2;
	v0 =	vbroadcast v3, $0x0  }
0x1d0: {  	v2 =	vld [tilespmem:s25+$0xFFFFFF50]  }
0x1d1: {  	v3 =	vadd.s32 v41, v0  }
0x1d2: {  	v4 =	vadd.s32 v42, v0;
	_ =	sdelay $0x2  }
0x1d3: {  	v5 =	vunpack.i.l.bf16.f32 v2  }
0x1d4: {  	v2 =	vunpack.i.u.bf16.f32 v2;
	[tilespmem:v3+s18+$0x0] =	vst.idx.msk $0xffff, v5  }
0x1d5: {  	[tilespmem:v4+s18+$0x0] =	vst.idx.msk $0xffff, v2  }
0x1d6: {  	v2 =	vld [tilespmem:s25+$0xFFFFFF60]  }
0x1d7: {  	v3 =	vadd.s32 v43, v0  }
0x1d8: {  	v0 =	vadd.s32 v44, v0  }
0x1d9: {  	s29 =	simm.s32 $0x3  }
0x1da: {  	v4 =	vmov s29  }
0x1db: {  	v4 =	vshrl.u32 v4, $0x3;
	v5 =	vunpack.i.l.bf16.f32 v2  }
0x1dc: {  	v2 =	vunpack.i.u.bf16.f32 v2;
	[tilespmem:v3+s18+$0x0] =	vst.idx.msk $0xffff, v5;
	v3 =	vshll.u32 v4, v1  }
0x1dd: {  	[tilespmem:v0+s18+$0x0] =	vst.idx.msk $0xffff, v2;
	v0 =	vbroadcast v3, $0x0  }
0x1de: {  	v2 =	vld [tilespmem:s25+$0xFFFFFF70]  }
0x1df: {  	v3 =	vadd.s32 v45, v0  }
0x1e0: {  	v4 =	vadd.s32 v46, v0;
	_ =	sdelay $0x2  }
0x1e1: {  	v5 =	vunpack.i.l.bf16.f32 v2  }
0x1e2: {  	v2 =	vunpack.i.u.bf16.f32 v2;
	[tilespmem:v3+s18+$0x0] =	vst.idx.msk $0xffff, v5  }
0x1e3: {  	[tilespmem:v4+s18+$0x0] =	vst.idx.msk $0xffff, v2  }
0x1e4: {  	v2 =	vld [tilespmem:s25+$0xFFFFFF80]  }
0x1e5: {  	v3 =	vadd.s32 v47, v0  }
0x1e6: {  	v0 =	vadd.s32 v48, v0  }
0x1e7: {  	s30 =	simm.s32 $0x4  }
0x1e8: {  	v4 =	vmov s30  }
0x1e9: {  	v4 =	vshrl.u32 v4, $0x3;
	v5 =	vunpack.i.l.bf16.f32 v2  }
0x1ea: {  	v2 =	vunpack.i.u.bf16.f32 v2;
	[tilespmem:v3+s18+$0x0] =	vst.idx.msk $0xffff, v5;
	v3 =	vshll.u32 v4, v1  }
0x1eb: {  	[tilespmem:v0+s18+$0x0] =	vst.idx.msk $0xffff, v2;
	v0 =	vbroadcast v3, $0x0  }
0x1ec: {  	v2 =	vld [tilespmem:s25+$0xFFFFFF90]  }
0x1ed: {  	v3 =	vadd.s32 v49, v0  }
0x1ee: {  	v4 =	vadd.s32 v50, v0;
	_ =	sdelay $0x2  }
0x1ef: {  	v5 =	vunpack.i.l.bf16.f32 v2  }
0x1f0: {  	v2 =	vunpack.i.u.bf16.f32 v2;
	[tilespmem:v3+s18+$0x0] =	vst.idx.msk $0xffff, v5  }
0x1f1: {  	[tilespmem:v4+s18+$0x0] =	vst.idx.msk $0xffff, v2  }
0x1f2: {  	v2 =	vld [tilespmem:s25+$0xFFFFFFA0]  }
0x1f3: {  	v3 =	vadd.s32 v51, v0  }
0x1f4: {  	v0 =	vadd.s32 v52, v0  }
0x1f5: {  	s31 =	simm.s32 $0x5  }
0x1f6: {  	v4 =	vmov s31  }
0x1f7: {  	v4 =	vshrl.u32 v4, $0x3;
	v5 =	vunpack.i.l.bf16.f32 v2  }
0x1f8: {  	v2 =	vunpack.i.u.bf16.f32 v2;
	[tilespmem:v3+s18+$0x0] =	vst.idx.msk $0xffff, v5;
	v3 =	vshll.u32 v4, v1  }
0x1f9: {  	[tilespmem:v0+s18+$0x0] =	vst.idx.msk $0xffff, v2;
	v0 =	vbroadcast v3, $0x0  }
0x1fa: {  	v2 =	vld [tilespmem:s25+$0xFFFFFFB0]  }
0x1fb: {  	v3 =	vadd.s32 v53, v0  }
0x1fc: {  	v4 =	vadd.s32 v54, v0;
	_ =	sdelay $0x2  }
0x1fd: {  	v5 =	vunpack.i.l.bf16.f32 v2  }
0x1fe: {  	v2 =	vunpack.i.u.bf16.f32 v2;
	[tilespmem:v3+s18+$0x0] =	vst.idx.msk $0xffff, v5  }
0x1ff: {  	[tilespmem:v4+s18+$0x0] =	vst.idx.msk $0xffff, v2  }
0x200: {  	v2 =	vld [tilespmem:s25+$0xFFFFFFC0]  }
0x201: {  	v3 =	vadd.s32 v55, v0  }
0x202: {  	v0 =	vadd.s32 v56, v0  }
0x203: {  	s29 =	simm.s32 $0x6  }
0x204: {  	v4 =	vmov s29  }
0x205: {  	v4 =	vshrl.u32 v4, $0x3;
	v5 =	vunpack.i.l.bf16.f32 v2  }
0x206: {  	v2 =	vunpack.i.u.bf16.f32 v2;
	[tilespmem:v3+s18+$0x0] =	vst.idx.msk $0xffff, v5;
	v3 =	vshll.u32 v4, v1  }
0x207: {  	[tilespmem:v0+s18+$0x0] =	vst.idx.msk $0xffff, v2;
	v0 =	vbroadcast v3, $0x0  }
0x208: {  	v2 =	vld [tilespmem:s25+$0xFFFFFFD0]  }
0x209: {  	v3 =	vadd.s32 v57, v0  }
0x20a: {  	v4 =	vadd.s32 v58, v0;
	_ =	sdelay $0x2  }
0x20b: {  	v5 =	vunpack.i.l.bf16.f32 v2  }
0x20c: {  	v2 =	vunpack.i.u.bf16.f32 v2;
	[tilespmem:v3+s18+$0x0] =	vst.idx.msk $0xffff, v5  }
0x20d: {  	[tilespmem:v4+s18+$0x0] =	vst.idx.msk $0xffff, v2  }
0x20e: {  	v2 =	vld [tilespmem:s25+$0xFFFFFFE0]  }
0x20f: {  	v3 =	vadd.s32 v59, v0  }
0x210: {  	v0 =	vadd.s32 v60, v0  }
0x211: {  	s30 =	simm.s32 $0x7  }
0x212: {  	v4 =	vmov s30  }
0x213: {  	v4 =	vshrl.u32 v4, $0x3;
	v5 =	vunpack.i.l.bf16.f32 v2  }
0x214: {  	v2 =	vunpack.i.u.bf16.f32 v2;
	[tilespmem:v3+s18+$0x0] =	vst.idx.msk $0xffff, v5;
	v3 =	vshll.u32 v4, v1  }
0x215: {  	[tilespmem:v0+s18+$0x0] =	vst.idx.msk $0xffff, v2;
	v2 =	vbroadcast v3, $0x0  }
0x216: {  	v0 =	vld [tilespmem:s25+$0xFFFFFFF0]  }
0x217: {  	v3 =	vadd.s32 v61, v2  }
0x218: {  	v4 =	vadd.s32 v62, v2;
	_ =	sdelay $0x2  }
0x219: {  	v5 =	vunpack.i.l.bf16.f32 v0  }
0x21a: {  	v0 =	vunpack.i.u.bf16.f32 v0;
	[tilespmem:v3+s18+$0x0] =	vst.idx.msk $0xffff, v5  }
0x21b: {  	[tilespmem:v4+s18+$0x0] =	vst.idx.msk $0xffff, v0  }
0x21c: {  	v4 =	vld [tilespmem:s25+$0x0]  }
0x21d: {  	v13 =	vadd.s32 v63, v2  }
0x21e: {  	v0 =	vadd.s32 $0x640F, v6  }
0x21f: {  	s31 =	simm.s32 $0x8;
	v2 =	vadd.s32 v0, v2  }
0x220: {  	v3 =	vmov s31  }
0x221: {  	v3 =	vshrl.u32 v3, $0x3;
	v5 =	vunpack.i.l.bf16.f32 v4  }
0x222: {  	s28 =	simm.s32 $0x17;
	s26 =	simm.s32 $0xF;
	v3 =	vshll.u32 v3, v1;
	v4 =	vunpack.i.u.bf16.f32 v4;
	[tilespmem:v13+s18+$0x0] =	vst.idx.msk $0xffff, v5  }
.LBB2_7:
0x223: {  	p0 =	sne.s32 s28, $0xFF  }
0x224: {  	v3 =	vbroadcast v3, $0x0;
	[tilespmem:v2+s18+$0x0] =	vst.idx.msk $0xffff, v4;
	s25 =	sadd.s32 $0x100, s25;
	s29 =	smov.u32 s28;
	s28 =	sadd.s32 $0x8, s28  }
0x225: {  	v2 =	vld [tilespmem:s25+$0xFFFFFF10]  }
0x226: {  	v4 =	vadd.s32 v8, v3  }
0x227: {  	v5 =	vadd.s32 v9, v3;
	_ =	sdelay $0x2  }
0x228: {  	v6 =	vunpack.i.l.bf16.f32 v2  }
0x229: {  	v2 =	vunpack.i.u.bf16.f32 v2;
	[tilespmem:v4+s18+$0x0] =	vst.idx.msk $0xffff, v6  }
0x22a: {  	[tilespmem:v5+s18+$0x0] =	vst.idx.msk $0xffff, v2  }
0x22b: {  	v2 =	vld [tilespmem:s25+$0xFFFFFF20]  }
0x22c: {  	v4 =	vadd.s32 v10, v3  }
0x22d: {  	v3 =	vadd.s32 v11, v3  }
0x22e: {  	s30 =	sadd.s32 $0xFFFFFFFA, s26  }
0x22f: {  	v5 =	vmov s30  }
0x230: {  	v5 =	vshrl.u32 v5, $0x3;
	v6 =	vunpack.i.l.bf16.f32 v2  }
0x231: {  	v2 =	vunpack.i.u.bf16.f32 v2;
	[tilespmem:v4+s18+$0x0] =	vst.idx.msk $0xffff, v6;
	v4 =	vshll.u32 v5, v1  }
0x232: {  	[tilespmem:v3+s18+$0x0] =	vst.idx.msk $0xffff, v2;
	v2 =	vbroadcast v4, $0x0  }
0x233: {  	v3 =	vld [tilespmem:s25+$0xFFFFFF30]  }
0x234: {  	v4 =	vadd.s32 v12, v2  }
0x235: {  	v5 =	vadd.s32 v38, v2;
	_ =	sdelay $0x2  }
0x236: {  	v6 =	vunpack.i.l.bf16.f32 v3  }
0x237: {  	v3 =	vunpack.i.u.bf16.f32 v3;
	[tilespmem:v4+s18+$0x0] =	vst.idx.msk $0xffff, v6  }
0x238: {  	[tilespmem:v5+s18+$0x0] =	vst.idx.msk $0xffff, v3  }
0x239: {  	v3 =	vld [tilespmem:s25+$0xFFFFFF40]  }
0x23a: {  	v4 =	vadd.s32 v39, v2  }
0x23b: {  	v2 =	vadd.s32 v40, v2  }
0x23c: {  	s30 =	sadd.s32 $0xFFFFFFFB, s26  }
0x23d: {  	v5 =	vmov s30  }
0x23e: {  	v5 =	vshrl.u32 v5, $0x3;
	v6 =	vunpack.i.l.bf16.f32 v3  }
0x23f: {  	v3 =	vunpack.i.u.bf16.f32 v3;
	[tilespmem:v4+s18+$0x0] =	vst.idx.msk $0xffff, v6;
	v4 =	vshll.u32 v5, v1  }
0x240: {  	[tilespmem:v2+s18+$0x0] =	vst.idx.msk $0xffff, v3;
	v2 =	vbroadcast v4, $0x0  }
0x241: {  	v3 =	vld [tilespmem:s25+$0xFFFFFF50]  }
0x242: {  	v4 =	vadd.s32 v41, v2  }
0x243: {  	v5 =	vadd.s32 v42, v2;
	_ =	sdelay $0x2  }
0x244: {  	v6 =	vunpack.i.l.bf16.f32 v3  }
0x245: {  	v3 =	vunpack.i.u.bf16.f32 v3;
	[tilespmem:v4+s18+$0x0] =	vst.idx.msk $0xffff, v6  }
0x246: {  	[tilespmem:v5+s18+$0x0] =	vst.idx.msk $0xffff, v3  }
0x247: {  	v3 =	vld [tilespmem:s25+$0xFFFFFF60]  }
0x248: {  	v4 =	vadd.s32 v43, v2  }
0x249: {  	v2 =	vadd.s32 v44, v2  }
0x24a: {  	s30 =	sadd.s32 $0xFFFFFFFC, s26  }
0x24b: {  	v5 =	vmov s30  }
0x24c: {  	v5 =	vshrl.u32 v5, $0x3;
	v6 =	vunpack.i.l.bf16.f32 v3  }
0x24d: {  	v3 =	vunpack.i.u.bf16.f32 v3;
	[tilespmem:v4+s18+$0x0] =	vst.idx.msk $0xffff, v6;
	v4 =	vshll.u32 v5, v1  }
0x24e: {  	[tilespmem:v2+s18+$0x0] =	vst.idx.msk $0xffff, v3;
	v2 =	vbroadcast v4, $0x0  }
0x24f: {  	v3 =	vld [tilespmem:s25+$0xFFFFFF70]  }
0x250: {  	v4 =	vadd.s32 v45, v2  }
0x251: {  	v5 =	vadd.s32 v46, v2;
	_ =	sdelay $0x2  }
0x252: {  	v6 =	vunpack.i.l.bf16.f32 v3  }
0x253: {  	v3 =	vunpack.i.u.bf16.f32 v3;
	[tilespmem:v4+s18+$0x0] =	vst.idx.msk $0xffff, v6  }
0x254: {  	[tilespmem:v5+s18+$0x0] =	vst.idx.msk $0xffff, v3  }
0x255: {  	v3 =	vld [tilespmem:s25+$0xFFFFFF80]  }
0x256: {  	v4 =	vadd.s32 v47, v2  }
0x257: {  	v2 =	vadd.s32 v48, v2  }
0x258: {  	s30 =	sadd.s32 $0xFFFFFFFD, s26  }
0x259: {  	v5 =	vmov s30  }
0x25a: {  	v5 =	vshrl.u32 v5, $0x3;
	v6 =	vunpack.i.l.bf16.f32 v3  }
0x25b: {  	v3 =	vunpack.i.u.bf16.f32 v3;
	[tilespmem:v4+s18+$0x0] =	vst.idx.msk $0xffff, v6;
	v4 =	vshll.u32 v5, v1  }
0x25c: {  	[tilespmem:v2+s18+$0x0] =	vst.idx.msk $0xffff, v3;
	v2 =	vbroadcast v4, $0x0  }
0x25d: {  	v3 =	vld [tilespmem:s25+$0xFFFFFF90]  }
0x25e: {  	v4 =	vadd.s32 v49, v2  }
0x25f: {  	v5 =	vadd.s32 v50, v2;
	_ =	sdelay $0x2  }
0x260: {  	v6 =	vunpack.i.l.bf16.f32 v3  }
0x261: {  	v3 =	vunpack.i.u.bf16.f32 v3;
	[tilespmem:v4+s18+$0x0] =	vst.idx.msk $0xffff, v6  }
0x262: {  	[tilespmem:v5+s18+$0x0] =	vst.idx.msk $0xffff, v3  }
0x263: {  	v3 =	vld [tilespmem:s25+$0xFFFFFFA0]  }
0x264: {  	v4 =	vadd.s32 v51, v2  }
0x265: {  	v2 =	vadd.s32 v52, v2  }
0x266: {  	s30 =	sadd.s32 $0xFFFFFFFE, s26  }
0x267: {  	v5 =	vmov s30  }
0x268: {  	v5 =	vshrl.u32 v5, $0x3;
	v6 =	vunpack.i.l.bf16.f32 v3  }
0x269: {  	v3 =	vunpack.i.u.bf16.f32 v3;
	[tilespmem:v4+s18+$0x0] =	vst.idx.msk $0xffff, v6;
	v4 =	vshll.u32 v5, v1  }
0x26a: {  	[tilespmem:v2+s18+$0x0] =	vst.idx.msk $0xffff, v3;
	v2 =	vbroadcast v4, $0x0  }
0x26b: {  	v3 =	vld [tilespmem:s25+$0xFFFFFFB0]  }
0x26c: {  	v4 =	vadd.s32 v53, v2  }
0x26d: {  	v5 =	vadd.s32 v54, v2;
	_ =	sdelay $0x2  }
0x26e: {  	v6 =	vunpack.i.l.bf16.f32 v3  }
0x26f: {  	v3 =	vunpack.i.u.bf16.f32 v3;
	[tilespmem:v4+s18+$0x0] =	vst.idx.msk $0xffff, v6  }
0x270: {  	[tilespmem:v5+s18+$0x0] =	vst.idx.msk $0xffff, v3  }
0x271: {  	v3 =	vld [tilespmem:s25+$0xFFFFFFC0]  }
0x272: {  	v4 =	vadd.s32 v55, v2  }
0x273: {  	v2 =	vadd.s32 v56, v2  }
0x274: {  	s30 =	sadd.s32 $0xFFFFFFFF, s26  }
0x275: {  	v5 =	vmov s30  }
0x276: {  	v5 =	vshrl.u32 v5, $0x3;
	v6 =	vunpack.i.l.bf16.f32 v3  }
0x277: {  	v3 =	vunpack.i.u.bf16.f32 v3;
	[tilespmem:v4+s18+$0x0] =	vst.idx.msk $0xffff, v6;
	v4 =	vshll.u32 v5, v1  }
0x278: {  	[tilespmem:v2+s18+$0x0] =	vst.idx.msk $0xffff, v3;
	v2 =	vbroadcast v4, $0x0  }
0x279: {  	v3 =	vld [tilespmem:s25+$0xFFFFFFD0]  }
0x27a: {  	v4 =	vadd.s32 v57, v2  }
0x27b: {  	v5 =	vadd.s32 v58, v2;
	_ =	sdelay $0x2  }
0x27c: {  	v6 =	vunpack.i.l.bf16.f32 v3  }
0x27d: {  	v3 =	vunpack.i.u.bf16.f32 v3;
	[tilespmem:v4+s18+$0x0] =	vst.idx.msk $0xffff, v6  }
0x27e: {  	[tilespmem:v5+s18+$0x0] =	vst.idx.msk $0xffff, v3  }
0x27f: {  	v3 =	vld [tilespmem:s25+$0xFFFFFFE0]  }
0x280: {  	v4 =	vadd.s32 v59, v2  }
0x281: {  	v2 =	vadd.s32 v60, v2;
	_ =	sdelay $0x1  }
0x282: {  	v5 =	vmov s26;
	s26 =	smov.u32 s29  }
0x283: {  	v5 =	vshrl.u32 v5, $0x3;
	v6 =	vunpack.i.l.bf16.f32 v3  }
0x284: {  	v3 =	vunpack.i.u.bf16.f32 v3;
	[tilespmem:v4+s18+$0x0] =	vst.idx.msk $0xffff, v6;
	v4 =	vshll.u32 v5, v1  }
0x285: {  	[tilespmem:v2+s18+$0x0] =	vst.idx.msk $0xffff, v3;
	v2 =	vbroadcast v4, $0x0  }
0x286: {  	v3 =	vld [tilespmem:s25+$0xFFFFFFF0]  }
0x287: {  	v4 =	vadd.s32 v61, v2  }
0x288: {  	v5 =	vadd.s32 v62, v2;
	_ =	sdelay $0x2  }
0x289: {  	v6 =	vunpack.i.l.bf16.f32 v3  }
0x28a: {  	v3 =	vunpack.i.u.bf16.f32 v3;
	[tilespmem:v4+s18+$0x0] =	vst.idx.msk $0xffff, v6  }
0x28b: {  	[tilespmem:v5+s18+$0x0] =	vst.idx.msk $0xffff, v3  }
0x28c: {  	v4 =	vld [tilespmem:s25+$0x0]  }
0x28d: {  	v5 =	vadd.s32 v63, v2  }
.Ltmp2:
0x28e: {  	v2 =	vadd.s32 v0, v2;
	(pc) =	sbr.rel @p0 .LBB2_7-.Ltmp2, $4  }
0x28f: {  	s29 =	sadd.s32 $0xFFFFFFF9, s26  }
0x290: {  	v3 =	vmov s29  }
0x291: {  	v3 =	vshrl.u32 v3, $0x3;
	v6 =	vunpack.i.l.bf16.f32 v4  }
0x292: {  	v3 =	vshll.u32 v3, v1;
	v4 =	vunpack.i.u.bf16.f32 v4;
	[tilespmem:v5+s18+$0x0] =	vst.idx.msk $0xffff, v6  }
0x293: {  	_ =	sdelay $0x3  }
0x294: {  	v3 =	vbroadcast v3, $0x0;
	[tilespmem:v2+s18+$0x0] =	vst.idx.msk $0xffff, v4;
	s25 =	sadd.s32 $0x100, s25  }
0x295: {  	v2 =	vld [tilespmem:s25+$0xFFFFFF10]  }
0x296: {  	v4 =	vadd.s32 v8, v3  }
0x297: {  	v5 =	vadd.s32 v9, v3;
	_ =	sdelay $0x2  }
0x298: {  	v6 =	vunpack.i.l.bf16.f32 v2  }
0x299: {  	v2 =	vunpack.i.u.bf16.f32 v2;
	[tilespmem:v4+s18+$0x0] =	vst.idx.msk $0xffff, v6  }
0x29a: {  	[tilespmem:v5+s18+$0x0] =	vst.idx.msk $0xffff, v2  }
0x29b: {  	v2 =	vld [tilespmem:s25+$0xFFFFFF20]  }
0x29c: {  	v4 =	vadd.s32 v10, v3  }
0x29d: {  	v3 =	vadd.s32 v11, v3  }
0x29e: {  	s28 =	sadd.s32 $0xFFFFFFFA, s26  }
0x29f: {  	v5 =	vmov s28  }
0x2a0: {  	v5 =	vshrl.u32 v5, $0x3;
	v6 =	vunpack.i.l.bf16.f32 v2  }
0x2a1: {  	v2 =	vunpack.i.u.bf16.f32 v2;
	[tilespmem:v4+s18+$0x0] =	vst.idx.msk $0xffff, v6;
	v4 =	vshll.u32 v5, v1  }
0x2a2: {  	[tilespmem:v3+s18+$0x0] =	vst.idx.msk $0xffff, v2;
	v2 =	vbroadcast v4, $0x0  }
0x2a3: {  	v3 =	vld [tilespmem:s25+$0xFFFFFF30]  }
0x2a4: {  	v4 =	vadd.s32 v12, v2  }
0x2a5: {  	v5 =	vadd.s32 v38, v2;
	_ =	sdelay $0x2  }
0x2a6: {  	v6 =	vunpack.i.l.bf16.f32 v3  }
0x2a7: {  	v3 =	vunpack.i.u.bf16.f32 v3;
	[tilespmem:v4+s18+$0x0] =	vst.idx.msk $0xffff, v6  }
0x2a8: {  	[tilespmem:v5+s18+$0x0] =	vst.idx.msk $0xffff, v3  }
0x2a9: {  	v3 =	vld [tilespmem:s25+$0xFFFFFF40]  }
0x2aa: {  	v4 =	vadd.s32 v39, v2  }
0x2ab: {  	v2 =	vadd.s32 v40, v2  }
0x2ac: {  	s30 =	sadd.s32 $0xFFFFFFFB, s26  }
0x2ad: {  	v5 =	vmov s30  }
0x2ae: {  	v5 =	vshrl.u32 v5, $0x3;
	v6 =	vunpack.i.l.bf16.f32 v3  }
0x2af: {  	v3 =	vunpack.i.u.bf16.f32 v3;
	[tilespmem:v4+s18+$0x0] =	vst.idx.msk $0xffff, v6;
	v4 =	vshll.u32 v5, v1  }
0x2b0: {  	[tilespmem:v2+s18+$0x0] =	vst.idx.msk $0xffff, v3;
	v2 =	vbroadcast v4, $0x0  }
0x2b1: {  	v3 =	vld [tilespmem:s25+$0xFFFFFF50]  }
0x2b2: {  	v4 =	vadd.s32 v41, v2  }
0x2b3: {  	v5 =	vadd.s32 v42, v2;
	_ =	sdelay $0x2  }
0x2b4: {  	v6 =	vunpack.i.l.bf16.f32 v3  }
0x2b5: {  	v3 =	vunpack.i.u.bf16.f32 v3;
	[tilespmem:v4+s18+$0x0] =	vst.idx.msk $0xffff, v6  }
0x2b6: {  	[tilespmem:v5+s18+$0x0] =	vst.idx.msk $0xffff, v3  }
0x2b7: {  	v3 =	vld [tilespmem:s25+$0xFFFFFF60]  }
0x2b8: {  	v4 =	vadd.s32 v43, v2  }
0x2b9: {  	v2 =	vadd.s32 v44, v2  }
0x2ba: {  	s31 =	sadd.s32 $0xFFFFFFFC, s26  }
0x2bb: {  	v5 =	vmov s31  }
0x2bc: {  	v5 =	vshrl.u32 v5, $0x3;
	v6 =	vunpack.i.l.bf16.f32 v3  }
0x2bd: {  	v3 =	vunpack.i.u.bf16.f32 v3;
	[tilespmem:v4+s18+$0x0] =	vst.idx.msk $0xffff, v6;
	v4 =	vshll.u32 v5, v1  }
0x2be: {  	[tilespmem:v2+s18+$0x0] =	vst.idx.msk $0xffff, v3;
	v2 =	vbroadcast v4, $0x0  }
0x2bf: {  	v3 =	vld [tilespmem:s25+$0xFFFFFF70]  }
0x2c0: {  	v4 =	vadd.s32 v45, v2  }
0x2c1: {  	v5 =	vadd.s32 v46, v2;
	_ =	sdelay $0x2  }
0x2c2: {  	v6 =	vunpack.i.l.bf16.f32 v3  }
0x2c3: {  	v3 =	vunpack.i.u.bf16.f32 v3;
	[tilespmem:v4+s18+$0x0] =	vst.idx.msk $0xffff, v6  }
0x2c4: {  	[tilespmem:v5+s18+$0x0] =	vst.idx.msk $0xffff, v3  }
0x2c5: {  	v3 =	vld [tilespmem:s25+$0xFFFFFF80]  }
0x2c6: {  	v4 =	vadd.s32 v47, v2  }
0x2c7: {  	v2 =	vadd.s32 v48, v2  }
0x2c8: {  	s29 =	sadd.s32 $0xFFFFFFFD, s26  }
0x2c9: {  	v5 =	vmov s29  }
0x2ca: {  	v5 =	vshrl.u32 v5, $0x3;
	v6 =	vunpack.i.l.bf16.f32 v3  }
0x2cb: {  	v3 =	vunpack.i.u.bf16.f32 v3;
	[tilespmem:v4+s18+$0x0] =	vst.idx.msk $0xffff, v6;
	v4 =	vshll.u32 v5, v1  }
0x2cc: {  	[tilespmem:v2+s18+$0x0] =	vst.idx.msk $0xffff, v3;
	v2 =	vbroadcast v4, $0x0  }
0x2cd: {  	v3 =	vld [tilespmem:s25+$0xFFFFFF90]  }
0x2ce: {  	v4 =	vadd.s32 v49, v2  }
0x2cf: {  	v5 =	vadd.s32 v50, v2;
	_ =	sdelay $0x2  }
0x2d0: {  	v6 =	vunpack.i.l.bf16.f32 v3  }
0x2d1: {  	v3 =	vunpack.i.u.bf16.f32 v3;
	[tilespmem:v4+s18+$0x0] =	vst.idx.msk $0xffff, v6  }
0x2d2: {  	[tilespmem:v5+s18+$0x0] =	vst.idx.msk $0xffff, v3  }
0x2d3: {  	v3 =	vld [tilespmem:s25+$0xFFFFFFA0]  }
0x2d4: {  	v4 =	vadd.s32 v51, v2  }
0x2d5: {  	v2 =	vadd.s32 v52, v2  }
0x2d6: {  	s30 =	sadd.s32 $0xFFFFFFFE, s26  }
0x2d7: {  	v5 =	vmov s30  }
0x2d8: {  	v5 =	vshrl.u32 v5, $0x3;
	v6 =	vunpack.i.l.bf16.f32 v3  }
0x2d9: {  	v3 =	vunpack.i.u.bf16.f32 v3;
	[tilespmem:v4+s18+$0x0] =	vst.idx.msk $0xffff, v6;
	v4 =	vshll.u32 v5, v1  }
0x2da: {  	[tilespmem:v2+s18+$0x0] =	vst.idx.msk $0xffff, v3;
	v2 =	vbroadcast v4, $0x0  }
0x2db: {  	v3 =	vld [tilespmem:s25+$0xFFFFFFB0]  }
0x2dc: {  	v4 =	vadd.s32 v53, v2  }
0x2dd: {  	v5 =	vadd.s32 v54, v2;
	_ =	sdelay $0x2  }
0x2de: {  	v6 =	vunpack.i.l.bf16.f32 v3  }
0x2df: {  	v3 =	vunpack.i.u.bf16.f32 v3;
	[tilespmem:v4+s18+$0x0] =	vst.idx.msk $0xffff, v6  }
0x2e0: {  	[tilespmem:v5+s18+$0x0] =	vst.idx.msk $0xffff, v3  }
0x2e1: {  	v3 =	vld [tilespmem:s25+$0xFFFFFFC0]  }
0x2e2: {  	v4 =	vadd.s32 v55, v2  }
0x2e3: {  	v2 =	vadd.s32 v56, v2  }
0x2e4: {  	s31 =	sadd.s32 $0xFFFFFFFF, s26  }
0x2e5: {  	v5 =	vmov s31  }
0x2e6: {  	v5 =	vshrl.u32 v5, $0x3;
	v6 =	vunpack.i.l.bf16.f32 v3  }
0x2e7: {  	v3 =	vunpack.i.u.bf16.f32 v3;
	[tilespmem:v4+s18+$0x0] =	vst.idx.msk $0xffff, v6;
	v4 =	vshll.u32 v5, v1  }
0x2e8: {  	[tilespmem:v2+s18+$0x0] =	vst.idx.msk $0xffff, v3;
	v2 =	vbroadcast v4, $0x0  }
0x2e9: {  	v3 =	vld [tilespmem:s25+$0xFFFFFFD0]  }
0x2ea: {  	v4 =	vadd.s32 v57, v2  }
0x2eb: {  	v5 =	vadd.s32 v58, v2;
	_ =	sdelay $0x2  }
0x2ec: {  	v6 =	vunpack.i.l.bf16.f32 v3  }
0x2ed: {  	v3 =	vunpack.i.u.bf16.f32 v3;
	[tilespmem:v4+s18+$0x0] =	vst.idx.msk $0xffff, v6  }
0x2ee: {  	[tilespmem:v5+s18+$0x0] =	vst.idx.msk $0xffff, v3  }
0x2ef: {  	v3 =	vld [tilespmem:s25+$0xFFFFFFE0]  }
0x2f0: {  	v4 =	vadd.s32 v59, v2  }
0x2f1: {  	v2 =	vadd.s32 v60, v2;
	_ =	sdelay $0x1  }
0x2f2: {  	v5 =	vmov s26  }
0x2f3: {  	v5 =	vshrl.u32 v5, $0x3;
	v6 =	vunpack.i.l.bf16.f32 v3  }
0x2f4: {  	v3 =	vunpack.i.u.bf16.f32 v3;
	[tilespmem:v4+s18+$0x0] =	vst.idx.msk $0xffff, v6;
	v4 =	vshll.u32 v5, v1  }
0x2f5: {  	[tilespmem:v2+s18+$0x0] =	vst.idx.msk $0xffff, v3;
	v2 =	vbroadcast v4, $0x0  }
0x2f6: {  	v3 =	vld [tilespmem:s25+$0xFFFFFFF0]  }
0x2f7: {  	v4 =	vadd.s32 v61, v2  }
0x2f8: {  	v5 =	vadd.s32 v62, v2;
	_ =	sdelay $0x2  }
0x2f9: {  	v6 =	vunpack.i.l.bf16.f32 v3  }
0x2fa: {  	v3 =	vunpack.i.u.bf16.f32 v3;
	[tilespmem:v4+s18+$0x0] =	vst.idx.msk $0xffff, v6  }
0x2fb: {  	[tilespmem:v5+s18+$0x0] =	vst.idx.msk $0xffff, v3  }
0x2fc: {  	v3 =	vld [tilespmem:s25+$0x0]  }
0x2fd: {  	v4 =	vadd.s32 v63, v2  }
0x2fe: {  	v0 =	vadd.s32 v0, v2;
	_ =	sdelay $0x1  }
0x2ff: {  	s29 =	sshll.u32 s24, $0x5  }
0x300: {  	s30 =	sshll.u32 s24, $0xB;
	s25 =	sand.u32 $0x7E0, s29;
	v2 =	vunpack.i.l.bf16.f32 v3  }
0x301: {  	s24 =	sand.u32 $0xFFE0000, s30;
	s25 =	sadd.s32 s5, s25;
	v3 =	vunpack.i.u.bf16.f32 v3;
	[tilespmem:v4+s18+$0x0] =	vst.idx.msk $0xffff, v2  }
0x302: {  	s31 =	simm.s32 $0x8A00;
	s24 =	sadd.s32 s24, s25;
	s25 =	simm.s32 $0x420;
	[tilespmem:v0+s18+$0x0] =	vst.idx.msk $0xffff, v3  }
0x303: {  	[hbm4b:s24+s2] =	stream.linear.scatter [tilespmem:s31], [sflag:$0x4], $0x100, $0x38;
	[tilespmem:$0xCC00] =	vst v63  }
.LBB2_9:
0x304: {  	p0 =	sne.s32 s25, $0x103E0  }
.Ltmp3:
0x305: {  	_ = 	snop;
	(pc) =	sbr.rel @p0 .LBB2_9-.Ltmp3, $4  }
0x306: {  	_ = 	snop  }
0x307: {  	s26 =	sshra.s32 s25, $0x2;
	s25 =	sadd.s32 $0x420, s25  }
0x308: {  	s24 =	sadd.s32 $0x800, s24;
	s26 =	sadd.s32 $0x8A00, s26  }
0x309: {  	[hbm4b:s24+s2] =	stream.linear.scatter [tilespmem:s26], [sflag:$0x4], $0x100, $0x38;
	[tilespmem:$0xCC00] =	vst v63  }
0x30a: {  	v6 =	vld [tilespmem:$0x1FE10]  }
0x30b: {  	v8 =	vld [tilespmem:$0x1FE20]  }
0x30c: {  	v9 =	vld [tilespmem:$0x1FE30]  }
0x30d: {  	v10 =	vld [tilespmem:$0x1FE40]  }
0x30e: {  	v11 =	vld [tilespmem:$0x1FE50]  }
0x30f: {  	v12 =	vld [tilespmem:$0x1FE60]  }
0x310: {  	v13 =	vld [tilespmem:$0x1FE70]  }
0x311: {  	v14 =	vld [tilespmem:$0x1FE80]  }
0x312: {  	v15 =	vld [tilespmem:$0x1FE90]  }
0x313: {  	v16 =	vld [tilespmem:$0x1FEA0]  }
0x314: {  	v17 =	vld [tilespmem:$0x1FEB0]  }
0x315: {  	v18 =	vld [tilespmem:$0x1FEC0]  }
0x316: {  	v19 =	vld [tilespmem:$0x1FED0]  }
0x317: {  	v20 =	vld [tilespmem:$0x1FEE0]  }
0x318: {  	v21 =	vld [tilespmem:$0x1FEF0]  }
0x319: {  	v22 =	vld [tilespmem:$0x1FF00]  }
0x31a: {  	v23 =	vld [tilespmem:$0x1FF10]  }
0x31b: {  	v24 =	vld [tilespmem:$0x1FF20]  }
0x31c: {  	v25 =	vld [tilespmem:$0x1FF30]  }
0x31d: {  	v26 =	vld [tilespmem:$0x1FF40]  }
0x31e: {  	v27 =	vld [tilespmem:$0x1FF50]  }
0x31f: {  	v28 =	vld [tilespmem:$0x1FF60]  }
0x320: {  	v29 =	vld [tilespmem:$0x1FF70]  }
0x321: {  	v30 =	vld [tilespmem:$0x1FF80]  }
0x322: {  	s23 =	sadd.s32 $0x1, s23;
	v31 =	vld [tilespmem:$0x1FF90]  }
0x323: {  	v32 =	vld [tilespmem:$0x1FFA0];
	p0 =	sne.s32 s23, $0x32  }
.Ltmp4:
0x324: {  	v33 =	vld [tilespmem:$0x1FFB0];
	(pc) =	sbr.rel @p0 .LBB2_2-.Ltmp4, $4  }
0x325: {  	v34 =	vld [tilespmem:$0x1FFC0]  }
0x326: {  	v35 =	vld [tilespmem:$0x1FFD0]  }
0x327: {  	v36 =	vld [tilespmem:$0x1FFE0]  }
0x328: {  	v5 =	vmov v7;
	v37 =	vld [tilespmem:$0x1FFF0]  }
0x329: {  	s22 =	sadd.s32 $0x1, s22  }
0x32a: {  	_ =	swait.ge [sflag:s20], $0x4000;
	p0 =	sne.s32 s22, s10  }
.Ltmp5:
0x32b: {  	[sflag:s20] =	ssyncset.done $0x0;
	(pc) =	sbr.rel @p0 .LBB2_1-.Ltmp5, $4  }
0x32c: {  	[sflag:s20] =	ssyncadd.s32 $0xFFFFC000  }
0x32d: {  	_ =	swait.ge [sflag:s21], $0x4000  }
0x32e: {  	[sflag:s21] =	ssyncset.done $0x0  }
0x32f: {  	[sflag:s21] =	ssyncadd.s32 $0xFFFFC000  }
0x330: {  	_ =	sfence.sel $0x180000  }
0x331: {  	[bflag:$0x0] =	sbarrier.arrive $0xFFFF  }
0x332: {  	p0 =	sne.s32 s3, $0x0;
	_ =	strace $0x90000047  }
0x333: {  	s0 =	sadd.s32 @!p0 $0x100000, s1;
	[bflag:$0x2] =	sbarrier.arrive $0xFFFF  }
0x334: {  	[sflag:s0] =	ssyncadd.tile.s32 @!p0 $0x1;
	_ =	shalt  }
.Lfunc_end2:
_tile_overlayer_lowered:
.L_overlay_start_2:
0x335: {  	(tag) =	ssettag $0x2  }
0x336: {  	s0 =	rddreg [dreg:$0x0];
	s2 =	stileid.u32  }
0x337: {  	s1 =	rddreg [dreg:$0x1];
	p0 =	sne.s32 s2, $0x0  }
0x338: {  	s3 =	rddreg [dreg:$0x2];
	[bflag:$0x3] =	sbarrier.arrive $0xFFFF;
	s2 =	simm.s32 @!p0 $0x1C05  }
0x339: {  	[timem:s3], [sflag:s2] =	dma.local @!p0 [hbm:s0], s1  }
0x33a: {  	s0 =	simm.s32 @!p0 $0x5  }
0x33b: {  	_ =	swait.ge @!p0 [sflag:s0], s1  }
0x33c: {  	s1 =	ssub.s32 @!p0 $0x0, s1;
	[sflag:s0] =	ssyncset.done @!p0 $0x0  }
0x33d: {  	[sflag:s0] =	ssyncadd.s32 @!p0 s1  }
0x33e: {  	[bflag:$0x3] =	sbarrier.arrive $0xFFFF  }
0x33f: {  	_ =	shalt  }

</sc_bundles>
